<compile_context>
chip_gen: v7x
topology: tpu7x:2x2x1
jax: 0.10.2.dev20260603
libtpu: 0.0.44.dev20260713+nightly
codegen_flags: <defaults>
</compile_context>

<pallas_src>
import functools
import math

import jax
import jax.numpy as jnp
from jax import lax
from jax.experimental import pallas as pl
from jax.experimental.pallas import tpu as pltpu
from jax.experimental.pallas import tpu_sc as plsc

_LANES = 16
_PACK = 4


@functools.lru_cache(maxsize=None)
def _make_sc_embed(nw, seq_len, batch, n_super, d, scale):
    mesh = plsc.VectorSubcoreMesh(core_axis_name="c", subcore_axis_name="s")
    clen = batch // nw
    vregs_per_row = d // _LANES
    wide = _PACK * d
    groups = clen // _LANES
    assert seq_len % 2 == 0 and clen % _LANES == 0

    @functools.partial(
        pl.kernel,
        out_type=jax.ShapeDtypeStruct((seq_len, batch, d), jnp.float32),
        mesh=mesh,
        scratch_types=[
            pltpu.VMEM((seq_len, clen), jnp.int32),
            pltpu.VMEM((2, clen), jnp.int32),
            pltpu.VMEM((2, clen, wide), jnp.float32),
            pltpu.VMEM((2, clen, d), jnp.float32),
            pltpu.VMEM((seq_len, d), jnp.float32),
            pltpu.SemaphoreType.DMA,
            pltpu.SemaphoreType.DMA,
            pltpu.SemaphoreType.DMA,
            pltpu.SemaphoreType.DMA,
        ],
    )
    def sc_embed(seq_hbm, table_hbm, pos_hbm, out_hbm,
                 idx_v, sup_v, rows_v, out_v, pos_v, g0, g1, o0, o1):
        wid = lax.axis_index("s") * mesh.num_cores + lax.axis_index("c")
        col0 = wid * clen
        pltpu.sync_copy(seq_hbm.at[:, pl.ds(col0, clen)], idx_v)
        pltpu.sync_copy(pos_hbm, pos_v)
        gsem = (g0, g1)
        osem = (o0, o1)

        def gather(b, sem):
            return pltpu.make_async_copy(
                table_hbm.at[sup_v.at[b]], rows_v.at[b], sem)

        def out_copy(j, b, sem):
            return pltpu.make_async_copy(
                out_v.at[b], out_hbm.at[j, pl.ds(col0, clen)], sem)

        def fill_sup(j, b):
            for g in range(groups):
                sl = pl.ds(g * _LANES, _LANES)
                sup_v[b, sl] = lax.shift_right_logical(idx_v[j, sl], 2)

        def compute(j, b):
            pos = [pos_v[j, pl.ds(c * _LANES, _LANES)]
                   for c in range(vregs_per_row)]

            @plsc.parallel_loop(0, groups, unroll=4)
            def compute_body(g):
                gbase = g * _LANES
                qv = (idx_v[j, pl.ds(gbase, _LANES)] & 3) * d
                for rr in range(_LANES):
                    row = gbase + rr
                    q = qv[rr]
                    for c in range(vregs_per_row):
                        x = rows_v[b, row, pl.ds(q + c * _LANES, _LANES)]
                        out_v[b, row, pl.ds(c * _LANES, _LANES)] = (
                            x * scale + pos[c])

        fill_sup(0, 0)
        gather(0, g0).start()

        def phase(jj, j, b):
            nxt = j + 1

            @pl.when(nxt < seq_len)
            def _():
                fill_sup(nxt, 1 - b)
                gather(1 - b, gsem[1 - b]).start()

            gather(b, gsem[b]).wait()

            @pl.when(jj > 0)
            def _():
                out_copy(j - 2, b, osem[b]).wait()

            compute(j, b)
            out_copy(j, b, osem[b]).start()

        def loop_body(jj, carry):
            phase(jj, 2 * jj, 0)
            phase(jj, 2 * jj + 1, 1)
            return carry

        lax.fori_loop(0, seq_len // 2, loop_body, 0, unroll=False)
        out_copy(seq_len - 2, 0, o0).wait()
        out_copy(seq_len - 1, 1, o1).wait()

    return sc_embed


def kernel(seq_input, token_table, position_table):
    b, s = seq_input.shape
    vocab, d = token_table.shape
    scale = math.sqrt(float(d))

    info = plsc.get_sparse_core_info()
    nw = info.num_cores * info.num_subcores
    assert b % (nw * _LANES) == 0 and vocab % _PACK == 0

    seq_t = jnp.swapaxes(seq_input, 0, 1).astype(jnp.int32)
    table_w = token_table.reshape(vocab // _PACK, _PACK * d)
    fn = _make_sc_embed(nw, s, b, vocab // _PACK, d, scale)
    out = fn(seq_t, table_w, position_table)
    return jnp.swapaxes(out, 0, 1)

# --- scband reference (transcript-rebuilt; emitter-appended) ---
"""Pipeline reference for scband-positional-embedding-60722247631415 (READ-ONLY COPY).

The authoritative reference and input builder live on the scoring server;
editing this copy changes nothing except your own understanding.
"""

import jax, jax.numpy as jnp
import numpy as np

MAX_LENGTH = 200
VOCAB_SIZE = 1000000
EMBEDDING_DIM = 32
BATCH = 4096
SEQ_LEN = 200


def setup_inputs(seed: int = 0) -> dict:
    key = jax.random.key(seed)
    k1, k2, k3 = jax.random.split(key, 3)
    seq_input = jax.random.randint(k1, (BATCH, SEQ_LEN), 0, VOCAB_SIZE, dtype=jnp.int64 if jax.config.jax_enable_x64 else jnp.int32)
    token_table = jax.random.normal(k2, (VOCAB_SIZE, EMBEDDING_DIM), dtype=jnp.float32) * 0.02
    position_table = jax.random.normal(k3, (MAX_LENGTH, EMBEDDING_DIM), dtype=jnp.float32) * 0.02
    return {"seq_input": seq_input, "token_table": token_table, "position_table": position_table}


def reference(seq_input, token_table, position_table):
    embed_scale = jnp.sqrt(jnp.asarray(EMBEDDING_DIM, dtype=jnp.float32))
    seq_len = seq_input.shape[-1]
    positions = jnp.arange(0, seq_len)
    embedded_tokens = jnp.take(token_table, seq_input, axis=0) * embed_scale
    embedded_positions = jnp.take(position_table, positions, axis=0)
    return embedded_tokens + embedded_positions

if __name__ == "__main__":
    import jax
    _d = setup_inputs()
    print(jax.jit(kernel)(*tuple(_d.values())))

</pallas_src>

<mosaic_0001>
#map = affine_map<(d0, d1) -> (0, 0)>
#map1 = affine_map<(d0, d1) -> (0, 0, 0)>
module attributes {stable_mosaic.version = 14 : i64} {
  func.func @sc_embed(%arg0: i32, %arg1: i32, %arg2: memref<200x4096xi32, #tpu.memory_space<hbm>>, %arg3: memref<250000x128xf32, #tpu.memory_space<hbm>>, %arg4: memref<200x32xf32, #tpu.memory_space<hbm>>, %arg5: memref<200x4096x32xf32, #tpu.memory_space<hbm>>, %arg6: memref<200x128xi32, #tpu.memory_space<vmem>>, %arg7: memref<2x128xi32, #tpu.memory_space<vmem>>, %arg8: memref<2x128x128xf32, #tpu.memory_space<vmem>>, %arg9: memref<2x128x32xf32, #tpu.memory_space<vmem>>, %arg10: memref<200x32xf32, #tpu.memory_space<vmem>>, %arg11: memref<!tpu.dma_semaphore, #tpu.memory_space<semaphore_mem>>, %arg12: memref<!tpu.dma_semaphore, #tpu.memory_space<semaphore_mem>>, %arg13: memref<!tpu.dma_semaphore, #tpu.memory_space<semaphore_mem>>, %arg14: memref<!tpu.dma_semaphore, #tpu.memory_space<semaphore_mem>>) attributes {dimension_semantics = [#tpu.dimension_semantics<core_parallel>, #tpu.dimension_semantics<subcore_parallel>], iteration_bounds = array<i64: 2, 16>, scalar_prefetch = 0 : i64, scratch_operands = 9 : i64, tpu.core_type = #tpu.core_type<sc_vector_subcore>, window_params = [{transform_indices = #map}, {transform_indices = #map}, {transform_indices = #map}, {transform_indices = #map1}]} {
    %mul3A = arith.constant 2 : i32
    %mul3A_0 = arith.muli %arg1, %mul3A : i32
    %add3A = arith.addi %mul3A_0, %arg0 : i32
    %mul3A_1 = arith.constant 128 : i32
    %mul3A_2 = arith.muli %add3A, %mul3A_1 : i32
    "tpu.region"() ({
      %run_scoped3A = tpu.sem_alloc : memref<!tpu.dma_semaphore, #tpu.memory_space<semaphore_mem>>
      %dma_start3A_159 = arith.constant 0 : i32
      %dma_start3A_160 = tpu.memref_slice %arg2[%dma_start3A_159, %mul3A_2] : memref<200x4096xi32, #tpu.memory_space<hbm>> -> memref<200x128xi32, #tpu.memory_space<hbm>>
      %dma_start3A_161 = arith.constant 0 : i32
      %dma_start3A_162 = tpu.memref_slice %arg2[%dma_start3A_161, %mul3A_2] : memref<200x4096xi32, #tpu.memory_space<hbm>> -> memref<200x128xi32, #tpu.memory_space<hbm>>
      tpu.enqueue_dma source(%dma_start3A_162 : memref<200x128xi32, #tpu.memory_space<hbm>>) target(%arg6 : memref<200x128xi32, #tpu.memory_space<vmem>>) target_semaphore(%run_scoped3A : memref<!tpu.dma_semaphore, #tpu.memory_space<semaphore_mem>>)
      %dma_wait3A_163 = arith.constant 0 : i32
      %dma_wait3A_164 = tpu.memref_slice %arg2[%dma_wait3A_163, %mul3A_2] : memref<200x4096xi32, #tpu.memory_space<hbm>> -> memref<200x128xi32, #tpu.memory_space<hbm>>
      %dma_wait3A_165 = arith.constant 0 : i32
      %dma_wait3A_166 = tpu.memref_slice %arg2[%dma_wait3A_165, %mul3A_2] : memref<200x4096xi32, #tpu.memory_space<hbm>> -> memref<200x128xi32, #tpu.memory_space<hbm>>
      tpu.wait_dma2 semaphore(%run_scoped3A : memref<!tpu.dma_semaphore, #tpu.memory_space<semaphore_mem>>) src(%dma_wait3A_166 : memref<200x128xi32, #tpu.memory_space<hbm>>) dst(%arg6 : memref<200x128xi32, #tpu.memory_space<vmem>>)
      tpu.yield
    }) : () -> ()
    "tpu.region"() ({
      %run_scoped3A = tpu.sem_alloc : memref<!tpu.dma_semaphore, #tpu.memory_space<semaphore_mem>>
      tpu.enqueue_dma source(%arg4 : memref<200x32xf32, #tpu.memory_space<hbm>>) target(%arg10 : memref<200x32xf32, #tpu.memory_space<vmem>>) target_semaphore(%run_scoped3A : memref<!tpu.dma_semaphore, #tpu.memory_space<semaphore_mem>>)
      tpu.wait_dma2 semaphore(%run_scoped3A : memref<!tpu.dma_semaphore, #tpu.memory_space<semaphore_mem>>) src(%arg4 : memref<200x32xf32, #tpu.memory_space<hbm>>) dst(%arg10 : memref<200x32xf32, #tpu.memory_space<vmem>>)
      tpu.yield
    }) : () -> ()
    %get3A = arith.constant 0 : i32
    %get3A_3 = arith.index_cast %get3A : i32 to index
    %get3A_4 = arith.constant 0 : index
    %get3A_5 = tpu.vector_load %arg6[%get3A_3, %get3A_4] {strides = array<i32>} : memref<200x128xi32, #tpu.memory_space<vmem>>, vector<1x16xi32>,
    %get3A_6 = vector.shape_cast %get3A_5 : vector<1x16xi32> to vector<16xi32>
    %shift_right_logical3A = arith.constant 2 : i32
    %shift_right_logical3A_7 = vector.broadcast %shift_right_logical3A : i32 to vector<16xi32>
    %shift_right_logical3A_8 = arith.shrui %get3A_6, %shift_right_logical3A_7 : vector<16xi32>
    %swap3A = arith.constant 0 : i32
    %swap3A_9 = arith.index_cast %swap3A : i32 to index
    %swap3A_10 = arith.constant 0 : index
    %swap3A_11 = tpu.vector_load %arg7[%swap3A_9, %swap3A_10] {strides = array<i32>} : memref<2x128xi32, #tpu.memory_space<vmem>>, vector<1x16xi32>,
    %swap3A_12 = vector.shape_cast %swap3A_11 : vector<1x16xi32> to vector<16xi32>
    %swap3A_13 = vector.shape_cast %shift_right_logical3A_8 : vector<16xi32> to vector<1x16xi32>
    tpu.vector_store %arg7[%swap3A_9, %swap3A_10], %swap3A_13 {strides = array<i32>} : memref<2x128xi32, #tpu.memory_space<vmem>>, vector<1x16xi32>,
    %get3A_14 = arith.constant 0 : i32
    %get3A_15 = arith.index_cast %get3A_14 : i32 to index
    %get3A_16 = arith.constant 16 : index
    %get3A_17 = tpu.vector_load %arg6[%get3A_15, %get3A_16] {strides = array<i32>} : memref<200x128xi32, #tpu.memory_space<vmem>>, vector<1x16xi32>,
    %get3A_18 = vector.shape_cast %get3A_17 : vector<1x16xi32> to vector<16xi32>
    %shift_right_logical3A_19 = arith.constant 2 : i32
    %shift_right_logical3A_20 = vector.broadcast %shift_right_logical3A_19 : i32 to vector<16xi32>
    %shift_right_logical3A_21 = arith.shrui %get3A_18, %shift_right_logical3A_20 : vector<16xi32>
    %swap3A_22 = arith.constant 0 : i32
    %swap3A_23 = arith.index_cast %swap3A_22 : i32 to index
    %swap3A_24 = arith.constant 16 : index
    %swap3A_25 = tpu.vector_load %arg7[%swap3A_23, %swap3A_24] {strides = array<i32>} : memref<2x128xi32, #tpu.memory_space<vmem>>, vector<1x16xi32>,
    %swap3A_26 = vector.shape_cast %swap3A_25 : vector<1x16xi32> to vector<16xi32>
    %swap3A_27 = vector.shape_cast %shift_right_logical3A_21 : vector<16xi32> to vector<1x16xi32>
    tpu.vector_store %arg7[%swap3A_23, %swap3A_24], %swap3A_27 {strides = array<i32>} : memref<2x128xi32, #tpu.memory_space<vmem>>, vector<1x16xi32>,
    %get3A_28 = arith.constant 0 : i32
    %get3A_29 = arith.index_cast %get3A_28 : i32 to index
    %get3A_30 = arith.constant 32 : index
    %get3A_31 = tpu.vector_load %arg6[%get3A_29, %get3A_30] {strides = array<i32>} : memref<200x128xi32, #tpu.memory_space<vmem>>, vector<1x16xi32>,
    %get3A_32 = vector.shape_cast %get3A_31 : vector<1x16xi32> to vector<16xi32>
    %shift_right_logical3A_33 = arith.constant 2 : i32
    %shift_right_logical3A_34 = vector.broadcast %shift_right_logical3A_33 : i32 to vector<16xi32>
    %shift_right_logical3A_35 = arith.shrui %get3A_32, %shift_right_logical3A_34 : vector<16xi32>
    %swap3A_36 = arith.constant 0 : i32
    %swap3A_37 = arith.index_cast %swap3A_36 : i32 to index
    %swap3A_38 = arith.constant 32 : index
    %swap3A_39 = tpu.vector_load %arg7[%swap3A_37, %swap3A_38] {strides = array<i32>} : memref<2x128xi32, #tpu.memory_space<vmem>>, vector<1x16xi32>,
    %swap3A_40 = vector.shape_cast %swap3A_39 : vector<1x16xi32> to vector<16xi32>
    %swap3A_41 = vector.shape_cast %shift_right_logical3A_35 : vector<16xi32> to vector<1x16xi32>
    tpu.vector_store %arg7[%swap3A_37, %swap3A_38], %swap3A_41 {strides = array<i32>} : memref<2x128xi32, #tpu.memory_space<vmem>>, vector<1x16xi32>,
    %get3A_42 = arith.constant 0 : i32
    %get3A_43 = arith.index_cast %get3A_42 : i32 to index
    %get3A_44 = arith.constant 48 : index
    %get3A_45 = tpu.vector_load %arg6[%get3A_43, %get3A_44] {strides = array<i32>} : memref<200x128xi32, #tpu.memory_space<vmem>>, vector<1x16xi32>,
    %get3A_46 = vector.shape_cast %get3A_45 : vector<1x16xi32> to vector<16xi32>
    %shift_right_logical3A_47 = arith.constant 2 : i32
    %shift_right_logical3A_48 = vector.broadcast %shift_right_logical3A_47 : i32 to vector<16xi32>
    %shift_right_logical3A_49 = arith.shrui %get3A_46, %shift_right_logical3A_48 : vector<16xi32>
    %swap3A_50 = arith.constant 0 : i32
    %swap3A_51 = arith.index_cast %swap3A_50 : i32 to index
    %swap3A_52 = arith.constant 48 : index
    %swap3A_53 = tpu.vector_load %arg7[%swap3A_51, %swap3A_52] {strides = array<i32>} : memref<2x128xi32, #tpu.memory_space<vmem>>, vector<1x16xi32>,
    %swap3A_54 = vector.shape_cast %swap3A_53 : vector<1x16xi32> to vector<16xi32>
    %swap3A_55 = vector.shape_cast %shift_right_logical3A_49 : vector<16xi32> to vector<1x16xi32>
    tpu.vector_store %arg7[%swap3A_51, %swap3A_52], %swap3A_55 {strides = array<i32>} : memref<2x128xi32, #tpu.memory_space<vmem>>, vector<1x16xi32>,
    %get3A_56 = arith.constant 0 : i32
    %get3A_57 = arith.index_cast %get3A_56 : i32 to index
    %get3A_58 = arith.constant 64 : index
    %get3A_59 = tpu.vector_load %arg6[%get3A_57, %get3A_58] {strides = array<i32>} : memref<200x128xi32, #tpu.memory_space<vmem>>, vector<1x16xi32>,
    %get3A_60 = vector.shape_cast %get3A_59 : vector<1x16xi32> to vector<16xi32>
    %shift_right_logical3A_61 = arith.constant 2 : i32
    %shift_right_logical3A_62 = vector.broadcast %shift_right_logical3A_61 : i32 to vector<16xi32>
    %shift_right_logical3A_63 = arith.shrui %get3A_60, %shift_right_logical3A_62 : vector<16xi32>
    %swap3A_64 = arith.constant 0 : i32
    %swap3A_65 = arith.index_cast %swap3A_64 : i32 to index
    %swap3A_66 = arith.constant 64 : index
    %swap3A_67 = tpu.vector_load %arg7[%swap3A_65, %swap3A_66] {strides = array<i32>} : memref<2x128xi32, #tpu.memory_space<vmem>>, vector<1x16xi32>,
    %swap3A_68 = vector.shape_cast %swap3A_67 : vector<1x16xi32> to vector<16xi32>
    %swap3A_69 = vector.shape_cast %shift_right_logical3A_63 : vector<16xi32> to vector<1x16xi32>
    tpu.vector_store %arg7[%swap3A_65, %swap3A_66], %swap3A_69 {strides = array<i32>} : memref<2x128xi32, #tpu.memory_space<vmem>>, vector<1x16xi32>,
    %get3A_70 = arith.constant 0 : i32
    %get3A_71 = arith.index_cast %get3A_70 : i32 to index
    %get3A_72 = arith.constant 80 : index
    %get3A_73 = tpu.vector_load %arg6[%get3A_71, %get3A_72] {strides = array<i32>} : memref<200x128xi32, #tpu.memory_space<vmem>>, vector<1x16xi32>,
    %get3A_74 = vector.shape_cast %get3A_73 : vector<1x16xi32> to vector<16xi32>
    %shift_right_logical3A_75 = arith.constant 2 : i32
    %shift_right_logical3A_76 = vector.broadcast %shift_right_logical3A_75 : i32 to vector<16xi32>
    %shift_right_logical3A_77 = arith.shrui %get3A_74, %shift_right_logical3A_76 : vector<16xi32>
    %swap3A_78 = arith.constant 0 : i32
    %swap3A_79 = arith.index_cast %swap3A_78 : i32 to index
    %swap3A_80 = arith.constant 80 : index
    %swap3A_81 = tpu.vector_load %arg7[%swap3A_79, %swap3A_80] {strides = array<i32>} : memref<2x128xi32, #tpu.memory_space<vmem>>, vector<1x16xi32>,
    %swap3A_82 = vector.shape_cast %swap3A_81 : vector<1x16xi32> to vector<16xi32>
    %swap3A_83 = vector.shape_cast %shift_right_logical3A_77 : vector<16xi32> to vector<1x16xi32>
    tpu.vector_store %arg7[%swap3A_79, %swap3A_80], %swap3A_83 {strides = array<i32>} : memref<2x128xi32, #tpu.memory_space<vmem>>, vector<1x16xi32>,
    %get3A_84 = arith.constant 0 : i32
    %get3A_85 = arith.index_cast %get3A_84 : i32 to index
    %get3A_86 = arith.constant 96 : index
    %get3A_87 = tpu.vector_load %arg6[%get3A_85, %get3A_86] {strides = array<i32>} : memref<200x128xi32, #tpu.memory_space<vmem>>, vector<1x16xi32>,
    %get3A_88 = vector.shape_cast %get3A_87 : vector<1x16xi32> to vector<16xi32>
    %shift_right_logical3A_89 = arith.constant 2 : i32
    %shift_right_logical3A_90 = vector.broadcast %shift_right_logical3A_89 : i32 to vector<16xi32>
    %shift_right_logical3A_91 = arith.shrui %get3A_88, %shift_right_logical3A_90 : vector<16xi32>
    %swap3A_92 = arith.constant 0 : i32
    %swap3A_93 = arith.index_cast %swap3A_92 : i32 to index
    %swap3A_94 = arith.constant 96 : index
    %swap3A_95 = tpu.vector_load %arg7[%swap3A_93, %swap3A_94] {strides = array<i32>} : memref<2x128xi32, #tpu.memory_space<vmem>>, vector<1x16xi32>,
    %swap3A_96 = vector.shape_cast %swap3A_95 : vector<1x16xi32> to vector<16xi32>
    %swap3A_97 = vector.shape_cast %shift_right_logical3A_91 : vector<16xi32> to vector<1x16xi32>
    tpu.vector_store %arg7[%swap3A_93, %swap3A_94], %swap3A_97 {strides = array<i32>} : memref<2x128xi32, #tpu.memory_space<vmem>>, vector<1x16xi32>,
    %get3A_98 = arith.constant 0 : i32
    %get3A_99 = arith.index_cast %get3A_98 : i32 to index
    %get3A_100 = arith.constant 112 : index
    %get3A_101 = tpu.vector_load %arg6[%get3A_99, %get3A_100] {strides = array<i32>} : memref<200x128xi32, #tpu.memory_space<vmem>>, vector<1x16xi32>,
    %get3A_102 = vector.shape_cast %get3A_101 : vector<1x16xi32> to vector<16xi32>
    %shift_right_logical3A_103 = arith.constant 2 : i32
    %shift_right_logical3A_104 = vector.broadcast %shift_right_logical3A_103 : i32 to vector<16xi32>
    %shift_right_logical3A_105 = arith.shrui %get3A_102, %shift_right_logical3A_104 : vector<16xi32>
    %swap3A_106 = arith.constant 0 : i32
    %swap3A_107 = arith.index_cast %swap3A_106 : i32 to index
    %swap3A_108 = arith.constant 112 : index
    %swap3A_109 = tpu.vector_load %arg7[%swap3A_107, %swap3A_108] {strides = array<i32>} : memref<2x128xi32, #tpu.memory_space<vmem>>, vector<1x16xi32>,
    %swap3A_110 = vector.shape_cast %swap3A_109 : vector<1x16xi32> to vector<16xi32>
    %swap3A_111 = vector.shape_cast %shift_right_logical3A_105 : vector<16xi32> to vector<1x16xi32>
    tpu.vector_store %arg7[%swap3A_107, %swap3A_108], %swap3A_111 {strides = array<i32>} : memref<2x128xi32, #tpu.memory_space<vmem>>, vector<1x16xi32>,
    %dma_start3A = arith.constant 0 : i32
    %dma_start3A_112 = arith.constant 0 : i32
    %dma_start3A_113 = arith.constant 0 : i32
    %dma_start3A_114 = arith.constant 0 : i32
    %dma_start3A_115 = tpu.memref_slice %arg8[%dma_start3A_112, %dma_start3A_113, %dma_start3A_114] : memref<2x128x128xf32, #tpu.memory_space<vmem>> -> memref<1x128x128xf32, #tpu.memory_space<vmem>>
    %dma_start3A_116 = tpu.memref_squeeze %dma_start3A_115 : memref<1x128x128xf32, #tpu.memory_space<vmem>> -> memref<128x128xf32, #tpu.memory_space<vmem>>
    %dma_start3A_117 = arith.constant 0 : i32
    %dma_start3A_118 = tpu.memref_slice %arg7[%dma_start3A, %dma_start3A_117] : memref<2x128xi32, #tpu.memory_space<vmem>> -> memref<1x128xi32, #tpu.memory_space<vmem>>
    %dma_start3A_119 = tpu.memref_squeeze %dma_start3A_118 : memref<1x128xi32, #tpu.memory_space<vmem>> -> memref<128xi32, #tpu.memory_space<vmem>>
    %dma_start3A_120 = arith.constant 0 : i32
    %dma_start3A_121 = arith.constant 0 : i32
    %dma_start3A_122 = tpu.memref_slice %arg3[%dma_start3A_120, %dma_start3A_121] : memref<250000x128xf32, #tpu.memory_space<hbm>> -> memref<250000x128xf32, #tpu.memory_space<hbm>>
    tpu.enqueue_indirect_dma source(%dma_start3A_122 : memref<250000x128xf32, #tpu.memory_space<hbm>>) target(%dma_start3A_116 : memref<128x128xf32, #tpu.memory_space<vmem>>) offsets(%dma_start3A_119 : memref<128xi32, #tpu.memory_space<vmem>>) semaphore(%arg11 : memref<!tpu.dma_semaphore, #tpu.memory_space<semaphore_mem>>)
    %scan3A = arith.constant 0 : i32
    %scan3A_123 = arith.constant 0 : i32
    %scan3A_124 = arith.constant 100 : i32
    %scan3A_125 = arith.addi %scan3A_123, %scan3A_124 : i32
    %scan3A_126 = arith.constant 1 : i32
    scf.for %scan3A_159 = %scan3A_123 to %scan3A_125 step %scan3A_126  : i32 {
      %mul3A_160 = arith.constant 2 : i32
      %mul3A_161 = arith.muli %mul3A_160, %scan3A_159 : i32
      %add3A_162 = arith.constant 1 : i32
      %add3A_163 = arith.addi %mul3A_161, %add3A_162 : i32
      %lt3A = arith.constant 200 : i32
      %lt3A_164 = arith.cmpi slt, %add3A_163, %lt3A : i32
      %convert_element_type3A = arith.extui %lt3A_164 : i1 to i32
      %cond3A = arith.constant 0 : i32
      %cond3A_165 = arith.cmpi ne, %convert_element_type3A, %cond3A : i32
      scf.if %cond3A_165 {
        %get3A_261 = arith.index_cast %add3A_163 : i32 to index
        %get3A_262 = arith.constant 0 : index
        %get3A_263 = tpu.vector_load %arg6[%get3A_261, %get3A_262] {strides = array<i32>} : memref<200x128xi32, #tpu.memory_space<vmem>>, vector<1x16xi32>,
        %get3A_264 = vector.shape_cast %get3A_263 : vector<1x16xi32> to vector<16xi32>
        %shift_right_logical3A_265 = arith.constant 2 : i32
        %shift_right_logical3A_266 = vector.broadcast %shift_right_logical3A_265 : i32 to vector<16xi32>
        %shift_right_logical3A_267 = arith.shrui %get3A_264, %shift_right_logical3A_266 : vector<16xi32>
        %swap3A_268 = arith.constant 1 : i32
        %swap3A_269 = arith.index_cast %swap3A_268 : i32 to index
        %swap3A_270 = arith.constant 0 : index
        %swap3A_271 = tpu.vector_load %arg7[%swap3A_269, %swap3A_270] {strides = array<i32>} : memref<2x128xi32, #tpu.memory_space<vmem>>, vector<1x16xi32>,
        %swap3A_272 = vector.shape_cast %swap3A_271 : vector<1x16xi32> to vector<16xi32>
        %swap3A_273 = vector.shape_cast %shift_right_logical3A_267 : vector<16xi32> to vector<1x16xi32>
        tpu.vector_store %arg7[%swap3A_269, %swap3A_270], %swap3A_273 {strides = array<i32>} : memref<2x128xi32, #tpu.memory_space<vmem>>, vector<1x16xi32>,
        %get3A_274 = arith.index_cast %add3A_163 : i32 to index
        %get3A_275 = arith.constant 16 : index
        %get3A_276 = tpu.vector_load %arg6[%get3A_274, %get3A_275] {strides = array<i32>} : memref<200x128xi32, #tpu.memory_space<vmem>>, vector<1x16xi32>,
        %get3A_277 = vector.shape_cast %get3A_276 : vector<1x16xi32> to vector<16xi32>
        %shift_right_logical3A_278 = arith.constant 2 : i32
        %shift_right_logical3A_279 = vector.broadcast %shift_right_logical3A_278 : i32 to vector<16xi32>
        %shift_right_logical3A_280 = arith.shrui %get3A_277, %shift_right_logical3A_279 : vector<16xi32>
        %swap3A_281 = arith.constant 1 : i32
        %swap3A_282 = arith.index_cast %swap3A_281 : i32 to index
        %swap3A_283 = arith.constant 16 : index
        %swap3A_284 = tpu.vector_load %arg7[%swap3A_282, %swap3A_283] {strides = array<i32>} : memref<2x128xi32, #tpu.memory_space<vmem>>, vector<1x16xi32>,
        %swap3A_285 = vector.shape_cast %swap3A_284 : vector<1x16xi32> to vector<16xi32>
        %swap3A_286 = vector.shape_cast %shift_right_logical3A_280 : vector<16xi32> to vector<1x16xi32>
        tpu.vector_store %arg7[%swap3A_282, %swap3A_283], %swap3A_286 {strides = array<i32>} : memref<2x128xi32, #tpu.memory_space<vmem>>, vector<1x16xi32>,
        %get3A_287 = arith.index_cast %add3A_163 : i32 to index
        %get3A_288 = arith.constant 32 : index
        %get3A_289 = tpu.vector_load %arg6[%get3A_287, %get3A_288] {strides = array<i32>} : memref<200x128xi32, #tpu.memory_space<vmem>>, vector<1x16xi32>,
        %get3A_290 = vector.shape_cast %get3A_289 : vector<1x16xi32> to vector<16xi32>
        %shift_right_logical3A_291 = arith.constant 2 : i32
        %shift_right_logical3A_292 = vector.broadcast %shift_right_logical3A_291 : i32 to vector<16xi32>
        %shift_right_logical3A_293 = arith.shrui %get3A_290, %shift_right_logical3A_292 : vector<16xi32>
        %swap3A_294 = arith.constant 1 : i32
        %swap3A_295 = arith.index_cast %swap3A_294 : i32 to index
        %swap3A_296 = arith.constant 32 : index
        %swap3A_297 = tpu.vector_load %arg7[%swap3A_295, %swap3A_296] {strides = array<i32>} : memref<2x128xi32, #tpu.memory_space<vmem>>, vector<1x16xi32>,
        %swap3A_298 = vector.shape_cast %swap3A_297 : vector<1x16xi32> to vector<16xi32>
        %swap3A_299 = vector.shape_cast %shift_right_logical3A_293 : vector<16xi32> to vector<1x16xi32>
        tpu.vector_store %arg7[%swap3A_295, %swap3A_296], %swap3A_299 {strides = array<i32>} : memref<2x128xi32, #tpu.memory_space<vmem>>, vector<1x16xi32>,
        %get3A_300 = arith.index_cast %add3A_163 : i32 to index
        %get3A_301 = arith.constant 48 : index
        %get3A_302 = tpu.vector_load %arg6[%get3A_300, %get3A_301] {strides = array<i32>} : memref<200x128xi32, #tpu.memory_space<vmem>>, vector<1x16xi32>,
        %get3A_303 = vector.shape_cast %get3A_302 : vector<1x16xi32> to vector<16xi32>
        %shift_right_logical3A_304 = arith.constant 2 : i32
        %shift_right_logical3A_305 = vector.broadcast %shift_right_logical3A_304 : i32 to vector<16xi32>
        %shift_right_logical3A_306 = arith.shrui %get3A_303, %shift_right_logical3A_305 : vector<16xi32>
        %swap3A_307 = arith.constant 1 : i32
        %swap3A_308 = arith.index_cast %swap3A_307 : i32 to index
        %swap3A_309 = arith.constant 48 : index
        %swap3A_310 = tpu.vector_load %arg7[%swap3A_308, %swap3A_309] {strides = array<i32>} : memref<2x128xi32, #tpu.memory_space<vmem>>, vector<1x16xi32>,
        %swap3A_311 = vector.shape_cast %swap3A_310 : vector<1x16xi32> to vector<16xi32>
        %swap3A_312 = vector.shape_cast %shift_right_logical3A_306 : vector<16xi32> to vector<1x16xi32>
        tpu.vector_store %arg7[%swap3A_308, %swap3A_309], %swap3A_312 {strides = array<i32>} : memref<2x128xi32, #tpu.memory_space<vmem>>, vector<1x16xi32>,
        %get3A_313 = arith.index_cast %add3A_163 : i32 to index
        %get3A_314 = arith.constant 64 : index
        %get3A_315 = tpu.vector_load %arg6[%get3A_313, %get3A_314] {strides = array<i32>} : memref<200x128xi32, #tpu.memory_space<vmem>>, vector<1x16xi32>,
        %get3A_316 = vector.shape_cast %get3A_315 : vector<1x16xi32> to vector<16xi32>
        %shift_right_logical3A_317 = arith.constant 2 : i32
        %shift_right_logical3A_318 = vector.broadcast %shift_right_logical3A_317 : i32 to vector<16xi32>
        %shift_right_logical3A_319 = arith.shrui %get3A_316, %shift_right_logical3A_318 : vector<16xi32>
        %swap3A_320 = arith.constant 1 : i32
        %swap3A_321 = arith.index_cast %swap3A_320 : i32 to index
        %swap3A_322 = arith.constant 64 : index
        %swap3A_323 = tpu.vector_load %arg7[%swap3A_321, %swap3A_322] {strides = array<i32>} : memref<2x128xi32, #tpu.memory_space<vmem>>, vector<1x16xi32>,
        %swap3A_324 = vector.shape_cast %swap3A_323 : vector<1x16xi32> to vector<16xi32>
        %swap3A_325 = vector.shape_cast %shift_right_logical3A_319 : vector<16xi32> to vector<1x16xi32>
        tpu.vector_store %arg7[%swap3A_321, %swap3A_322], %swap3A_325 {strides = array<i32>} : memref<2x128xi32, #tpu.memory_space<vmem>>, vector<1x16xi32>,
        %get3A_326 = arith.index_cast %add3A_163 : i32 to index
        %get3A_327 = arith.constant 80 : index
        %get3A_328 = tpu.vector_load %arg6[%get3A_326, %get3A_327] {strides = array<i32>} : memref<200x128xi32, #tpu.memory_space<vmem>>, vector<1x16xi32>,
        %get3A_329 = vector.shape_cast %get3A_328 : vector<1x16xi32> to vector<16xi32>
        %shift_right_logical3A_330 = arith.constant 2 : i32
        %shift_right_logical3A_331 = vector.broadcast %shift_right_logical3A_330 : i32 to vector<16xi32>
        %shift_right_logical3A_332 = arith.shrui %get3A_329, %shift_right_logical3A_331 : vector<16xi32>
        %swap3A_333 = arith.constant 1 : i32
        %swap3A_334 = arith.index_cast %swap3A_333 : i32 to index
        %swap3A_335 = arith.constant 80 : index
        %swap3A_336 = tpu.vector_load %arg7[%swap3A_334, %swap3A_335] {strides = array<i32>} : memref<2x128xi32, #tpu.memory_space<vmem>>, vector<1x16xi32>,
        %swap3A_337 = vector.shape_cast %swap3A_336 : vector<1x16xi32> to vector<16xi32>
        %swap3A_338 = vector.shape_cast %shift_right_logical3A_332 : vector<16xi32> to vector<1x16xi32>
        tpu.vector_store %arg7[%swap3A_334, %swap3A_335], %swap3A_338 {strides = array<i32>} : memref<2x128xi32, #tpu.memory_space<vmem>>, vector<1x16xi32>,
        %get3A_339 = arith.index_cast %add3A_163 : i32 to index
        %get3A_340 = arith.constant 96 : index
        %get3A_341 = tpu.vector_load %arg6[%get3A_339, %get3A_340] {strides = array<i32>} : memref<200x128xi32, #tpu.memory_space<vmem>>, vector<1x16xi32>,
        %get3A_342 = vector.shape_cast %get3A_341 : vector<1x16xi32> to vector<16xi32>
        %shift_right_logical3A_343 = arith.constant 2 : i32
        %shift_right_logical3A_344 = vector.broadcast %shift_right_logical3A_343 : i32 to vector<16xi32>
        %shift_right_logical3A_345 = arith.shrui %get3A_342, %shift_right_logical3A_344 : vector<16xi32>
        %swap3A_346 = arith.constant 1 : i32
        %swap3A_347 = arith.index_cast %swap3A_346 : i32 to index
        %swap3A_348 = arith.constant 96 : index
        %swap3A_349 = tpu.vector_load %arg7[%swap3A_347, %swap3A_348] {strides = array<i32>} : memref<2x128xi32, #tpu.memory_space<vmem>>, vector<1x16xi32>,
        %swap3A_350 = vector.shape_cast %swap3A_349 : vector<1x16xi32> to vector<16xi32>
        %swap3A_351 = vector.shape_cast %shift_right_logical3A_345 : vector<16xi32> to vector<1x16xi32>
        tpu.vector_store %arg7[%swap3A_347, %swap3A_348], %swap3A_351 {strides = array<i32>} : memref<2x128xi32, #tpu.memory_space<vmem>>, vector<1x16xi32>,
        %get3A_352 = arith.index_cast %add3A_163 : i32 to index
        %get3A_353 = arith.constant 112 : index
        %get3A_354 = tpu.vector_load %arg6[%get3A_352, %get3A_353] {strides = array<i32>} : memref<200x128xi32, #tpu.memory_space<vmem>>, vector<1x16xi32>,
        %get3A_355 = vector.shape_cast %get3A_354 : vector<1x16xi32> to vector<16xi32>
        %shift_right_logical3A_356 = arith.constant 2 : i32
        %shift_right_logical3A_357 = vector.broadcast %shift_right_logical3A_356 : i32 to vector<16xi32>
        %shift_right_logical3A_358 = arith.shrui %get3A_355, %shift_right_logical3A_357 : vector<16xi32>
        %swap3A_359 = arith.constant 1 : i32
        %swap3A_360 = arith.index_cast %swap3A_359 : i32 to index
        %swap3A_361 = arith.constant 112 : index
        %swap3A_362 = tpu.vector_load %arg7[%swap3A_360, %swap3A_361] {strides = array<i32>} : memref<2x128xi32, #tpu.memory_space<vmem>>, vector<1x16xi32>,
        %swap3A_363 = vector.shape_cast %swap3A_362 : vector<1x16xi32> to vector<16xi32>
        %swap3A_364 = vector.shape_cast %shift_right_logical3A_358 : vector<16xi32> to vector<1x16xi32>
        tpu.vector_store %arg7[%swap3A_360, %swap3A_361], %swap3A_364 {strides = array<i32>} : memref<2x128xi32, #tpu.memory_space<vmem>>, vector<1x16xi32>,
        %dma_start3A_365 = arith.constant 1 : i32
        %dma_start3A_366 = arith.constant 1 : i32
        %dma_start3A_367 = arith.constant 0 : i32
        %dma_start3A_368 = arith.constant 0 : i32
        %dma_start3A_369 = tpu.memref_slice %arg8[%dma_start3A_366, %dma_start3A_367, %dma_start3A_368] : memref<2x128x128xf32, #tpu.memory_space<vmem>> -> memref<1x128x128xf32, #tpu.memory_space<vmem>>
        %dma_start3A_370 = tpu.memref_squeeze %dma_start3A_369 : memref<1x128x128xf32, #tpu.memory_space<vmem>> -> memref<128x128xf32, #tpu.memory_space<vmem>>
        %dma_start3A_371 = arith.constant 0 : i32
        %dma_start3A_372 = tpu.memref_slice %arg7[%dma_start3A_365, %dma_start3A_371] : memref<2x128xi32, #tpu.memory_space<vmem>> -> memref<1x128xi32, #tpu.memory_space<vmem>>
        %dma_start3A_373 = tpu.memref_squeeze %dma_start3A_372 : memref<1x128xi32, #tpu.memory_space<vmem>> -> memref<128xi32, #tpu.memory_space<vmem>>
        %dma_start3A_374 = arith.constant 0 : i32
        %dma_start3A_375 = arith.constant 0 : i32
        %dma_start3A_376 = tpu.memref_slice %arg3[%dma_start3A_374, %dma_start3A_375] : memref<250000x128xf32, #tpu.memory_space<hbm>> -> memref<250000x128xf32, #tpu.memory_space<hbm>>
        tpu.enqueue_indirect_dma source(%dma_start3A_376 : memref<250000x128xf32, #tpu.memory_space<hbm>>) target(%dma_start3A_370 : memref<128x128xf32, #tpu.memory_space<vmem>>) offsets(%dma_start3A_373 : memref<128xi32, #tpu.memory_space<vmem>>) semaphore(%arg12 : memref<!tpu.dma_semaphore, #tpu.memory_space<semaphore_mem>>)
      } else {
      }
      %dma_wait3A_166 = arith.constant 0 : i32
      %dma_wait3A_167 = arith.constant 0 : i32
      %dma_wait3A_168 = arith.constant 0 : i32
      %dma_wait3A_169 = arith.constant 0 : i32
      %dma_wait3A_170 = tpu.memref_slice %arg8[%dma_wait3A_167, %dma_wait3A_168, %dma_wait3A_169] : memref<2x128x128xf32, #tpu.memory_space<vmem>> -> memref<1x128x128xf32, #tpu.memory_space<vmem>>
      %dma_wait3A_171 = tpu.memref_squeeze %dma_wait3A_170 : memref<1x128x128xf32, #tpu.memory_space<vmem>> -> memref<128x128xf32, #tpu.memory_space<vmem>>
      %dma_wait3A_172 = arith.constant 0 : i32
      %dma_wait3A_173 = tpu.memref_slice %arg7[%dma_wait3A_166, %dma_wait3A_172] : memref<2x128xi32, #tpu.memory_space<vmem>> -> memref<1x128xi32, #tpu.memory_space<vmem>>
      %dma_wait3A_174 = tpu.memref_squeeze %dma_wait3A_173 : memref<1x128xi32, #tpu.memory_space<vmem>> -> memref<128xi32, #tpu.memory_space<vmem>>
      %dma_wait3A_175 = arith.constant 0 : i32
      %dma_wait3A_176 = arith.constant 0 : i32
      %dma_wait3A_177 = tpu.memref_slice %arg3[%dma_wait3A_175, %dma_wait3A_176] : memref<250000x128xf32, #tpu.memory_space<hbm>> -> memref<250000x128xf32, #tpu.memory_space<hbm>>
      tpu.wait_indirect_dma semaphore(%arg11 : memref<!tpu.dma_semaphore, #tpu.memory_space<semaphore_mem>>) src(%dma_wait3A_177 : memref<250000x128xf32, #tpu.memory_space<hbm>>) dst(%dma_wait3A_171 : memref<128x128xf32, #tpu.memory_space<vmem>>)
      %gt3A = arith.constant 0 : i32
      %gt3A_178 = arith.cmpi sgt, %scan3A_159, %gt3A : i32
      %convert_element_type3A_179 = arith.extui %gt3A_178 : i1 to i32
      %cond3A_180 = arith.constant 0 : i32
      %cond3A_181 = arith.cmpi ne, %convert_element_type3A_179, %cond3A_180 : i32
      scf.if %cond3A_181 {
        %sub3A = arith.constant 2 : i32
        %sub3A_261 = arith.subi %mul3A_161, %sub3A : i32
        %dma_wait3A_262 = arith.constant 0 : i32
        %dma_wait3A_263 = arith.constant 0 : i32
        %dma_wait3A_264 = arith.constant 0 : i32
        %dma_wait3A_265 = tpu.memref_slice %arg9[%dma_wait3A_262, %dma_wait3A_263, %dma_wait3A_264] : memref<2x128x32xf32, #tpu.memory_space<vmem>> -> memref<1x128x32xf32, #tpu.memory_space<vmem>>
        %dma_wait3A_266 = tpu.memref_squeeze %dma_wait3A_265 : memref<1x128x32xf32, #tpu.memory_space<vmem>> -> memref<128x32xf32, #tpu.memory_space<vmem>>
        %dma_wait3A_267 = arith.constant 0 : i32
        %dma_wait3A_268 = tpu.memref_slice %arg5[%sub3A_261, %mul3A_2, %dma_wait3A_267] : memref<200x4096x32xf32, #tpu.memory_space<hbm>> -> memref<1x128x32xf32, #tpu.memory_space<hbm>>
        %dma_wait3A_269 = tpu.memref_squeeze %dma_wait3A_268 : memref<1x128x32xf32, #tpu.memory_space<hbm>> -> memref<128x32xf32, #tpu.memory_space<hbm>>
        %dma_wait3A_270 = arith.constant 0 : i32
        %dma_wait3A_271 = tpu.memref_slice %arg5[%sub3A_261, %mul3A_2, %dma_wait3A_270] : memref<200x4096x32xf32, #tpu.memory_space<hbm>> -> memref<1x128x32xf32, #tpu.memory_space<hbm>>
        %dma_wait3A_272 = tpu.memref_squeeze %dma_wait3A_271 : memref<1x128x32xf32, #tpu.memory_space<hbm>> -> memref<128x32xf32, #tpu.memory_space<hbm>>
        %dma_wait3A_273 = arith.constant 0 : i32
        %dma_wait3A_274 = arith.constant 0 : i32
        %dma_wait3A_275 = tpu.memref_slice %arg9[%dma_wait3A_262, %dma_wait3A_273, %dma_wait3A_274] : memref<2x128x32xf32, #tpu.memory_space<vmem>> -> memref<1x128x32xf32, #tpu.memory_space<vmem>>
        %dma_wait3A_276 = tpu.memref_squeeze %dma_wait3A_275 : memref<1x128x32xf32, #tpu.memory_space<vmem>> -> memref<128x32xf32, #tpu.memory_space<vmem>>
        tpu.wait_dma2 semaphore(%arg13 : memref<!tpu.dma_semaphore, #tpu.memory_space<semaphore_mem>>) src(%dma_wait3A_276 : memref<128x32xf32, #tpu.memory_space<vmem>>) dst(%dma_wait3A_272 : memref<128x32xf32, #tpu.memory_space<hbm>>)
      } else {
      }
      %get3A_182 = arith.index_cast %mul3A_161 : i32 to index
      %get3A_183 = arith.constant 0 : index
      %get3A_184 = tpu.vector_load %arg10[%get3A_182, %get3A_183] {strides = array<i32>} : memref<200x32xf32, #tpu.memory_space<vmem>>, vector<1x16xf32>,
      %get3A_185 = vector.shape_cast %get3A_184 : vector<1x16xf32> to vector<16xf32>
      %get3A_186 = arith.index_cast %mul3A_161 : i32 to index
      %get3A_187 = arith.constant 16 : index
      %get3A_188 = tpu.vector_load %arg10[%get3A_186, %get3A_187] {strides = array<i32>} : memref<200x32xf32, #tpu.memory_space<vmem>>, vector<1x16xf32>,
      %get3A_189 = vector.shape_cast %get3A_188 : vector<1x16xf32> to vector<16xf32>
      %parallel_loop3A = arith.constant 0 : i32
      %parallel_loop3A_190 = arith.constant 8 : i32
      %parallel_loop3A_191 = arith.constant 1 : i32
      scf.for %parallel_loop3A_261 = %parallel_loop3A to %parallel_loop3A_190 step %parallel_loop3A_191  : i32 {
        %parallel_loop3A_262 = arith.constant 16 : i32
        %parallel_loop3A_263 = arith.muli %parallel_loop3A_261, %parallel_loop3A_262 : i32
        %parallel_loop3A_264 = arith.index_cast %mul3A_161 : i32 to index
        %parallel_loop3A_265 = arith.index_cast %parallel_loop3A_263 : i32 to index
        %parallel_loop3A_266 = tpu.vector_load %arg6[%parallel_loop3A_264, %parallel_loop3A_265] {strides = array<i32>} : memref<200x128xi32, #tpu.memory_space<vmem>>, vector<1x16xi32>,
        %parallel_loop3A_267 = vector.shape_cast %parallel_loop3A_266 : vector<1x16xi32> to vector<16xi32>
        %parallel_loop3A_268 = arith.constant 3 : i32
        %parallel_loop3A_269 = vector.broadcast %parallel_loop3A_268 : i32 to vector<16xi32>
        %parallel_loop3A_270 = arith.andi %parallel_loop3A_267, %parallel_loop3A_269 : vector<16xi32>
        %parallel_loop3A_271 = arith.constant 32 : i32
        %parallel_loop3A_272 = vector.broadcast %parallel_loop3A_271 : i32 to vector<16xi32>
        %parallel_loop3A_273 = arith.muli %parallel_loop3A_270, %parallel_loop3A_272 : vector<16xi32>
        %parallel_loop3A_274 = arith.constant 0 : i32
        %parallel_loop3A_275 = arith.addi %parallel_loop3A_263, %parallel_loop3A_274 : i32
        %parallel_loop3A_276 = vector.extract_strided_slice %parallel_loop3A_273 {offsets = [0], sizes = [1], strides = [1]} : vector<16xi32> to vector<1xi32>
        %parallel_loop3A_277 = vector.extract %parallel_loop3A_276[0] : i32 from vector<1xi32>
        %parallel_loop3A_278 = arith.constant 0 : i32
        %parallel_loop3A_279 = arith.addi %parallel_loop3A_277, %parallel_loop3A_278 : i32
        %parallel_loop3A_280 = arith.constant 0 : i32
        %parallel_loop3A_281 = arith.index_cast %parallel_loop3A_280 : i32 to index
        %parallel_loop3A_282 = arith.index_cast %parallel_loop3A_275 : i32 to index
        %parallel_loop3A_283 = arith.index_cast %parallel_loop3A_279 : i32 to index
        %parallel_loop3A_284 = tpu.vector_load %arg8[%parallel_loop3A_281, %parallel_loop3A_282, %parallel_loop3A_283] {strides = array<i32>} : memref<2x128x128xf32, #tpu.memory_space<vmem>>, vector<1x1x16xf32>,
        %parallel_loop3A_285 = vector.shape_cast %parallel_loop3A_284 : vector<1x1x16xf32> to vector<16xf32>
        %parallel_loop3A_286 = arith.constant 5.65685415 : f32
        %parallel_loop3A_287 = vector.broadcast %parallel_loop3A_286 : f32 to vector<16xf32>
        %parallel_loop3A_288 = arith.mulf %parallel_loop3A_285, %parallel_loop3A_287 : vector<16xf32>
        %parallel_loop3A_289 = arith.addf %parallel_loop3A_288, %get3A_185 : vector<16xf32>
        %parallel_loop3A_290 = arith.constant 0 : i32
        %parallel_loop3A_291 = arith.index_cast %parallel_loop3A_290 : i32 to index
        %parallel_loop3A_292 = arith.index_cast %parallel_loop3A_275 : i32 to index
        %parallel_loop3A_293 = arith.constant 0 : index
        %parallel_loop3A_294 = tpu.vector_load %arg9[%parallel_loop3A_291, %parallel_loop3A_292, %parallel_loop3A_293] {strides = array<i32>} : memref<2x128x32xf32, #tpu.memory_space<vmem>>, vector<1x1x16xf32>,
        %parallel_loop3A_295 = vector.shape_cast %parallel_loop3A_294 : vector<1x1x16xf32> to vector<16xf32>
        %parallel_loop3A_296 = vector.shape_cast %parallel_loop3A_289 : vector<16xf32> to vector<1x1x16xf32>
        tpu.vector_store %arg9[%parallel_loop3A_291, %parallel_loop3A_292, %parallel_loop3A_293], %parallel_loop3A_296 {strides = array<i32>} : memref<2x128x32xf32, #tpu.memory_space<vmem>>, vector<1x1x16xf32>,
        %parallel_loop3A_297 = arith.constant 16 : i32
        %parallel_loop3A_298 = arith.addi %parallel_loop3A_277, %parallel_loop3A_297 : i32
        %parallel_loop3A_299 = arith.constant 0 : i32
        %parallel_loop3A_300 = arith.index_cast %parallel_loop3A_299 : i32 to index
        %parallel_loop3A_301 = arith.index_cast %parallel_loop3A_275 : i32 to index
        %parallel_loop3A_302 = arith.index_cast %parallel_loop3A_298 : i32 to index
        %parallel_loop3A_303 = tpu.vector_load %arg8[%parallel_loop3A_300, %parallel_loop3A_301, %parallel_loop3A_302] {strides = array<i32>} : memref<2x128x128xf32, #tpu.memory_space<vmem>>, vector<1x1x16xf32>,
        %parallel_loop3A_304 = vector.shape_cast %parallel_loop3A_303 : vector<1x1x16xf32> to vector<16xf32>
        %parallel_loop3A_305 = arith.constant 5.65685415 : f32
        %parallel_loop3A_306 = vector.broadcast %parallel_loop3A_305 : f32 to vector<16xf32>
        %parallel_loop3A_307 = arith.mulf %parallel_loop3A_304, %parallel_loop3A_306 : vector<16xf32>
        %parallel_loop3A_308 = arith.addf %parallel_loop3A_307, %get3A_189 : vector<16xf32>
        %parallel_loop3A_309 = arith.constant 0 : i32
        %parallel_loop3A_310 = arith.index_cast %parallel_loop3A_309 : i32 to index
        %parallel_loop3A_311 = arith.index_cast %parallel_loop3A_275 : i32 to index
        %parallel_loop3A_312 = arith.constant 16 : index
        %parallel_loop3A_313 = tpu.vector_load %arg9[%parallel_loop3A_310, %parallel_loop3A_311, %parallel_loop3A_312] {strides = array<i32>} : memref<2x128x32xf32, #tpu.memory_space<vmem>>, vector<1x1x16xf32>,
        %parallel_loop3A_314 = vector.shape_cast %parallel_loop3A_313 : vector<1x1x16xf32> to vector<16xf32>
        %parallel_loop3A_315 = vector.shape_cast %parallel_loop3A_308 : vector<16xf32> to vector<1x1x16xf32>
        tpu.vector_store %arg9[%parallel_loop3A_310, %parallel_loop3A_311, %parallel_loop3A_312], %parallel_loop3A_315 {strides = array<i32>} : memref<2x128x32xf32, #tpu.memory_space<vmem>>, vector<1x1x16xf32>,
        %parallel_loop3A_316 = arith.constant 1 : i32
        %parallel_loop3A_317 = arith.addi %parallel_loop3A_263, %parallel_loop3A_316 : i32
        %parallel_loop3A_318 = vector.extract_strided_slice %parallel_loop3A_273 {offsets = [1], sizes = [1], strides = [1]} : vector<16xi32> to vector<1xi32>
        %parallel_loop3A_319 = vector.extract %parallel_loop3A_318[0] : i32 from vector<1xi32>
        %parallel_loop3A_320 = arith.constant 0 : i32
        %parallel_loop3A_321 = arith.addi %parallel_loop3A_319, %parallel_loop3A_320 : i32
        %parallel_loop3A_322 = arith.constant 0 : i32
        %parallel_loop3A_323 = arith.index_cast %parallel_loop3A_322 : i32 to index
        %parallel_loop3A_324 = arith.index_cast %parallel_loop3A_317 : i32 to index
        %parallel_loop3A_325 = arith.index_cast %parallel_loop3A_321 : i32 to index
        %parallel_loop3A_326 = tpu.vector_load %arg8[%parallel_loop3A_323, %parallel_loop3A_324, %parallel_loop3A_325] {strides = array<i32>} : memref<2x128x128xf32, #tpu.memory_space<vmem>>, vector<1x1x16xf32>,
        %parallel_loop3A_327 = vector.shape_cast %parallel_loop3A_326 : vector<1x1x16xf32> to vector<16xf32>
        %parallel_loop3A_328 = arith.constant 5.65685415 : f32
        %parallel_loop3A_329 = vector.broadcast %parallel_loop3A_328 : f32 to vector<16xf32>
        %parallel_loop3A_330 = arith.mulf %parallel_loop3A_327, %parallel_loop3A_329 : vector<16xf32>
        %parallel_loop3A_331 = arith.addf %parallel_loop3A_330, %get3A_185 : vector<16xf32>
        %parallel_loop3A_332 = arith.constant 0 : i32
        %parallel_loop3A_333 = arith.index_cast %parallel_loop3A_332 : i32 to index
        %parallel_loop3A_334 = arith.index_cast %parallel_loop3A_317 : i32 to index
        %parallel_loop3A_335 = arith.constant 0 : index
        %parallel_loop3A_336 = tpu.vector_load %arg9[%parallel_loop3A_333, %parallel_loop3A_334, %parallel_loop3A_335] {strides = array<i32>} : memref<2x128x32xf32, #tpu.memory_space<vmem>>, vector<1x1x16xf32>,
        %parallel_loop3A_337 = vector.shape_cast %parallel_loop3A_336 : vector<1x1x16xf32> to vector<16xf32>
        %parallel_loop3A_338 = vector.shape_cast %parallel_loop3A_331 : vector<16xf32> to vector<1x1x16xf32>
        tpu.vector_store %arg9[%parallel_loop3A_333, %parallel_loop3A_334, %parallel_loop3A_335], %parallel_loop3A_338 {strides = array<i32>} : memref<2x128x32xf32, #tpu.memory_space<vmem>>, vector<1x1x16xf32>,
        %parallel_loop3A_339 = arith.constant 16 : i32
        %parallel_loop3A_340 = arith.addi %parallel_loop3A_319, %parallel_loop3A_339 : i32
        %parallel_loop3A_341 = arith.constant 0 : i32
        %parallel_loop3A_342 = arith.index_cast %parallel_loop3A_341 : i32 to index
        %parallel_loop3A_343 = arith.index_cast %parallel_loop3A_317 : i32 to index
        %parallel_loop3A_344 = arith.index_cast %parallel_loop3A_340 : i32 to index
        %parallel_loop3A_345 = tpu.vector_load %arg8[%parallel_loop3A_342, %parallel_loop3A_343, %parallel_loop3A_344] {strides = array<i32>} : memref<2x128x128xf32, #tpu.memory_space<vmem>>, vector<1x1x16xf32>,
        %parallel_loop3A_346 = vector.shape_cast %parallel_loop3A_345 : vector<1x1x16xf32> to vector<16xf32>
        %parallel_loop3A_347 = arith.constant 5.65685415 : f32
        %parallel_loop3A_348 = vector.broadcast %parallel_loop3A_347 : f32 to vector<16xf32>
        %parallel_loop3A_349 = arith.mulf %parallel_loop3A_346, %parallel_loop3A_348 : vector<16xf32>
        %parallel_loop3A_350 = arith.addf %parallel_loop3A_349, %get3A_189 : vector<16xf32>
        %parallel_loop3A_351 = arith.constant 0 : i32
        %parallel_loop3A_352 = arith.index_cast %parallel_loop3A_351 : i32 to index
        %parallel_loop3A_353 = arith.index_cast %parallel_loop3A_317 : i32 to index
        %parallel_loop3A_354 = arith.constant 16 : index
        %parallel_loop3A_355 = tpu.vector_load %arg9[%parallel_loop3A_352, %parallel_loop3A_353, %parallel_loop3A_354] {strides = array<i32>} : memref<2x128x32xf32, #tpu.memory_space<vmem>>, vector<1x1x16xf32>,
        %parallel_loop3A_356 = vector.shape_cast %parallel_loop3A_355 : vector<1x1x16xf32> to vector<16xf32>
        %parallel_loop3A_357 = vector.shape_cast %parallel_loop3A_350 : vector<16xf32> to vector<1x1x16xf32>
        tpu.vector_store %arg9[%parallel_loop3A_352, %parallel_loop3A_353, %parallel_loop3A_354], %parallel_loop3A_357 {strides = array<i32>} : memref<2x128x32xf32, #tpu.memory_space<vmem>>, vector<1x1x16xf32>,
        %parallel_loop3A_358 = arith.constant 2 : i32
        %parallel_loop3A_359 = arith.addi %parallel_loop3A_263, %parallel_loop3A_358 : i32
        %parallel_loop3A_360 = vector.extract_strided_slice %parallel_loop3A_273 {offsets = [2], sizes = [1], strides = [1]} : vector<16xi32> to vector<1xi32>
        %parallel_loop3A_361 = vector.extract %parallel_loop3A_360[0] : i32 from vector<1xi32>
        %parallel_loop3A_362 = arith.constant 0 : i32
        %parallel_loop3A_363 = arith.addi %parallel_loop3A_361, %parallel_loop3A_362 : i32
        %parallel_loop3A_364 = arith.constant 0 : i32
        %parallel_loop3A_365 = arith.index_cast %parallel_loop3A_364 : i32 to index
        %parallel_loop3A_366 = arith.index_cast %parallel_loop3A_359 : i32 to index
        %parallel_loop3A_367 = arith.index_cast %parallel_loop3A_363 : i32 to index
        %parallel_loop3A_368 = tpu.vector_load %arg8[%parallel_loop3A_365, %parallel_loop3A_366, %parallel_loop3A_367] {strides = array<i32>} : memref<2x128x128xf32, #tpu.memory_space<vmem>>, vector<1x1x16xf32>,
        %parallel_loop3A_369 = vector.shape_cast %parallel_loop3A_368 : vector<1x1x16xf32> to vector<16xf32>
        %parallel_loop3A_370 = arith.constant 5.65685415 : f32
        %parallel_loop3A_371 = vector.broadcast %parallel_loop3A_370 : f32 to vector<16xf32>
        %parallel_loop3A_372 = arith.mulf %parallel_loop3A_369, %parallel_loop3A_371 : vector<16xf32>
        %parallel_loop3A_373 = arith.addf %parallel_loop3A_372, %get3A_185 : vector<16xf32>
        %parallel_loop3A_374 = arith.constant 0 : i32
        %parallel_loop3A_375 = arith.index_cast %parallel_loop3A_374 : i32 to index
        %parallel_loop3A_376 = arith.index_cast %parallel_loop3A_359 : i32 to index
        %parallel_loop3A_377 = arith.constant 0 : index
        %parallel_loop3A_378 = tpu.vector_load %arg9[%parallel_loop3A_375, %parallel_loop3A_376, %parallel_loop3A_377] {strides = array<i32>} : memref<2x128x32xf32, #tpu.memory_space<vmem>>, vector<1x1x16xf32>,
        %parallel_loop3A_379 = vector.shape_cast %parallel_loop3A_378 : vector<1x1x16xf32> to vector<16xf32>
        %parallel_loop3A_380 = vector.shape_cast %parallel_loop3A_373 : vector<16xf32> to vector<1x1x16xf32>
        tpu.vector_store %arg9[%parallel_loop3A_375, %parallel_loop3A_376, %parallel_loop3A_377], %parallel_loop3A_380 {strides = array<i32>} : memref<2x128x32xf32, #tpu.memory_space<vmem>>, vector<1x1x16xf32>,
        %parallel_loop3A_381 = arith.constant 16 : i32
        %parallel_loop3A_382 = arith.addi %parallel_loop3A_361, %parallel_loop3A_381 : i32
        %parallel_loop3A_383 = arith.constant 0 : i32
        %parallel_loop3A_384 = arith.index_cast %parallel_loop3A_383 : i32 to index
        %parallel_loop3A_385 = arith.index_cast %parallel_loop3A_359 : i32 to index
        %parallel_loop3A_386 = arith.index_cast %parallel_loop3A_382 : i32 to index
        %parallel_loop3A_387 = tpu.vector_load %arg8[%parallel_loop3A_384, %parallel_loop3A_385, %parallel_loop3A_386] {strides = array<i32>} : memref<2x128x128xf32, #tpu.memory_space<vmem>>, vector<1x1x16xf32>,
        %parallel_loop3A_388 = vector.shape_cast %parallel_loop3A_387 : vector<1x1x16xf32> to vector<16xf32>
        %parallel_loop3A_389 = arith.constant 5.65685415 : f32
        %parallel_loop3A_390 = vector.broadcast %parallel_loop3A_389 : f32 to vector<16xf32>
        %parallel_loop3A_391 = arith.mulf %parallel_loop3A_388, %parallel_loop3A_390 : vector<16xf32>
        %parallel_loop3A_392 = arith.addf %parallel_loop3A_391, %get3A_189 : vector<16xf32>
        %parallel_loop3A_393 = arith.constant 0 : i32
        %parallel_loop3A_394 = arith.index_cast %parallel_loop3A_393 : i32 to index
        %parallel_loop3A_395 = arith.index_cast %parallel_loop3A_359 : i32 to index
        %parallel_loop3A_396 = arith.constant 16 : index
        %parallel_loop3A_397 = tpu.vector_load %arg9[%parallel_loop3A_394, %parallel_loop3A_395, %parallel_loop3A_396] {strides = array<i32>} : memref<2x128x32xf32, #tpu.memory_space<vmem>>, vector<1x1x16xf32>,
        %parallel_loop3A_398 = vector.shape_cast %parallel_loop3A_397 : vector<1x1x16xf32> to vector<16xf32>
        %parallel_loop3A_399 = vector.shape_cast %parallel_loop3A_392 : vector<16xf32> to vector<1x1x16xf32>
        tpu.vector_store %arg9[%parallel_loop3A_394, %parallel_loop3A_395, %parallel_loop3A_396], %parallel_loop3A_399 {strides = array<i32>} : memref<2x128x32xf32, #tpu.memory_space<vmem>>, vector<1x1x16xf32>,
        %parallel_loop3A_400 = arith.constant 3 : i32
        %parallel_loop3A_401 = arith.addi %parallel_loop3A_263, %parallel_loop3A_400 : i32
        %parallel_loop3A_402 = vector.extract_strided_slice %parallel_loop3A_273 {offsets = [3], sizes = [1], strides = [1]} : vector<16xi32> to vector<1xi32>
        %parallel_loop3A_403 = vector.extract %parallel_loop3A_402[0] : i32 from vector<1xi32>
        %parallel_loop3A_404 = arith.constant 0 : i32
        %parallel_loop3A_405 = arith.addi %parallel_loop3A_403, %parallel_loop3A_404 : i32
        %parallel_loop3A_406 = arith.constant 0 : i32
        %parallel_loop3A_407 = arith.index_cast %parallel_loop3A_406 : i32 to index
        %parallel_loop3A_408 = arith.index_cast %parallel_loop3A_401 : i32 to index
        %parallel_loop3A_409 = arith.index_cast %parallel_loop3A_405 : i32 to index
        %parallel_loop3A_410 = tpu.vector_load %arg8[%parallel_loop3A_407, %parallel_loop3A_408, %parallel_loop3A_409] {strides = array<i32>} : memref<2x128x128xf32, #tpu.memory_space<vmem>>, vector<1x1x16xf32>,
        %parallel_loop3A_411 = vector.shape_cast %parallel_loop3A_410 : vector<1x1x16xf32> to vector<16xf32>
        %parallel_loop3A_412 = arith.constant 5.65685415 : f32
        %parallel_loop3A_413 = vector.broadcast %parallel_loop3A_412 : f32 to vector<16xf32>
        %parallel_loop3A_414 = arith.mulf %parallel_loop3A_411, %parallel_loop3A_413 : vector<16xf32>
        %parallel_loop3A_415 = arith.addf %parallel_loop3A_414, %get3A_185 : vector<16xf32>
        %parallel_loop3A_416 = arith.constant 0 : i32
        %parallel_loop3A_417 = arith.index_cast %parallel_loop3A_416 : i32 to index
        %parallel_loop3A_418 = arith.index_cast %parallel_loop3A_401 : i32 to index
        %parallel_loop3A_419 = arith.constant 0 : index
        %parallel_loop3A_420 = tpu.vector_load %arg9[%parallel_loop3A_417, %parallel_loop3A_418, %parallel_loop3A_419] {strides = array<i32>} : memref<2x128x32xf32, #tpu.memory_space<vmem>>, vector<1x1x16xf32>,
        %parallel_loop3A_421 = vector.shape_cast %parallel_loop3A_420 : vector<1x1x16xf32> to vector<16xf32>
        %parallel_loop3A_422 = vector.shape_cast %parallel_loop3A_415 : vector<16xf32> to vector<1x1x16xf32>
        tpu.vector_store %arg9[%parallel_loop3A_417, %parallel_loop3A_418, %parallel_loop3A_419], %parallel_loop3A_422 {strides = array<i32>} : memref<2x128x32xf32, #tpu.memory_space<vmem>>, vector<1x1x16xf32>,
        %parallel_loop3A_423 = arith.constant 16 : i32
        %parallel_loop3A_424 = arith.addi %parallel_loop3A_403, %parallel_loop3A_423 : i32
        %parallel_loop3A_425 = arith.constant 0 : i32
        %parallel_loop3A_426 = arith.index_cast %parallel_loop3A_425 : i32 to index
        %parallel_loop3A_427 = arith.index_cast %parallel_loop3A_401 : i32 to index
        %parallel_loop3A_428 = arith.index_cast %parallel_loop3A_424 : i32 to index
        %parallel_loop3A_429 = tpu.vector_load %arg8[%parallel_loop3A_426, %parallel_loop3A_427, %parallel_loop3A_428] {strides = array<i32>} : memref<2x128x128xf32, #tpu.memory_space<vmem>>, vector<1x1x16xf32>,
        %parallel_loop3A_430 = vector.shape_cast %parallel_loop3A_429 : vector<1x1x16xf32> to vector<16xf32>
        %parallel_loop3A_431 = arith.constant 5.65685415 : f32
        %parallel_loop3A_432 = vector.broadcast %parallel_loop3A_431 : f32 to vector<16xf32>
        %parallel_loop3A_433 = arith.mulf %parallel_loop3A_430, %parallel_loop3A_432 : vector<16xf32>
        %parallel_loop3A_434 = arith.addf %parallel_loop3A_433, %get3A_189 : vector<16xf32>
        %parallel_loop3A_435 = arith.constant 0 : i32
        %parallel_loop3A_436 = arith.index_cast %parallel_loop3A_435 : i32 to index
        %parallel_loop3A_437 = arith.index_cast %parallel_loop3A_401 : i32 to index
        %parallel_loop3A_438 = arith.constant 16 : index
        %parallel_loop3A_439 = tpu.vector_load %arg9[%parallel_loop3A_436, %parallel_loop3A_437, %parallel_loop3A_438] {strides = array<i32>} : memref<2x128x32xf32, #tpu.memory_space<vmem>>, vector<1x1x16xf32>,
        %parallel_loop3A_440 = vector.shape_cast %parallel_loop3A_439 : vector<1x1x16xf32> to vector<16xf32>
        %parallel_loop3A_441 = vector.shape_cast %parallel_loop3A_434 : vector<16xf32> to vector<1x1x16xf32>
        tpu.vector_store %arg9[%parallel_loop3A_436, %parallel_loop3A_437, %parallel_loop3A_438], %parallel_loop3A_441 {strides = array<i32>} : memref<2x128x32xf32, #tpu.memory_space<vmem>>, vector<1x1x16xf32>,
        %parallel_loop3A_442 = arith.constant 4 : i32
        %parallel_loop3A_443 = arith.addi %parallel_loop3A_263, %parallel_loop3A_442 : i32
        %parallel_loop3A_444 = vector.extract_strided_slice %parallel_loop3A_273 {offsets = [4], sizes = [1], strides = [1]} : vector<16xi32> to vector<1xi32>
        %parallel_loop3A_445 = vector.extract %parallel_loop3A_444[0] : i32 from vector<1xi32>
        %parallel_loop3A_446 = arith.constant 0 : i32
        %parallel_loop3A_447 = arith.addi %parallel_loop3A_445, %parallel_loop3A_446 : i32
        %parallel_loop3A_448 = arith.constant 0 : i32
        %parallel_loop3A_449 = arith.index_cast %parallel_loop3A_448 : i32 to index
        %parallel_loop3A_450 = arith.index_cast %parallel_loop3A_443 : i32 to index
        %parallel_loop3A_451 = arith.index_cast %parallel_loop3A_447 : i32 to index
        %parallel_loop3A_452 = tpu.vector_load %arg8[%parallel_loop3A_449, %parallel_loop3A_450, %parallel_loop3A_451] {strides = array<i32>} : memref<2x128x128xf32, #tpu.memory_space<vmem>>, vector<1x1x16xf32>,
        %parallel_loop3A_453 = vector.shape_cast %parallel_loop3A_452 : vector<1x1x16xf32> to vector<16xf32>
        %parallel_loop3A_454 = arith.constant 5.65685415 : f32
        %parallel_loop3A_455 = vector.broadcast %parallel_loop3A_454 : f32 to vector<16xf32>
        %parallel_loop3A_456 = arith.mulf %parallel_loop3A_453, %parallel_loop3A_455 : vector<16xf32>
        %parallel_loop3A_457 = arith.addf %parallel_loop3A_456, %get3A_185 : vector<16xf32>
        %parallel_loop3A_458 = arith.constant 0 : i32
        %parallel_loop3A_459 = arith.index_cast %parallel_loop3A_458 : i32 to index
        %parallel_loop3A_460 = arith.index_cast %parallel_loop3A_443 : i32 to index
        %parallel_loop3A_461 = arith.constant 0 : index
        %parallel_loop3A_462 = tpu.vector_load %arg9[%parallel_loop3A_459, %parallel_loop3A_460, %parallel_loop3A_461] {strides = array<i32>} : memref<2x128x32xf32, #tpu.memory_space<vmem>>, vector<1x1x16xf32>,
        %parallel_loop3A_463 = vector.shape_cast %parallel_loop3A_462 : vector<1x1x16xf32> to vector<16xf32>
        %parallel_loop3A_464 = vector.shape_cast %parallel_loop3A_457 : vector<16xf32> to vector<1x1x16xf32>
        tpu.vector_store %arg9[%parallel_loop3A_459, %parallel_loop3A_460, %parallel_loop3A_461], %parallel_loop3A_464 {strides = array<i32>} : memref<2x128x32xf32, #tpu.memory_space<vmem>>, vector<1x1x16xf32>,
        %parallel_loop3A_465 = arith.constant 16 : i32
        %parallel_loop3A_466 = arith.addi %parallel_loop3A_445, %parallel_loop3A_465 : i32
        %parallel_loop3A_467 = arith.constant 0 : i32
        %parallel_loop3A_468 = arith.index_cast %parallel_loop3A_467 : i32 to index
        %parallel_loop3A_469 = arith.index_cast %parallel_loop3A_443 : i32 to index
        %parallel_loop3A_470 = arith.index_cast %parallel_loop3A_466 : i32 to index
        %parallel_loop3A_471 = tpu.vector_load %arg8[%parallel_loop3A_468, %parallel_loop3A_469, %parallel_loop3A_470] {strides = array<i32>} : memref<2x128x128xf32, #tpu.memory_space<vmem>>, vector<1x1x16xf32>,
        %parallel_loop3A_472 = vector.shape_cast %parallel_loop3A_471 : vector<1x1x16xf32> to vector<16xf32>
        %parallel_loop3A_473 = arith.constant 5.65685415 : f32
        %parallel_loop3A_474 = vector.broadcast %parallel_loop3A_473 : f32 to vector<16xf32>
        %parallel_loop3A_475 = arith.mulf %parallel_loop3A_472, %parallel_loop3A_474 : vector<16xf32>
        %parallel_loop3A_476 = arith.addf %parallel_loop3A_475, %get3A_189 : vector<16xf32>
        %parallel_loop3A_477 = arith.constant 0 : i32
        %parallel_loop3A_478 = arith.index_cast %parallel_loop3A_477 : i32 to index
        %parallel_loop3A_479 = arith.index_cast %parallel_loop3A_443 : i32 to index
        %parallel_loop3A_480 = arith.constant 16 : index
        %parallel_loop3A_481 = tpu.vector_load %arg9[%parallel_loop3A_478, %parallel_loop3A_479, %parallel_loop3A_480] {strides = array<i32>} : memref<2x128x32xf32, #tpu.memory_space<vmem>>, vector<1x1x16xf32>,
        %parallel_loop3A_482 = vector.shape_cast %parallel_loop3A_481 : vector<1x1x16xf32> to vector<16xf32>
        %parallel_loop3A_483 = vector.shape_cast %parallel_loop3A_476 : vector<16xf32> to vector<1x1x16xf32>
        tpu.vector_store %arg9[%parallel_loop3A_478, %parallel_loop3A_479, %parallel_loop3A_480], %parallel_loop3A_483 {strides = array<i32>} : memref<2x128x32xf32, #tpu.memory_space<vmem>>, vector<1x1x16xf32>,
        %parallel_loop3A_484 = arith.constant 5 : i32
        %parallel_loop3A_485 = arith.addi %parallel_loop3A_263, %parallel_loop3A_484 : i32
        %parallel_loop3A_486 = vector.extract_strided_slice %parallel_loop3A_273 {offsets = [5], sizes = [1], strides = [1]} : vector<16xi32> to vector<1xi32>
        %parallel_loop3A_487 = vector.extract %parallel_loop3A_486[0] : i32 from vector<1xi32>
        %parallel_loop3A_488 = arith.constant 0 : i32
        %parallel_loop3A_489 = arith.addi %parallel_loop3A_487, %parallel_loop3A_488 : i32
        %parallel_loop3A_490 = arith.constant 0 : i32
        %parallel_loop3A_491 = arith.index_cast %parallel_loop3A_490 : i32 to index
        %parallel_loop3A_492 = arith.index_cast %parallel_loop3A_485 : i32 to index
        %parallel_loop3A_493 = arith.index_cast %parallel_loop3A_489 : i32 to index
        %parallel_loop3A_494 = tpu.vector_load %arg8[%parallel_loop3A_491, %parallel_loop3A_492, %parallel_loop3A_493] {strides = array<i32>} : memref<2x128x128xf32, #tpu.memory_space<vmem>>, vector<1x1x16xf32>,
        %parallel_loop3A_495 = vector.shape_cast %parallel_loop3A_494 : vector<1x1x16xf32> to vector<16xf32>
        %parallel_loop3A_496 = arith.constant 5.65685415 : f32
        %parallel_loop3A_497 = vector.broadcast %parallel_loop3A_496 : f32 to vector<16xf32>
        %parallel_loop3A_498 = arith.mulf %parallel_loop3A_495, %parallel_loop3A_497 : vector<16xf32>
        %parallel_loop3A_499 = arith.addf %parallel_loop3A_498, %get3A_185 : vector<16xf32>
        %parallel_loop3A_500 = arith.constant 0 : i32
        %parallel_loop3A_501 = arith.index_cast %parallel_loop3A_500 : i32 to index
        %parallel_loop3A_502 = arith.index_cast %parallel_loop3A_485 : i32 to index
        %parallel_loop3A_503 = arith.constant 0 : index
        %parallel_loop3A_504 = tpu.vector_load %arg9[%parallel_loop3A_501, %parallel_loop3A_502, %parallel_loop3A_503] {strides = array<i32>} : memref<2x128x32xf32, #tpu.memory_space<vmem>>, vector<1x1x16xf32>,
        %parallel_loop3A_505 = vector.shape_cast %parallel_loop3A_504 : vector<1x1x16xf32> to vector<16xf32>
        %parallel_loop3A_506 = vector.shape_cast %parallel_loop3A_499 : vector<16xf32> to vector<1x1x16xf32>
        tpu.vector_store %arg9[%parallel_loop3A_501, %parallel_loop3A_502, %parallel_loop3A_503], %parallel_loop3A_506 {strides = array<i32>} : memref<2x128x32xf32, #tpu.memory_space<vmem>>, vector<1x1x16xf32>,
        %parallel_loop3A_507 = arith.constant 16 : i32
        %parallel_loop3A_508 = arith.addi %parallel_loop3A_487, %parallel_loop3A_507 : i32
        %parallel_loop3A_509 = arith.constant 0 : i32
        %parallel_loop3A_510 = arith.index_cast %parallel_loop3A_509 : i32 to index
        %parallel_loop3A_511 = arith.index_cast %parallel_loop3A_485 : i32 to index
        %parallel_loop3A_512 = arith.index_cast %parallel_loop3A_508 : i32 to index
        %parallel_loop3A_513 = tpu.vector_load %arg8[%parallel_loop3A_510, %parallel_loop3A_511, %parallel_loop3A_512] {strides = array<i32>} : memref<2x128x128xf32, #tpu.memory_space<vmem>>, vector<1x1x16xf32>,
        %parallel_loop3A_514 = vector.shape_cast %parallel_loop3A_513 : vector<1x1x16xf32> to vector<16xf32>
        %parallel_loop3A_515 = arith.constant 5.65685415 : f32
        %parallel_loop3A_516 = vector.broadcast %parallel_loop3A_515 : f32 to vector<16xf32>
        %parallel_loop3A_517 = arith.mulf %parallel_loop3A_514, %parallel_loop3A_516 : vector<16xf32>
        %parallel_loop3A_518 = arith.addf %parallel_loop3A_517, %get3A_189 : vector<16xf32>
        %parallel_loop3A_519 = arith.constant 0 : i32
        %parallel_loop3A_520 = arith.index_cast %parallel_loop3A_519 : i32 to index
        %parallel_loop3A_521 = arith.index_cast %parallel_loop3A_485 : i32 to index
        %parallel_loop3A_522 = arith.constant 16 : index
        %parallel_loop3A_523 = tpu.vector_load %arg9[%parallel_loop3A_520, %parallel_loop3A_521, %parallel_loop3A_522] {strides = array<i32>} : memref<2x128x32xf32, #tpu.memory_space<vmem>>, vector<1x1x16xf32>,
        %parallel_loop3A_524 = vector.shape_cast %parallel_loop3A_523 : vector<1x1x16xf32> to vector<16xf32>
        %parallel_loop3A_525 = vector.shape_cast %parallel_loop3A_518 : vector<16xf32> to vector<1x1x16xf32>
        tpu.vector_store %arg9[%parallel_loop3A_520, %parallel_loop3A_521, %parallel_loop3A_522], %parallel_loop3A_525 {strides = array<i32>} : memref<2x128x32xf32, #tpu.memory_space<vmem>>, vector<1x1x16xf32>,
        %parallel_loop3A_526 = arith.constant 6 : i32
        %parallel_loop3A_527 = arith.addi %parallel_loop3A_263, %parallel_loop3A_526 : i32
        %parallel_loop3A_528 = vector.extract_strided_slice %parallel_loop3A_273 {offsets = [6], sizes = [1], strides = [1]} : vector<16xi32> to vector<1xi32>
        %parallel_loop3A_529 = vector.extract %parallel_loop3A_528[0] : i32 from vector<1xi32>
        %parallel_loop3A_530 = arith.constant 0 : i32
        %parallel_loop3A_531 = arith.addi %parallel_loop3A_529, %parallel_loop3A_530 : i32
        %parallel_loop3A_532 = arith.constant 0 : i32
        %parallel_loop3A_533 = arith.index_cast %parallel_loop3A_532 : i32 to index
        %parallel_loop3A_534 = arith.index_cast %parallel_loop3A_527 : i32 to index
        %parallel_loop3A_535 = arith.index_cast %parallel_loop3A_531 : i32 to index
        %parallel_loop3A_536 = tpu.vector_load %arg8[%parallel_loop3A_533, %parallel_loop3A_534, %parallel_loop3A_535] {strides = array<i32>} : memref<2x128x128xf32, #tpu.memory_space<vmem>>, vector<1x1x16xf32>,
        %parallel_loop3A_537 = vector.shape_cast %parallel_loop3A_536 : vector<1x1x16xf32> to vector<16xf32>
        %parallel_loop3A_538 = arith.constant 5.65685415 : f32
        %parallel_loop3A_539 = vector.broadcast %parallel_loop3A_538 : f32 to vector<16xf32>
        %parallel_loop3A_540 = arith.mulf %parallel_loop3A_537, %parallel_loop3A_539 : vector<16xf32>
        %parallel_loop3A_541 = arith.addf %parallel_loop3A_540, %get3A_185 : vector<16xf32>
        %parallel_loop3A_542 = arith.constant 0 : i32
        %parallel_loop3A_543 = arith.index_cast %parallel_loop3A_542 : i32 to index
        %parallel_loop3A_544 = arith.index_cast %parallel_loop3A_527 : i32 to index
        %parallel_loop3A_545 = arith.constant 0 : index
        %parallel_loop3A_546 = tpu.vector_load %arg9[%parallel_loop3A_543, %parallel_loop3A_544, %parallel_loop3A_545] {strides = array<i32>} : memref<2x128x32xf32, #tpu.memory_space<vmem>>, vector<1x1x16xf32>,
        %parallel_loop3A_547 = vector.shape_cast %parallel_loop3A_546 : vector<1x1x16xf32> to vector<16xf32>
        %parallel_loop3A_548 = vector.shape_cast %parallel_loop3A_541 : vector<16xf32> to vector<1x1x16xf32>
        tpu.vector_store %arg9[%parallel_loop3A_543, %parallel_loop3A_544, %parallel_loop3A_545], %parallel_loop3A_548 {strides = array<i32>} : memref<2x128x32xf32, #tpu.memory_space<vmem>>, vector<1x1x16xf32>,
        %parallel_loop3A_549 = arith.constant 16 : i32
        %parallel_loop3A_550 = arith.addi %parallel_loop3A_529, %parallel_loop3A_549 : i32
        %parallel_loop3A_551 = arith.constant 0 : i32
        %parallel_loop3A_552 = arith.index_cast %parallel_loop3A_551 : i32 to index
        %parallel_loop3A_553 = arith.index_cast %parallel_loop3A_527 : i32 to index
        %parallel_loop3A_554 = arith.index_cast %parallel_loop3A_550 : i32 to index
        %parallel_loop3A_555 = tpu.vector_load %arg8[%parallel_loop3A_552, %parallel_loop3A_553, %parallel_loop3A_554] {strides = array<i32>} : memref<2x128x128xf32, #tpu.memory_space<vmem>>, vector<1x1x16xf32>,
        %parallel_loop3A_556 = vector.shape_cast %parallel_loop3A_555 : vector<1x1x16xf32> to vector<16xf32>
        %parallel_loop3A_557 = arith.constant 5.65685415 : f32
        %parallel_loop3A_558 = vector.broadcast %parallel_loop3A_557 : f32 to vector<16xf32>
        %parallel_loop3A_559 = arith.mulf %parallel_loop3A_556, %parallel_loop3A_558 : vector<16xf32>
        %parallel_loop3A_560 = arith.addf %parallel_loop3A_559, %get3A_189 : vector<16xf32>
        %parallel_loop3A_561 = arith.constant 0 : i32
        %parallel_loop3A_562 = arith.index_cast %parallel_loop3A_561 : i32 to index
        %parallel_loop3A_563 = arith.index_cast %parallel_loop3A_527 : i32 to index
        %parallel_loop3A_564 = arith.constant 16 : index
        %parallel_loop3A_565 = tpu.vector_load %arg9[%parallel_loop3A_562, %parallel_loop3A_563, %parallel_loop3A_564] {strides = array<i32>} : memref<2x128x32xf32, #tpu.memory_space<vmem>>, vector<1x1x16xf32>,
        %parallel_loop3A_566 = vector.shape_cast %parallel_loop3A_565 : vector<1x1x16xf32> to vector<16xf32>
        %parallel_loop3A_567 = vector.shape_cast %parallel_loop3A_560 : vector<16xf32> to vector<1x1x16xf32>
        tpu.vector_store %arg9[%parallel_loop3A_562, %parallel_loop3A_563, %parallel_loop3A_564], %parallel_loop3A_567 {strides = array<i32>} : memref<2x128x32xf32, #tpu.memory_space<vmem>>, vector<1x1x16xf32>,
        %parallel_loop3A_568 = arith.constant 7 : i32
        %parallel_loop3A_569 = arith.addi %parallel_loop3A_263, %parallel_loop3A_568 : i32
        %parallel_loop3A_570 = vector.extract_strided_slice %parallel_loop3A_273 {offsets = [7], sizes = [1], strides = [1]} : vector<16xi32> to vector<1xi32>
        %parallel_loop3A_571 = vector.extract %parallel_loop3A_570[0] : i32 from vector<1xi32>
        %parallel_loop3A_572 = arith.constant 0 : i32
        %parallel_loop3A_573 = arith.addi %parallel_loop3A_571, %parallel_loop3A_572 : i32
        %parallel_loop3A_574 = arith.constant 0 : i32
        %parallel_loop3A_575 = arith.index_cast %parallel_loop3A_574 : i32 to index
        %parallel_loop3A_576 = arith.index_cast %parallel_loop3A_569 : i32 to index
        %parallel_loop3A_577 = arith.index_cast %parallel_loop3A_573 : i32 to index
        %parallel_loop3A_578 = tpu.vector_load %arg8[%parallel_loop3A_575, %parallel_loop3A_576, %parallel_loop3A_577] {strides = array<i32>} : memref<2x128x128xf32, #tpu.memory_space<vmem>>, vector<1x1x16xf32>,
        %parallel_loop3A_579 = vector.shape_cast %parallel_loop3A_578 : vector<1x1x16xf32> to vector<16xf32>
        %parallel_loop3A_580 = arith.constant 5.65685415 : f32
        %parallel_loop3A_581 = vector.broadcast %parallel_loop3A_580 : f32 to vector<16xf32>
        %parallel_loop3A_582 = arith.mulf %parallel_loop3A_579, %parallel_loop3A_581 : vector<16xf32>
        %parallel_loop3A_583 = arith.addf %parallel_loop3A_582, %get3A_185 : vector<16xf32>
        %parallel_loop3A_584 = arith.constant 0 : i32
        %parallel_loop3A_585 = arith.index_cast %parallel_loop3A_584 : i32 to index
        %parallel_loop3A_586 = arith.index_cast %parallel_loop3A_569 : i32 to index
        %parallel_loop3A_587 = arith.constant 0 : index
        %parallel_loop3A_588 = tpu.vector_load %arg9[%parallel_loop3A_585, %parallel_loop3A_586, %parallel_loop3A_587] {strides = array<i32>} : memref<2x128x32xf32, #tpu.memory_space<vmem>>, vector<1x1x16xf32>,
        %parallel_loop3A_589 = vector.shape_cast %parallel_loop3A_588 : vector<1x1x16xf32> to vector<16xf32>
        %parallel_loop3A_590 = vector.shape_cast %parallel_loop3A_583 : vector<16xf32> to vector<1x1x16xf32>
        tpu.vector_store %arg9[%parallel_loop3A_585, %parallel_loop3A_586, %parallel_loop3A_587], %parallel_loop3A_590 {strides = array<i32>} : memref<2x128x32xf32, #tpu.memory_space<vmem>>, vector<1x1x16xf32>,
        %parallel_loop3A_591 = arith.constant 16 : i32
        %parallel_loop3A_592 = arith.addi %parallel_loop3A_571, %parallel_loop3A_591 : i32
        %parallel_loop3A_593 = arith.constant 0 : i32
        %parallel_loop3A_594 = arith.index_cast %parallel_loop3A_593 : i32 to index
        %parallel_loop3A_595 = arith.index_cast %parallel_loop3A_569 : i32 to index
        %parallel_loop3A_596 = arith.index_cast %parallel_loop3A_592 : i32 to index
        %parallel_loop3A_597 = tpu.vector_load %arg8[%parallel_loop3A_594, %parallel_loop3A_595, %parallel_loop3A_596] {strides = array<i32>} : memref<2x128x128xf32, #tpu.memory_space<vmem>>, vector<1x1x16xf32>,
        %parallel_loop3A_598 = vector.shape_cast %parallel_loop3A_597 : vector<1x1x16xf32> to vector<16xf32>
        %parallel_loop3A_599 = arith.constant 5.65685415 : f32
        %parallel_loop3A_600 = vector.broadcast %parallel_loop3A_599 : f32 to vector<16xf32>
        %parallel_loop3A_601 = arith.mulf %parallel_loop3A_598, %parallel_loop3A_600 : vector<16xf32>
        %parallel_loop3A_602 = arith.addf %parallel_loop3A_601, %get3A_189 : vector<16xf32>
        %parallel_loop3A_603 = arith.constant 0 : i32
        %parallel_loop3A_604 = arith.index_cast %parallel_loop3A_603 : i32 to index
        %parallel_loop3A_605 = arith.index_cast %parallel_loop3A_569 : i32 to index
        %parallel_loop3A_606 = arith.constant 16 : index
        %parallel_loop3A_607 = tpu.vector_load %arg9[%parallel_loop3A_604, %parallel_loop3A_605, %parallel_loop3A_606] {strides = array<i32>} : memref<2x128x32xf32, #tpu.memory_space<vmem>>, vector<1x1x16xf32>,
        %parallel_loop3A_608 = vector.shape_cast %parallel_loop3A_607 : vector<1x1x16xf32> to vector<16xf32>
        %parallel_loop3A_609 = vector.shape_cast %parallel_loop3A_602 : vector<16xf32> to vector<1x1x16xf32>
        tpu.vector_store %arg9[%parallel_loop3A_604, %parallel_loop3A_605, %parallel_loop3A_606], %parallel_loop3A_609 {strides = array<i32>} : memref<2x128x32xf32, #tpu.memory_space<vmem>>, vector<1x1x16xf32>,
        %parallel_loop3A_610 = arith.constant 8 : i32
        %parallel_loop3A_611 = arith.addi %parallel_loop3A_263, %parallel_loop3A_610 : i32
        %parallel_loop3A_612 = vector.extract_strided_slice %parallel_loop3A_273 {offsets = [8], sizes = [1], strides = [1]} : vector<16xi32> to vector<1xi32>
        %parallel_loop3A_613 = vector.extract %parallel_loop3A_612[0] : i32 from vector<1xi32>
        %parallel_loop3A_614 = arith.constant 0 : i32
        %parallel_loop3A_615 = arith.addi %parallel_loop3A_613, %parallel_loop3A_614 : i32
        %parallel_loop3A_616 = arith.constant 0 : i32
        %parallel_loop3A_617 = arith.index_cast %parallel_loop3A_616 : i32 to index
        %parallel_loop3A_618 = arith.index_cast %parallel_loop3A_611 : i32 to index
        %parallel_loop3A_619 = arith.index_cast %parallel_loop3A_615 : i32 to index
        %parallel_loop3A_620 = tpu.vector_load %arg8[%parallel_loop3A_617, %parallel_loop3A_618, %parallel_loop3A_619] {strides = array<i32>} : memref<2x128x128xf32, #tpu.memory_space<vmem>>, vector<1x1x16xf32>,
        %parallel_loop3A_621 = vector.shape_cast %parallel_loop3A_620 : vector<1x1x16xf32> to vector<16xf32>
        %parallel_loop3A_622 = arith.constant 5.65685415 : f32
        %parallel_loop3A_623 = vector.broadcast %parallel_loop3A_622 : f32 to vector<16xf32>
        %parallel_loop3A_624 = arith.mulf %parallel_loop3A_621, %parallel_loop3A_623 : vector<16xf32>
        %parallel_loop3A_625 = arith.addf %parallel_loop3A_624, %get3A_185 : vector<16xf32>
        %parallel_loop3A_626 = arith.constant 0 : i32
        %parallel_loop3A_627 = arith.index_cast %parallel_loop3A_626 : i32 to index
        %parallel_loop3A_628 = arith.index_cast %parallel_loop3A_611 : i32 to index
        %parallel_loop3A_629 = arith.constant 0 : index
        %parallel_loop3A_630 = tpu.vector_load %arg9[%parallel_loop3A_627, %parallel_loop3A_628, %parallel_loop3A_629] {strides = array<i32>} : memref<2x128x32xf32, #tpu.memory_space<vmem>>, vector<1x1x16xf32>,
        %parallel_loop3A_631 = vector.shape_cast %parallel_loop3A_630 : vector<1x1x16xf32> to vector<16xf32>
        %parallel_loop3A_632 = vector.shape_cast %parallel_loop3A_625 : vector<16xf32> to vector<1x1x16xf32>
        tpu.vector_store %arg9[%parallel_loop3A_627, %parallel_loop3A_628, %parallel_loop3A_629], %parallel_loop3A_632 {strides = array<i32>} : memref<2x128x32xf32, #tpu.memory_space<vmem>>, vector<1x1x16xf32>,
        %parallel_loop3A_633 = arith.constant 16 : i32
        %parallel_loop3A_634 = arith.addi %parallel_loop3A_613, %parallel_loop3A_633 : i32
        %parallel_loop3A_635 = arith.constant 0 : i32
        %parallel_loop3A_636 = arith.index_cast %parallel_loop3A_635 : i32 to index
        %parallel_loop3A_637 = arith.index_cast %parallel_loop3A_611 : i32 to index
        %parallel_loop3A_638 = arith.index_cast %parallel_loop3A_634 : i32 to index
        %parallel_loop3A_639 = tpu.vector_load %arg8[%parallel_loop3A_636, %parallel_loop3A_637, %parallel_loop3A_638] {strides = array<i32>} : memref<2x128x128xf32, #tpu.memory_space<vmem>>, vector<1x1x16xf32>,
        %parallel_loop3A_640 = vector.shape_cast %parallel_loop3A_639 : vector<1x1x16xf32> to vector<16xf32>
        %parallel_loop3A_641 = arith.constant 5.65685415 : f32
        %parallel_loop3A_642 = vector.broadcast %parallel_loop3A_641 : f32 to vector<16xf32>
        %parallel_loop3A_643 = arith.mulf %parallel_loop3A_640, %parallel_loop3A_642 : vector<16xf32>
        %parallel_loop3A_644 = arith.addf %parallel_loop3A_643, %get3A_189 : vector<16xf32>
        %parallel_loop3A_645 = arith.constant 0 : i32
        %parallel_loop3A_646 = arith.index_cast %parallel_loop3A_645 : i32 to index
        %parallel_loop3A_647 = arith.index_cast %parallel_loop3A_611 : i32 to index
        %parallel_loop3A_648 = arith.constant 16 : index
        %parallel_loop3A_649 = tpu.vector_load %arg9[%parallel_loop3A_646, %parallel_loop3A_647, %parallel_loop3A_648] {strides = array<i32>} : memref<2x128x32xf32, #tpu.memory_space<vmem>>, vector<1x1x16xf32>,
        %parallel_loop3A_650 = vector.shape_cast %parallel_loop3A_649 : vector<1x1x16xf32> to vector<16xf32>
        %parallel_loop3A_651 = vector.shape_cast %parallel_loop3A_644 : vector<16xf32> to vector<1x1x16xf32>
        tpu.vector_store %arg9[%parallel_loop3A_646, %parallel_loop3A_647, %parallel_loop3A_648], %parallel_loop3A_651 {strides = array<i32>} : memref<2x128x32xf32, #tpu.memory_space<vmem>>, vector<1x1x16xf32>,
        %parallel_loop3A_652 = arith.constant 9 : i32
        %parallel_loop3A_653 = arith.addi %parallel_loop3A_263, %parallel_loop3A_652 : i32
        %parallel_loop3A_654 = vector.extract_strided_slice %parallel_loop3A_273 {offsets = [9], sizes = [1], strides = [1]} : vector<16xi32> to vector<1xi32>
        %parallel_loop3A_655 = vector.extract %parallel_loop3A_654[0] : i32 from vector<1xi32>
        %parallel_loop3A_656 = arith.constant 0 : i32
        %parallel_loop3A_657 = arith.addi %parallel_loop3A_655, %parallel_loop3A_656 : i32
        %parallel_loop3A_658 = arith.constant 0 : i32
        %parallel_loop3A_659 = arith.index_cast %parallel_loop3A_658 : i32 to index
        %parallel_loop3A_660 = arith.index_cast %parallel_loop3A_653 : i32 to index
        %parallel_loop3A_661 = arith.index_cast %parallel_loop3A_657 : i32 to index
        %parallel_loop3A_662 = tpu.vector_load %arg8[%parallel_loop3A_659, %parallel_loop3A_660, %parallel_loop3A_661] {strides = array<i32>} : memref<2x128x128xf32, #tpu.memory_space<vmem>>, vector<1x1x16xf32>,
        %parallel_loop3A_663 = vector.shape_cast %parallel_loop3A_662 : vector<1x1x16xf32> to vector<16xf32>
        %parallel_loop3A_664 = arith.constant 5.65685415 : f32
        %parallel_loop3A_665 = vector.broadcast %parallel_loop3A_664 : f32 to vector<16xf32>
        %parallel_loop3A_666 = arith.mulf %parallel_loop3A_663, %parallel_loop3A_665 : vector<16xf32>
        %parallel_loop3A_667 = arith.addf %parallel_loop3A_666, %get3A_185 : vector<16xf32>
        %parallel_loop3A_668 = arith.constant 0 : i32
        %parallel_loop3A_669 = arith.index_cast %parallel_loop3A_668 : i32 to index
        %parallel_loop3A_670 = arith.index_cast %parallel_loop3A_653 : i32 to index
        %parallel_loop3A_671 = arith.constant 0 : index
        %parallel_loop3A_672 = tpu.vector_load %arg9[%parallel_loop3A_669, %parallel_loop3A_670, %parallel_loop3A_671] {strides = array<i32>} : memref<2x128x32xf32, #tpu.memory_space<vmem>>, vector<1x1x16xf32>,
        %parallel_loop3A_673 = vector.shape_cast %parallel_loop3A_672 : vector<1x1x16xf32> to vector<16xf32>
        %parallel_loop3A_674 = vector.shape_cast %parallel_loop3A_667 : vector<16xf32> to vector<1x1x16xf32>
        tpu.vector_store %arg9[%parallel_loop3A_669, %parallel_loop3A_670, %parallel_loop3A_671], %parallel_loop3A_674 {strides = array<i32>} : memref<2x128x32xf32, #tpu.memory_space<vmem>>, vector<1x1x16xf32>,
        %parallel_loop3A_675 = arith.constant 16 : i32
        %parallel_loop3A_676 = arith.addi %parallel_loop3A_655, %parallel_loop3A_675 : i32
        %parallel_loop3A_677 = arith.constant 0 : i32
        %parallel_loop3A_678 = arith.index_cast %parallel_loop3A_677 : i32 to index
        %parallel_loop3A_679 = arith.index_cast %parallel_loop3A_653 : i32 to index
        %parallel_loop3A_680 = arith.index_cast %parallel_loop3A_676 : i32 to index
        %parallel_loop3A_681 = tpu.vector_load %arg8[%parallel_loop3A_678, %parallel_loop3A_679, %parallel_loop3A_680] {strides = array<i32>} : memref<2x128x128xf32, #tpu.memory_space<vmem>>, vector<1x1x16xf32>,
        %parallel_loop3A_682 = vector.shape_cast %parallel_loop3A_681 : vector<1x1x16xf32> to vector<16xf32>
        %parallel_loop3A_683 = arith.constant 5.65685415 : f32
        %parallel_loop3A_684 = vector.broadcast %parallel_loop3A_683 : f32 to vector<16xf32>
        %parallel_loop3A_685 = arith.mulf %parallel_loop3A_682, %parallel_loop3A_684 : vector<16xf32>
        %parallel_loop3A_686 = arith.addf %parallel_loop3A_685, %get3A_189 : vector<16xf32>
        %parallel_loop3A_687 = arith.constant 0 : i32
        %parallel_loop3A_688 = arith.index_cast %parallel_loop3A_687 : i32 to index
        %parallel_loop3A_689 = arith.index_cast %parallel_loop3A_653 : i32 to index
        %parallel_loop3A_690 = arith.constant 16 : index
        %parallel_loop3A_691 = tpu.vector_load %arg9[%parallel_loop3A_688, %parallel_loop3A_689, %parallel_loop3A_690] {strides = array<i32>} : memref<2x128x32xf32, #tpu.memory_space<vmem>>, vector<1x1x16xf32>,
        %parallel_loop3A_692 = vector.shape_cast %parallel_loop3A_691 : vector<1x1x16xf32> to vector<16xf32>
        %parallel_loop3A_693 = vector.shape_cast %parallel_loop3A_686 : vector<16xf32> to vector<1x1x16xf32>
        tpu.vector_store %arg9[%parallel_loop3A_688, %parallel_loop3A_689, %parallel_loop3A_690], %parallel_loop3A_693 {strides = array<i32>} : memref<2x128x32xf32, #tpu.memory_space<vmem>>, vector<1x1x16xf32>,
        %parallel_loop3A_694 = arith.constant 10 : i32
        %parallel_loop3A_695 = arith.addi %parallel_loop3A_263, %parallel_loop3A_694 : i32
        %parallel_loop3A_696 = vector.extract_strided_slice %parallel_loop3A_273 {offsets = [10], sizes = [1], strides = [1]} : vector<16xi32> to vector<1xi32>
        %parallel_loop3A_697 = vector.extract %parallel_loop3A_696[0] : i32 from vector<1xi32>
        %parallel_loop3A_698 = arith.constant 0 : i32
        %parallel_loop3A_699 = arith.addi %parallel_loop3A_697, %parallel_loop3A_698 : i32
        %parallel_loop3A_700 = arith.constant 0 : i32
        %parallel_loop3A_701 = arith.index_cast %parallel_loop3A_700 : i32 to index
        %parallel_loop3A_702 = arith.index_cast %parallel_loop3A_695 : i32 to index
        %parallel_loop3A_703 = arith.index_cast %parallel_loop3A_699 : i32 to index
        %parallel_loop3A_704 = tpu.vector_load %arg8[%parallel_loop3A_701, %parallel_loop3A_702, %parallel_loop3A_703] {strides = array<i32>} : memref<2x128x128xf32, #tpu.memory_space<vmem>>, vector<1x1x16xf32>,
        %parallel_loop3A_705 = vector.shape_cast %parallel_loop3A_704 : vector<1x1x16xf32> to vector<16xf32>
        %parallel_loop3A_706 = arith.constant 5.65685415 : f32
        %parallel_loop3A_707 = vector.broadcast %parallel_loop3A_706 : f32 to vector<16xf32>
        %parallel_loop3A_708 = arith.mulf %parallel_loop3A_705, %parallel_loop3A_707 : vector<16xf32>
        %parallel_loop3A_709 = arith.addf %parallel_loop3A_708, %get3A_185 : vector<16xf32>
        %parallel_loop3A_710 = arith.constant 0 : i32
        %parallel_loop3A_711 = arith.index_cast %parallel_loop3A_710 : i32 to index
        %parallel_loop3A_712 = arith.index_cast %parallel_loop3A_695 : i32 to index
        %parallel_loop3A_713 = arith.constant 0 : index
        %parallel_loop3A_714 = tpu.vector_load %arg9[%parallel_loop3A_711, %parallel_loop3A_712, %parallel_loop3A_713] {strides = array<i32>} : memref<2x128x32xf32, #tpu.memory_space<vmem>>, vector<1x1x16xf32>,
        %parallel_loop3A_715 = vector.shape_cast %parallel_loop3A_714 : vector<1x1x16xf32> to vector<16xf32>
        %parallel_loop3A_716 = vector.shape_cast %parallel_loop3A_709 : vector<16xf32> to vector<1x1x16xf32>
        tpu.vector_store %arg9[%parallel_loop3A_711, %parallel_loop3A_712, %parallel_loop3A_713], %parallel_loop3A_716 {strides = array<i32>} : memref<2x128x32xf32, #tpu.memory_space<vmem>>, vector<1x1x16xf32>,
        %parallel_loop3A_717 = arith.constant 16 : i32
        %parallel_loop3A_718 = arith.addi %parallel_loop3A_697, %parallel_loop3A_717 : i32
        %parallel_loop3A_719 = arith.constant 0 : i32
        %parallel_loop3A_720 = arith.index_cast %parallel_loop3A_719 : i32 to index
        %parallel_loop3A_721 = arith.index_cast %parallel_loop3A_695 : i32 to index
        %parallel_loop3A_722 = arith.index_cast %parallel_loop3A_718 : i32 to index
        %parallel_loop3A_723 = tpu.vector_load %arg8[%parallel_loop3A_720, %parallel_loop3A_721, %parallel_loop3A_722] {strides = array<i32>} : memref<2x128x128xf32, #tpu.memory_space<vmem>>, vector<1x1x16xf32>,
        %parallel_loop3A_724 = vector.shape_cast %parallel_loop3A_723 : vector<1x1x16xf32> to vector<16xf32>
        %parallel_loop3A_725 = arith.constant 5.65685415 : f32
        %parallel_loop3A_726 = vector.broadcast %parallel_loop3A_725 : f32 to vector<16xf32>
        %parallel_loop3A_727 = arith.mulf %parallel_loop3A_724, %parallel_loop3A_726 : vector<16xf32>
        %parallel_loop3A_728 = arith.addf %parallel_loop3A_727, %get3A_189 : vector<16xf32>
        %parallel_loop3A_729 = arith.constant 0 : i32
        %parallel_loop3A_730 = arith.index_cast %parallel_loop3A_729 : i32 to index
        %parallel_loop3A_731 = arith.index_cast %parallel_loop3A_695 : i32 to index
        %parallel_loop3A_732 = arith.constant 16 : index
        %parallel_loop3A_733 = tpu.vector_load %arg9[%parallel_loop3A_730, %parallel_loop3A_731, %parallel_loop3A_732] {strides = array<i32>} : memref<2x128x32xf32, #tpu.memory_space<vmem>>, vector<1x1x16xf32>,
        %parallel_loop3A_734 = vector.shape_cast %parallel_loop3A_733 : vector<1x1x16xf32> to vector<16xf32>
        %parallel_loop3A_735 = vector.shape_cast %parallel_loop3A_728 : vector<16xf32> to vector<1x1x16xf32>
        tpu.vector_store %arg9[%parallel_loop3A_730, %parallel_loop3A_731, %parallel_loop3A_732], %parallel_loop3A_735 {strides = array<i32>} : memref<2x128x32xf32, #tpu.memory_space<vmem>>, vector<1x1x16xf32>,
        %parallel_loop3A_736 = arith.constant 11 : i32
        %parallel_loop3A_737 = arith.addi %parallel_loop3A_263, %parallel_loop3A_736 : i32
        %parallel_loop3A_738 = vector.extract_strided_slice %parallel_loop3A_273 {offsets = [11], sizes = [1], strides = [1]} : vector<16xi32> to vector<1xi32>
        %parallel_loop3A_739 = vector.extract %parallel_loop3A_738[0] : i32 from vector<1xi32>
        %parallel_loop3A_740 = arith.constant 0 : i32
        %parallel_loop3A_741 = arith.addi %parallel_loop3A_739, %parallel_loop3A_740 : i32
        %parallel_loop3A_742 = arith.constant 0 : i32
        %parallel_loop3A_743 = arith.index_cast %parallel_loop3A_742 : i32 to index
        %parallel_loop3A_744 = arith.index_cast %parallel_loop3A_737 : i32 to index
        %parallel_loop3A_745 = arith.index_cast %parallel_loop3A_741 : i32 to index
        %parallel_loop3A_746 = tpu.vector_load %arg8[%parallel_loop3A_743, %parallel_loop3A_744, %parallel_loop3A_745] {strides = array<i32>} : memref<2x128x128xf32, #tpu.memory_space<vmem>>, vector<1x1x16xf32>,
        %parallel_loop3A_747 = vector.shape_cast %parallel_loop3A_746 : vector<1x1x16xf32> to vector<16xf32>
        %parallel_loop3A_748 = arith.constant 5.65685415 : f32
        %parallel_loop3A_749 = vector.broadcast %parallel_loop3A_748 : f32 to vector<16xf32>
        %parallel_loop3A_750 = arith.mulf %parallel_loop3A_747, %parallel_loop3A_749 : vector<16xf32>
        %parallel_loop3A_751 = arith.addf %parallel_loop3A_750, %get3A_185 : vector<16xf32>
        %parallel_loop3A_752 = arith.constant 0 : i32
        %parallel_loop3A_753 = arith.index_cast %parallel_loop3A_752 : i32 to index
        %parallel_loop3A_754 = arith.index_cast %parallel_loop3A_737 : i32 to index
        %parallel_loop3A_755 = arith.constant 0 : index
        %parallel_loop3A_756 = tpu.vector_load %arg9[%parallel_loop3A_753, %parallel_loop3A_754, %parallel_loop3A_755] {strides = array<i32>} : memref<2x128x32xf32, #tpu.memory_space<vmem>>, vector<1x1x16xf32>,
        %parallel_loop3A_757 = vector.shape_cast %parallel_loop3A_756 : vector<1x1x16xf32> to vector<16xf32>
        %parallel_loop3A_758 = vector.shape_cast %parallel_loop3A_751 : vector<16xf32> to vector<1x1x16xf32>
        tpu.vector_store %arg9[%parallel_loop3A_753, %parallel_loop3A_754, %parallel_loop3A_755], %parallel_loop3A_758 {strides = array<i32>} : memref<2x128x32xf32, #tpu.memory_space<vmem>>, vector<1x1x16xf32>,
        %parallel_loop3A_759 = arith.constant 16 : i32
        %parallel_loop3A_760 = arith.addi %parallel_loop3A_739, %parallel_loop3A_759 : i32
        %parallel_loop3A_761 = arith.constant 0 : i32
        %parallel_loop3A_762 = arith.index_cast %parallel_loop3A_761 : i32 to index
        %parallel_loop3A_763 = arith.index_cast %parallel_loop3A_737 : i32 to index
        %parallel_loop3A_764 = arith.index_cast %parallel_loop3A_760 : i32 to index
        %parallel_loop3A_765 = tpu.vector_load %arg8[%parallel_loop3A_762, %parallel_loop3A_763, %parallel_loop3A_764] {strides = array<i32>} : memref<2x128x128xf32, #tpu.memory_space<vmem>>, vector<1x1x16xf32>,
        %parallel_loop3A_766 = vector.shape_cast %parallel_loop3A_765 : vector<1x1x16xf32> to vector<16xf32>
        %parallel_loop3A_767 = arith.constant 5.65685415 : f32
        %parallel_loop3A_768 = vector.broadcast %parallel_loop3A_767 : f32 to vector<16xf32>
        %parallel_loop3A_769 = arith.mulf %parallel_loop3A_766, %parallel_loop3A_768 : vector<16xf32>
        %parallel_loop3A_770 = arith.addf %parallel_loop3A_769, %get3A_189 : vector<16xf32>
        %parallel_loop3A_771 = arith.constant 0 : i32
        %parallel_loop3A_772 = arith.index_cast %parallel_loop3A_771 : i32 to index
        %parallel_loop3A_773 = arith.index_cast %parallel_loop3A_737 : i32 to index
        %parallel_loop3A_774 = arith.constant 16 : index
        %parallel_loop3A_775 = tpu.vector_load %arg9[%parallel_loop3A_772, %parallel_loop3A_773, %parallel_loop3A_774] {strides = array<i32>} : memref<2x128x32xf32, #tpu.memory_space<vmem>>, vector<1x1x16xf32>,
        %parallel_loop3A_776 = vector.shape_cast %parallel_loop3A_775 : vector<1x1x16xf32> to vector<16xf32>
        %parallel_loop3A_777 = vector.shape_cast %parallel_loop3A_770 : vector<16xf32> to vector<1x1x16xf32>
        tpu.vector_store %arg9[%parallel_loop3A_772, %parallel_loop3A_773, %parallel_loop3A_774], %parallel_loop3A_777 {strides = array<i32>} : memref<2x128x32xf32, #tpu.memory_space<vmem>>, vector<1x1x16xf32>,
        %parallel_loop3A_778 = arith.constant 12 : i32
        %parallel_loop3A_779 = arith.addi %parallel_loop3A_263, %parallel_loop3A_778 : i32
        %parallel_loop3A_780 = vector.extract_strided_slice %parallel_loop3A_273 {offsets = [12], sizes = [1], strides = [1]} : vector<16xi32> to vector<1xi32>
        %parallel_loop3A_781 = vector.extract %parallel_loop3A_780[0] : i32 from vector<1xi32>
        %parallel_loop3A_782 = arith.constant 0 : i32
        %parallel_loop3A_783 = arith.addi %parallel_loop3A_781, %parallel_loop3A_782 : i32
        %parallel_loop3A_784 = arith.constant 0 : i32
        %parallel_loop3A_785 = arith.index_cast %parallel_loop3A_784 : i32 to index
        %parallel_loop3A_786 = arith.index_cast %parallel_loop3A_779 : i32 to index
        %parallel_loop3A_787 = arith.index_cast %parallel_loop3A_783 : i32 to index
        %parallel_loop3A_788 = tpu.vector_load %arg8[%parallel_loop3A_785, %parallel_loop3A_786, %parallel_loop3A_787] {strides = array<i32>} : memref<2x128x128xf32, #tpu.memory_space<vmem>>, vector<1x1x16xf32>,
        %parallel_loop3A_789 = vector.shape_cast %parallel_loop3A_788 : vector<1x1x16xf32> to vector<16xf32>
        %parallel_loop3A_790 = arith.constant 5.65685415 : f32
        %parallel_loop3A_791 = vector.broadcast %parallel_loop3A_790 : f32 to vector<16xf32>
        %parallel_loop3A_792 = arith.mulf %parallel_loop3A_789, %parallel_loop3A_791 : vector<16xf32>
        %parallel_loop3A_793 = arith.addf %parallel_loop3A_792, %get3A_185 : vector<16xf32>
        %parallel_loop3A_794 = arith.constant 0 : i32
        %parallel_loop3A_795 = arith.index_cast %parallel_loop3A_794 : i32 to index
        %parallel_loop3A_796 = arith.index_cast %parallel_loop3A_779 : i32 to index
        %parallel_loop3A_797 = arith.constant 0 : index
        %parallel_loop3A_798 = tpu.vector_load %arg9[%parallel_loop3A_795, %parallel_loop3A_796, %parallel_loop3A_797] {strides = array<i32>} : memref<2x128x32xf32, #tpu.memory_space<vmem>>, vector<1x1x16xf32>,
        %parallel_loop3A_799 = vector.shape_cast %parallel_loop3A_798 : vector<1x1x16xf32> to vector<16xf32>
        %parallel_loop3A_800 = vector.shape_cast %parallel_loop3A_793 : vector<16xf32> to vector<1x1x16xf32>
        tpu.vector_store %arg9[%parallel_loop3A_795, %parallel_loop3A_796, %parallel_loop3A_797], %parallel_loop3A_800 {strides = array<i32>} : memref<2x128x32xf32, #tpu.memory_space<vmem>>, vector<1x1x16xf32>,
        %parallel_loop3A_801 = arith.constant 16 : i32
        %parallel_loop3A_802 = arith.addi %parallel_loop3A_781, %parallel_loop3A_801 : i32
        %parallel_loop3A_803 = arith.constant 0 : i32
        %parallel_loop3A_804 = arith.index_cast %parallel_loop3A_803 : i32 to index
        %parallel_loop3A_805 = arith.index_cast %parallel_loop3A_779 : i32 to index
        %parallel_loop3A_806 = arith.index_cast %parallel_loop3A_802 : i32 to index
        %parallel_loop3A_807 = tpu.vector_load %arg8[%parallel_loop3A_804, %parallel_loop3A_805, %parallel_loop3A_806] {strides = array<i32>} : memref<2x128x128xf32, #tpu.memory_space<vmem>>, vector<1x1x16xf32>,
        %parallel_loop3A_808 = vector.shape_cast %parallel_loop3A_807 : vector<1x1x16xf32> to vector<16xf32>
        %parallel_loop3A_809 = arith.constant 5.65685415 : f32
        %parallel_loop3A_810 = vector.broadcast %parallel_loop3A_809 : f32 to vector<16xf32>
        %parallel_loop3A_811 = arith.mulf %parallel_loop3A_808, %parallel_loop3A_810 : vector<16xf32>
        %parallel_loop3A_812 = arith.addf %parallel_loop3A_811, %get3A_189 : vector<16xf32>
        %parallel_loop3A_813 = arith.constant 0 : i32
        %parallel_loop3A_814 = arith.index_cast %parallel_loop3A_813 : i32 to index
        %parallel_loop3A_815 = arith.index_cast %parallel_loop3A_779 : i32 to index
        %parallel_loop3A_816 = arith.constant 16 : index
        %parallel_loop3A_817 = tpu.vector_load %arg9[%parallel_loop3A_814, %parallel_loop3A_815, %parallel_loop3A_816] {strides = array<i32>} : memref<2x128x32xf32, #tpu.memory_space<vmem>>, vector<1x1x16xf32>,
        %parallel_loop3A_818 = vector.shape_cast %parallel_loop3A_817 : vector<1x1x16xf32> to vector<16xf32>
        %parallel_loop3A_819 = vector.shape_cast %parallel_loop3A_812 : vector<16xf32> to vector<1x1x16xf32>
        tpu.vector_store %arg9[%parallel_loop3A_814, %parallel_loop3A_815, %parallel_loop3A_816], %parallel_loop3A_819 {strides = array<i32>} : memref<2x128x32xf32, #tpu.memory_space<vmem>>, vector<1x1x16xf32>,
        %parallel_loop3A_820 = arith.constant 13 : i32
        %parallel_loop3A_821 = arith.addi %parallel_loop3A_263, %parallel_loop3A_820 : i32
        %parallel_loop3A_822 = vector.extract_strided_slice %parallel_loop3A_273 {offsets = [13], sizes = [1], strides = [1]} : vector<16xi32> to vector<1xi32>
        %parallel_loop3A_823 = vector.extract %parallel_loop3A_822[0] : i32 from vector<1xi32>
        %parallel_loop3A_824 = arith.constant 0 : i32
        %parallel_loop3A_825 = arith.addi %parallel_loop3A_823, %parallel_loop3A_824 : i32
        %parallel_loop3A_826 = arith.constant 0 : i32
        %parallel_loop3A_827 = arith.index_cast %parallel_loop3A_826 : i32 to index
        %parallel_loop3A_828 = arith.index_cast %parallel_loop3A_821 : i32 to index
        %parallel_loop3A_829 = arith.index_cast %parallel_loop3A_825 : i32 to index
        %parallel_loop3A_830 = tpu.vector_load %arg8[%parallel_loop3A_827, %parallel_loop3A_828, %parallel_loop3A_829] {strides = array<i32>} : memref<2x128x128xf32, #tpu.memory_space<vmem>>, vector<1x1x16xf32>,
        %parallel_loop3A_831 = vector.shape_cast %parallel_loop3A_830 : vector<1x1x16xf32> to vector<16xf32>
        %parallel_loop3A_832 = arith.constant 5.65685415 : f32
        %parallel_loop3A_833 = vector.broadcast %parallel_loop3A_832 : f32 to vector<16xf32>
        %parallel_loop3A_834 = arith.mulf %parallel_loop3A_831, %parallel_loop3A_833 : vector<16xf32>
        %parallel_loop3A_835 = arith.addf %parallel_loop3A_834, %get3A_185 : vector<16xf32>
        %parallel_loop3A_836 = arith.constant 0 : i32
        %parallel_loop3A_837 = arith.index_cast %parallel_loop3A_836 : i32 to index
        %parallel_loop3A_838 = arith.index_cast %parallel_loop3A_821 : i32 to index
        %parallel_loop3A_839 = arith.constant 0 : index
        %parallel_loop3A_840 = tpu.vector_load %arg9[%parallel_loop3A_837, %parallel_loop3A_838, %parallel_loop3A_839] {strides = array<i32>} : memref<2x128x32xf32, #tpu.memory_space<vmem>>, vector<1x1x16xf32>,
        %parallel_loop3A_841 = vector.shape_cast %parallel_loop3A_840 : vector<1x1x16xf32> to vector<16xf32>
        %parallel_loop3A_842 = vector.shape_cast %parallel_loop3A_835 : vector<16xf32> to vector<1x1x16xf32>
        tpu.vector_store %arg9[%parallel_loop3A_837, %parallel_loop3A_838, %parallel_loop3A_839], %parallel_loop3A_842 {strides = array<i32>} : memref<2x128x32xf32, #tpu.memory_space<vmem>>, vector<1x1x16xf32>,
        %parallel_loop3A_843 = arith.constant 16 : i32
        %parallel_loop3A_844 = arith.addi %parallel_loop3A_823, %parallel_loop3A_843 : i32
        %parallel_loop3A_845 = arith.constant 0 : i32
        %parallel_loop3A_846 = arith.index_cast %parallel_loop3A_845 : i32 to index
        %parallel_loop3A_847 = arith.index_cast %parallel_loop3A_821 : i32 to index
        %parallel_loop3A_848 = arith.index_cast %parallel_loop3A_844 : i32 to index
        %parallel_loop3A_849 = tpu.vector_load %arg8[%parallel_loop3A_846, %parallel_loop3A_847, %parallel_loop3A_848] {strides = array<i32>} : memref<2x128x128xf32, #tpu.memory_space<vmem>>, vector<1x1x16xf32>,
        %parallel_loop3A_850 = vector.shape_cast %parallel_loop3A_849 : vector<1x1x16xf32> to vector<16xf32>
        %parallel_loop3A_851 = arith.constant 5.65685415 : f32
        %parallel_loop3A_852 = vector.broadcast %parallel_loop3A_851 : f32 to vector<16xf32>
        %parallel_loop3A_853 = arith.mulf %parallel_loop3A_850, %parallel_loop3A_852 : vector<16xf32>
        %parallel_loop3A_854 = arith.addf %parallel_loop3A_853, %get3A_189 : vector<16xf32>
        %parallel_loop3A_855 = arith.constant 0 : i32
        %parallel_loop3A_856 = arith.index_cast %parallel_loop3A_855 : i32 to index
        %parallel_loop3A_857 = arith.index_cast %parallel_loop3A_821 : i32 to index
        %parallel_loop3A_858 = arith.constant 16 : index
        %parallel_loop3A_859 = tpu.vector_load %arg9[%parallel_loop3A_856, %parallel_loop3A_857, %parallel_loop3A_858] {strides = array<i32>} : memref<2x128x32xf32, #tpu.memory_space<vmem>>, vector<1x1x16xf32>,
        %parallel_loop3A_860 = vector.shape_cast %parallel_loop3A_859 : vector<1x1x16xf32> to vector<16xf32>
        %parallel_loop3A_861 = vector.shape_cast %parallel_loop3A_854 : vector<16xf32> to vector<1x1x16xf32>
        tpu.vector_store %arg9[%parallel_loop3A_856, %parallel_loop3A_857, %parallel_loop3A_858], %parallel_loop3A_861 {strides = array<i32>} : memref<2x128x32xf32, #tpu.memory_space<vmem>>, vector<1x1x16xf32>,
        %parallel_loop3A_862 = arith.constant 14 : i32
        %parallel_loop3A_863 = arith.addi %parallel_loop3A_263, %parallel_loop3A_862 : i32
        %parallel_loop3A_864 = vector.extract_strided_slice %parallel_loop3A_273 {offsets = [14], sizes = [1], strides = [1]} : vector<16xi32> to vector<1xi32>
        %parallel_loop3A_865 = vector.extract %parallel_loop3A_864[0] : i32 from vector<1xi32>
        %parallel_loop3A_866 = arith.constant 0 : i32
        %parallel_loop3A_867 = arith.addi %parallel_loop3A_865, %parallel_loop3A_866 : i32
        %parallel_loop3A_868 = arith.constant 0 : i32
        %parallel_loop3A_869 = arith.index_cast %parallel_loop3A_868 : i32 to index
        %parallel_loop3A_870 = arith.index_cast %parallel_loop3A_863 : i32 to index
        %parallel_loop3A_871 = arith.index_cast %parallel_loop3A_867 : i32 to index
        %parallel_loop3A_872 = tpu.vector_load %arg8[%parallel_loop3A_869, %parallel_loop3A_870, %parallel_loop3A_871] {strides = array<i32>} : memref<2x128x128xf32, #tpu.memory_space<vmem>>, vector<1x1x16xf32>,
        %parallel_loop3A_873 = vector.shape_cast %parallel_loop3A_872 : vector<1x1x16xf32> to vector<16xf32>
        %parallel_loop3A_874 = arith.constant 5.65685415 : f32
        %parallel_loop3A_875 = vector.broadcast %parallel_loop3A_874 : f32 to vector<16xf32>
        %parallel_loop3A_876 = arith.mulf %parallel_loop3A_873, %parallel_loop3A_875 : vector<16xf32>
        %parallel_loop3A_877 = arith.addf %parallel_loop3A_876, %get3A_185 : vector<16xf32>
        %parallel_loop3A_878 = arith.constant 0 : i32
        %parallel_loop3A_879 = arith.index_cast %parallel_loop3A_878 : i32 to index
        %parallel_loop3A_880 = arith.index_cast %parallel_loop3A_863 : i32 to index
        %parallel_loop3A_881 = arith.constant 0 : index
        %parallel_loop3A_882 = tpu.vector_load %arg9[%parallel_loop3A_879, %parallel_loop3A_880, %parallel_loop3A_881] {strides = array<i32>} : memref<2x128x32xf32, #tpu.memory_space<vmem>>, vector<1x1x16xf32>,
        %parallel_loop3A_883 = vector.shape_cast %parallel_loop3A_882 : vector<1x1x16xf32> to vector<16xf32>
        %parallel_loop3A_884 = vector.shape_cast %parallel_loop3A_877 : vector<16xf32> to vector<1x1x16xf32>
        tpu.vector_store %arg9[%parallel_loop3A_879, %parallel_loop3A_880, %parallel_loop3A_881], %parallel_loop3A_884 {strides = array<i32>} : memref<2x128x32xf32, #tpu.memory_space<vmem>>, vector<1x1x16xf32>,
        %parallel_loop3A_885 = arith.constant 16 : i32
        %parallel_loop3A_886 = arith.addi %parallel_loop3A_865, %parallel_loop3A_885 : i32
        %parallel_loop3A_887 = arith.constant 0 : i32
        %parallel_loop3A_888 = arith.index_cast %parallel_loop3A_887 : i32 to index
        %parallel_loop3A_889 = arith.index_cast %parallel_loop3A_863 : i32 to index
        %parallel_loop3A_890 = arith.index_cast %parallel_loop3A_886 : i32 to index
        %parallel_loop3A_891 = tpu.vector_load %arg8[%parallel_loop3A_888, %parallel_loop3A_889, %parallel_loop3A_890] {strides = array<i32>} : memref<2x128x128xf32, #tpu.memory_space<vmem>>, vector<1x1x16xf32>,
        %parallel_loop3A_892 = vector.shape_cast %parallel_loop3A_891 : vector<1x1x16xf32> to vector<16xf32>
        %parallel_loop3A_893 = arith.constant 5.65685415 : f32
        %parallel_loop3A_894 = vector.broadcast %parallel_loop3A_893 : f32 to vector<16xf32>
        %parallel_loop3A_895 = arith.mulf %parallel_loop3A_892, %parallel_loop3A_894 : vector<16xf32>
        %parallel_loop3A_896 = arith.addf %parallel_loop3A_895, %get3A_189 : vector<16xf32>
        %parallel_loop3A_897 = arith.constant 0 : i32
        %parallel_loop3A_898 = arith.index_cast %parallel_loop3A_897 : i32 to index
        %parallel_loop3A_899 = arith.index_cast %parallel_loop3A_863 : i32 to index
        %parallel_loop3A_900 = arith.constant 16 : index
        %parallel_loop3A_901 = tpu.vector_load %arg9[%parallel_loop3A_898, %parallel_loop3A_899, %parallel_loop3A_900] {strides = array<i32>} : memref<2x128x32xf32, #tpu.memory_space<vmem>>, vector<1x1x16xf32>,
        %parallel_loop3A_902 = vector.shape_cast %parallel_loop3A_901 : vector<1x1x16xf32> to vector<16xf32>
        %parallel_loop3A_903 = vector.shape_cast %parallel_loop3A_896 : vector<16xf32> to vector<1x1x16xf32>
        tpu.vector_store %arg9[%parallel_loop3A_898, %parallel_loop3A_899, %parallel_loop3A_900], %parallel_loop3A_903 {strides = array<i32>} : memref<2x128x32xf32, #tpu.memory_space<vmem>>, vector<1x1x16xf32>,
        %parallel_loop3A_904 = arith.constant 15 : i32
        %parallel_loop3A_905 = arith.addi %parallel_loop3A_263, %parallel_loop3A_904 : i32
        %parallel_loop3A_906 = vector.extract_strided_slice %parallel_loop3A_273 {offsets = [15], sizes = [1], strides = [1]} : vector<16xi32> to vector<1xi32>
        %parallel_loop3A_907 = vector.extract %parallel_loop3A_906[0] : i32 from vector<1xi32>
        %parallel_loop3A_908 = arith.constant 0 : i32
        %parallel_loop3A_909 = arith.addi %parallel_loop3A_907, %parallel_loop3A_908 : i32
        %parallel_loop3A_910 = arith.constant 0 : i32
        %parallel_loop3A_911 = arith.index_cast %parallel_loop3A_910 : i32 to index
        %parallel_loop3A_912 = arith.index_cast %parallel_loop3A_905 : i32 to index
        %parallel_loop3A_913 = arith.index_cast %parallel_loop3A_909 : i32 to index
        %parallel_loop3A_914 = tpu.vector_load %arg8[%parallel_loop3A_911, %parallel_loop3A_912, %parallel_loop3A_913] {strides = array<i32>} : memref<2x128x128xf32, #tpu.memory_space<vmem>>, vector<1x1x16xf32>,
        %parallel_loop3A_915 = vector.shape_cast %parallel_loop3A_914 : vector<1x1x16xf32> to vector<16xf32>
        %parallel_loop3A_916 = arith.constant 5.65685415 : f32
        %parallel_loop3A_917 = vector.broadcast %parallel_loop3A_916 : f32 to vector<16xf32>
        %parallel_loop3A_918 = arith.mulf %parallel_loop3A_915, %parallel_loop3A_917 : vector<16xf32>
        %parallel_loop3A_919 = arith.addf %parallel_loop3A_918, %get3A_185 : vector<16xf32>
        %parallel_loop3A_920 = arith.constant 0 : i32
        %parallel_loop3A_921 = arith.index_cast %parallel_loop3A_920 : i32 to index
        %parallel_loop3A_922 = arith.index_cast %parallel_loop3A_905 : i32 to index
        %parallel_loop3A_923 = arith.constant 0 : index
        %parallel_loop3A_924 = tpu.vector_load %arg9[%parallel_loop3A_921, %parallel_loop3A_922, %parallel_loop3A_923] {strides = array<i32>} : memref<2x128x32xf32, #tpu.memory_space<vmem>>, vector<1x1x16xf32>,
        %parallel_loop3A_925 = vector.shape_cast %parallel_loop3A_924 : vector<1x1x16xf32> to vector<16xf32>
        %parallel_loop3A_926 = vector.shape_cast %parallel_loop3A_919 : vector<16xf32> to vector<1x1x16xf32>
        tpu.vector_store %arg9[%parallel_loop3A_921, %parallel_loop3A_922, %parallel_loop3A_923], %parallel_loop3A_926 {strides = array<i32>} : memref<2x128x32xf32, #tpu.memory_space<vmem>>, vector<1x1x16xf32>,
        %parallel_loop3A_927 = arith.constant 16 : i32
        %parallel_loop3A_928 = arith.addi %parallel_loop3A_907, %parallel_loop3A_927 : i32
        %parallel_loop3A_929 = arith.constant 0 : i32
        %parallel_loop3A_930 = arith.index_cast %parallel_loop3A_929 : i32 to index
        %parallel_loop3A_931 = arith.index_cast %parallel_loop3A_905 : i32 to index
        %parallel_loop3A_932 = arith.index_cast %parallel_loop3A_928 : i32 to index
        %parallel_loop3A_933 = tpu.vector_load %arg8[%parallel_loop3A_930, %parallel_loop3A_931, %parallel_loop3A_932] {strides = array<i32>} : memref<2x128x128xf32, #tpu.memory_space<vmem>>, vector<1x1x16xf32>,
        %parallel_loop3A_934 = vector.shape_cast %parallel_loop3A_933 : vector<1x1x16xf32> to vector<16xf32>
        %parallel_loop3A_935 = arith.constant 5.65685415 : f32
        %parallel_loop3A_936 = vector.broadcast %parallel_loop3A_935 : f32 to vector<16xf32>
        %parallel_loop3A_937 = arith.mulf %parallel_loop3A_934, %parallel_loop3A_936 : vector<16xf32>
        %parallel_loop3A_938 = arith.addf %parallel_loop3A_937, %get3A_189 : vector<16xf32>
        %parallel_loop3A_939 = arith.constant 0 : i32
        %parallel_loop3A_940 = arith.index_cast %parallel_loop3A_939 : i32 to index
        %parallel_loop3A_941 = arith.index_cast %parallel_loop3A_905 : i32 to index
        %parallel_loop3A_942 = arith.constant 16 : index
        %parallel_loop3A_943 = tpu.vector_load %arg9[%parallel_loop3A_940, %parallel_loop3A_941, %parallel_loop3A_942] {strides = array<i32>} : memref<2x128x32xf32, #tpu.memory_space<vmem>>, vector<1x1x16xf32>,
        %parallel_loop3A_944 = vector.shape_cast %parallel_loop3A_943 : vector<1x1x16xf32> to vector<16xf32>
        %parallel_loop3A_945 = vector.shape_cast %parallel_loop3A_938 : vector<16xf32> to vector<1x1x16xf32>
        tpu.vector_store %arg9[%parallel_loop3A_940, %parallel_loop3A_941, %parallel_loop3A_942], %parallel_loop3A_945 {strides = array<i32>} : memref<2x128x32xf32, #tpu.memory_space<vmem>>, vector<1x1x16xf32>,
      } {sc.loop_unroll_factor = 4 : i64, sc.parallel_access}
      %dma_start3A_192 = arith.constant 0 : i32
      %dma_start3A_193 = arith.constant 0 : i32
      %dma_start3A_194 = arith.constant 0 : i32
      %dma_start3A_195 = tpu.memref_slice %arg9[%dma_start3A_192, %dma_start3A_193, %dma_start3A_194] : memref<2x128x32xf32, #tpu.memory_space<vmem>> -> memref<1x128x32xf32, #tpu.memory_space<vmem>>
      %dma_start3A_196 = tpu.memref_squeeze %dma_start3A_195 : memref<1x128x32xf32, #tpu.memory_space<vmem>> -> memref<128x32xf32, #tpu.memory_space<vmem>>
      %dma_start3A_197 = arith.constant 0 : i32
      %dma_start3A_198 = tpu.memref_slice %arg5[%mul3A_161, %mul3A_2, %dma_start3A_197] : memref<200x4096x32xf32, #tpu.memory_space<hbm>> -> memref<1x128x32xf32, #tpu.memory_space<hbm>>
      %dma_start3A_199 = tpu.memref_squeeze %dma_start3A_198 : memref<1x128x32xf32, #tpu.memory_space<hbm>> -> memref<128x32xf32, #tpu.memory_space<hbm>>
      %dma_start3A_200 = arith.constant 0 : i32
      %dma_start3A_201 = tpu.memref_slice %arg5[%mul3A_161, %mul3A_2, %dma_start3A_200] : memref<200x4096x32xf32, #tpu.memory_space<hbm>> -> memref<1x128x32xf32, #tpu.memory_space<hbm>>
      %dma_start3A_202 = tpu.memref_squeeze %dma_start3A_201 : memref<1x128x32xf32, #tpu.memory_space<hbm>> -> memref<128x32xf32, #tpu.memory_space<hbm>>
      %dma_start3A_203 = arith.constant 0 : i32
      %dma_start3A_204 = arith.constant 0 : i32
      %dma_start3A_205 = tpu.memref_slice %arg9[%dma_start3A_192, %dma_start3A_203, %dma_start3A_204] : memref<2x128x32xf32, #tpu.memory_space<vmem>> -> memref<1x128x32xf32, #tpu.memory_space<vmem>>
      %dma_start3A_206 = tpu.memref_squeeze %dma_start3A_205 : memref<1x128x32xf32, #tpu.memory_space<vmem>> -> memref<128x32xf32, #tpu.memory_space<vmem>>
      tpu.enqueue_dma source(%dma_start3A_206 : memref<128x32xf32, #tpu.memory_space<vmem>>) target(%dma_start3A_202 : memref<128x32xf32, #tpu.memory_space<hbm>>) target_semaphore(%arg13 : memref<!tpu.dma_semaphore, #tpu.memory_space<semaphore_mem>>)
      %mul3A_207 = arith.constant 2 : i32
      %mul3A_208 = arith.muli %mul3A_207, %scan3A_159 : i32
      %add3A_209 = arith.constant 1 : i32
      %add3A_210 = arith.addi %mul3A_208, %add3A_209 : i32
      %add3A_211 = arith.constant 1 : i32
      %add3A_212 = arith.addi %add3A_210, %add3A_211 : i32
      %lt3A_213 = arith.constant 200 : i32
      %lt3A_214 = arith.cmpi slt, %add3A_212, %lt3A_213 : i32
      %convert_element_type3A_215 = arith.extui %lt3A_214 : i1 to i32
      %cond3A_216 = arith.constant 0 : i32
      %cond3A_217 = arith.cmpi ne, %convert_element_type3A_215, %cond3A_216 : i32
      scf.if %cond3A_217 {
        %get3A_261 = arith.index_cast %add3A_212 : i32 to index
        %get3A_262 = arith.constant 0 : index
        %get3A_263 = tpu.vector_load %arg6[%get3A_261, %get3A_262] {strides = array<i32>} : memref<200x128xi32, #tpu.memory_space<vmem>>, vector<1x16xi32>,
        %get3A_264 = vector.shape_cast %get3A_263 : vector<1x16xi32> to vector<16xi32>
        %shift_right_logical3A_265 = arith.constant 2 : i32
        %shift_right_logical3A_266 = vector.broadcast %shift_right_logical3A_265 : i32 to vector<16xi32>
        %shift_right_logical3A_267 = arith.shrui %get3A_264, %shift_right_logical3A_266 : vector<16xi32>
        %swap3A_268 = arith.constant 0 : i32
        %swap3A_269 = arith.index_cast %swap3A_268 : i32 to index
        %swap3A_270 = arith.constant 0 : index
        %swap3A_271 = tpu.vector_load %arg7[%swap3A_269, %swap3A_270] {strides = array<i32>} : memref<2x128xi32, #tpu.memory_space<vmem>>, vector<1x16xi32>,
        %swap3A_272 = vector.shape_cast %swap3A_271 : vector<1x16xi32> to vector<16xi32>
        %swap3A_273 = vector.shape_cast %shift_right_logical3A_267 : vector<16xi32> to vector<1x16xi32>
        tpu.vector_store %arg7[%swap3A_269, %swap3A_270], %swap3A_273 {strides = array<i32>} : memref<2x128xi32, #tpu.memory_space<vmem>>, vector<1x16xi32>,
        %get3A_274 = arith.index_cast %add3A_212 : i32 to index
        %get3A_275 = arith.constant 16 : index
        %get3A_276 = tpu.vector_load %arg6[%get3A_274, %get3A_275] {strides = array<i32>} : memref<200x128xi32, #tpu.memory_space<vmem>>, vector<1x16xi32>,
        %get3A_277 = vector.shape_cast %get3A_276 : vector<1x16xi32> to vector<16xi32>
        %shift_right_logical3A_278 = arith.constant 2 : i32
        %shift_right_logical3A_279 = vector.broadcast %shift_right_logical3A_278 : i32 to vector<16xi32>
        %shift_right_logical3A_280 = arith.shrui %get3A_277, %shift_right_logical3A_279 : vector<16xi32>
        %swap3A_281 = arith.constant 0 : i32
        %swap3A_282 = arith.index_cast %swap3A_281 : i32 to index
        %swap3A_283 = arith.constant 16 : index
        %swap3A_284 = tpu.vector_load %arg7[%swap3A_282, %swap3A_283] {strides = array<i32>} : memref<2x128xi32, #tpu.memory_space<vmem>>, vector<1x16xi32>,
        %swap3A_285 = vector.shape_cast %swap3A_284 : vector<1x16xi32> to vector<16xi32>
        %swap3A_286 = vector.shape_cast %shift_right_logical3A_280 : vector<16xi32> to vector<1x16xi32>
        tpu.vector_store %arg7[%swap3A_282, %swap3A_283], %swap3A_286 {strides = array<i32>} : memref<2x128xi32, #tpu.memory_space<vmem>>, vector<1x16xi32>,
        %get3A_287 = arith.index_cast %add3A_212 : i32 to index
        %get3A_288 = arith.constant 32 : index
        %get3A_289 = tpu.vector_load %arg6[%get3A_287, %get3A_288] {strides = array<i32>} : memref<200x128xi32, #tpu.memory_space<vmem>>, vector<1x16xi32>,
        %get3A_290 = vector.shape_cast %get3A_289 : vector<1x16xi32> to vector<16xi32>
        %shift_right_logical3A_291 = arith.constant 2 : i32
        %shift_right_logical3A_292 = vector.broadcast %shift_right_logical3A_291 : i32 to vector<16xi32>
        %shift_right_logical3A_293 = arith.shrui %get3A_290, %shift_right_logical3A_292 : vector<16xi32>
        %swap3A_294 = arith.constant 0 : i32
        %swap3A_295 = arith.index_cast %swap3A_294 : i32 to index
        %swap3A_296 = arith.constant 32 : index
        %swap3A_297 = tpu.vector_load %arg7[%swap3A_295, %swap3A_296] {strides = array<i32>} : memref<2x128xi32, #tpu.memory_space<vmem>>, vector<1x16xi32>,
        %swap3A_298 = vector.shape_cast %swap3A_297 : vector<1x16xi32> to vector<16xi32>
        %swap3A_299 = vector.shape_cast %shift_right_logical3A_293 : vector<16xi32> to vector<1x16xi32>
        tpu.vector_store %arg7[%swap3A_295, %swap3A_296], %swap3A_299 {strides = array<i32>} : memref<2x128xi32, #tpu.memory_space<vmem>>, vector<1x16xi32>,
        %get3A_300 = arith.index_cast %add3A_212 : i32 to index
        %get3A_301 = arith.constant 48 : index
        %get3A_302 = tpu.vector_load %arg6[%get3A_300, %get3A_301] {strides = array<i32>} : memref<200x128xi32, #tpu.memory_space<vmem>>, vector<1x16xi32>,
        %get3A_303 = vector.shape_cast %get3A_302 : vector<1x16xi32> to vector<16xi32>
        %shift_right_logical3A_304 = arith.constant 2 : i32
        %shift_right_logical3A_305 = vector.broadcast %shift_right_logical3A_304 : i32 to vector<16xi32>
        %shift_right_logical3A_306 = arith.shrui %get3A_303, %shift_right_logical3A_305 : vector<16xi32>
        %swap3A_307 = arith.constant 0 : i32
        %swap3A_308 = arith.index_cast %swap3A_307 : i32 to index
        %swap3A_309 = arith.constant 48 : index
        %swap3A_310 = tpu.vector_load %arg7[%swap3A_308, %swap3A_309] {strides = array<i32>} : memref<2x128xi32, #tpu.memory_space<vmem>>, vector<1x16xi32>,
        %swap3A_311 = vector.shape_cast %swap3A_310 : vector<1x16xi32> to vector<16xi32>
        %swap3A_312 = vector.shape_cast %shift_right_logical3A_306 : vector<16xi32> to vector<1x16xi32>
        tpu.vector_store %arg7[%swap3A_308, %swap3A_309], %swap3A_312 {strides = array<i32>} : memref<2x128xi32, #tpu.memory_space<vmem>>, vector<1x16xi32>,
        %get3A_313 = arith.index_cast %add3A_212 : i32 to index
        %get3A_314 = arith.constant 64 : index
        %get3A_315 = tpu.vector_load %arg6[%get3A_313, %get3A_314] {strides = array<i32>} : memref<200x128xi32, #tpu.memory_space<vmem>>, vector<1x16xi32>,
        %get3A_316 = vector.shape_cast %get3A_315 : vector<1x16xi32> to vector<16xi32>
        %shift_right_logical3A_317 = arith.constant 2 : i32
        %shift_right_logical3A_318 = vector.broadcast %shift_right_logical3A_317 : i32 to vector<16xi32>
        %shift_right_logical3A_319 = arith.shrui %get3A_316, %shift_right_logical3A_318 : vector<16xi32>
        %swap3A_320 = arith.constant 0 : i32
        %swap3A_321 = arith.index_cast %swap3A_320 : i32 to index
        %swap3A_322 = arith.constant 64 : index
        %swap3A_323 = tpu.vector_load %arg7[%swap3A_321, %swap3A_322] {strides = array<i32>} : memref<2x128xi32, #tpu.memory_space<vmem>>, vector<1x16xi32>,
        %swap3A_324 = vector.shape_cast %swap3A_323 : vector<1x16xi32> to vector<16xi32>
        %swap3A_325 = vector.shape_cast %shift_right_logical3A_319 : vector<16xi32> to vector<1x16xi32>
        tpu.vector_store %arg7[%swap3A_321, %swap3A_322], %swap3A_325 {strides = array<i32>} : memref<2x128xi32, #tpu.memory_space<vmem>>, vector<1x16xi32>,
        %get3A_326 = arith.index_cast %add3A_212 : i32 to index
        %get3A_327 = arith.constant 80 : index
        %get3A_328 = tpu.vector_load %arg6[%get3A_326, %get3A_327] {strides = array<i32>} : memref<200x128xi32, #tpu.memory_space<vmem>>, vector<1x16xi32>,
        %get3A_329 = vector.shape_cast %get3A_328 : vector<1x16xi32> to vector<16xi32>
        %shift_right_logical3A_330 = arith.constant 2 : i32
        %shift_right_logical3A_331 = vector.broadcast %shift_right_logical3A_330 : i32 to vector<16xi32>
        %shift_right_logical3A_332 = arith.shrui %get3A_329, %shift_right_logical3A_331 : vector<16xi32>
        %swap3A_333 = arith.constant 0 : i32
        %swap3A_334 = arith.index_cast %swap3A_333 : i32 to index
        %swap3A_335 = arith.constant 80 : index
        %swap3A_336 = tpu.vector_load %arg7[%swap3A_334, %swap3A_335] {strides = array<i32>} : memref<2x128xi32, #tpu.memory_space<vmem>>, vector<1x16xi32>,
        %swap3A_337 = vector.shape_cast %swap3A_336 : vector<1x16xi32> to vector<16xi32>
        %swap3A_338 = vector.shape_cast %shift_right_logical3A_332 : vector<16xi32> to vector<1x16xi32>
        tpu.vector_store %arg7[%swap3A_334, %swap3A_335], %swap3A_338 {strides = array<i32>} : memref<2x128xi32, #tpu.memory_space<vmem>>, vector<1x16xi32>,
        %get3A_339 = arith.index_cast %add3A_212 : i32 to index
        %get3A_340 = arith.constant 96 : index
        %get3A_341 = tpu.vector_load %arg6[%get3A_339, %get3A_340] {strides = array<i32>} : memref<200x128xi32, #tpu.memory_space<vmem>>, vector<1x16xi32>,
        %get3A_342 = vector.shape_cast %get3A_341 : vector<1x16xi32> to vector<16xi32>
        %shift_right_logical3A_343 = arith.constant 2 : i32
        %shift_right_logical3A_344 = vector.broadcast %shift_right_logical3A_343 : i32 to vector<16xi32>
        %shift_right_logical3A_345 = arith.shrui %get3A_342, %shift_right_logical3A_344 : vector<16xi32>
        %swap3A_346 = arith.constant 0 : i32
        %swap3A_347 = arith.index_cast %swap3A_346 : i32 to index
        %swap3A_348 = arith.constant 96 : index
        %swap3A_349 = tpu.vector_load %arg7[%swap3A_347, %swap3A_348] {strides = array<i32>} : memref<2x128xi32, #tpu.memory_space<vmem>>, vector<1x16xi32>,
        %swap3A_350 = vector.shape_cast %swap3A_349 : vector<1x16xi32> to vector<16xi32>
        %swap3A_351 = vector.shape_cast %shift_right_logical3A_345 : vector<16xi32> to vector<1x16xi32>
        tpu.vector_store %arg7[%swap3A_347, %swap3A_348], %swap3A_351 {strides = array<i32>} : memref<2x128xi32, #tpu.memory_space<vmem>>, vector<1x16xi32>,
        %get3A_352 = arith.index_cast %add3A_212 : i32 to index
        %get3A_353 = arith.constant 112 : index
        %get3A_354 = tpu.vector_load %arg6[%get3A_352, %get3A_353] {strides = array<i32>} : memref<200x128xi32, #tpu.memory_space<vmem>>, vector<1x16xi32>,
        %get3A_355 = vector.shape_cast %get3A_354 : vector<1x16xi32> to vector<16xi32>
        %shift_right_logical3A_356 = arith.constant 2 : i32
        %shift_right_logical3A_357 = vector.broadcast %shift_right_logical3A_356 : i32 to vector<16xi32>
        %shift_right_logical3A_358 = arith.shrui %get3A_355, %shift_right_logical3A_357 : vector<16xi32>
        %swap3A_359 = arith.constant 0 : i32
        %swap3A_360 = arith.index_cast %swap3A_359 : i32 to index
        %swap3A_361 = arith.constant 112 : index
        %swap3A_362 = tpu.vector_load %arg7[%swap3A_360, %swap3A_361] {strides = array<i32>} : memref<2x128xi32, #tpu.memory_space<vmem>>, vector<1x16xi32>,
        %swap3A_363 = vector.shape_cast %swap3A_362 : vector<1x16xi32> to vector<16xi32>
        %swap3A_364 = vector.shape_cast %shift_right_logical3A_358 : vector<16xi32> to vector<1x16xi32>
        tpu.vector_store %arg7[%swap3A_360, %swap3A_361], %swap3A_364 {strides = array<i32>} : memref<2x128xi32, #tpu.memory_space<vmem>>, vector<1x16xi32>,
        %dma_start3A_365 = arith.constant 0 : i32
        %dma_start3A_366 = arith.constant 0 : i32
        %dma_start3A_367 = arith.constant 0 : i32
        %dma_start3A_368 = arith.constant 0 : i32
        %dma_start3A_369 = tpu.memref_slice %arg8[%dma_start3A_366, %dma_start3A_367, %dma_start3A_368] : memref<2x128x128xf32, #tpu.memory_space<vmem>> -> memref<1x128x128xf32, #tpu.memory_space<vmem>>
        %dma_start3A_370 = tpu.memref_squeeze %dma_start3A_369 : memref<1x128x128xf32, #tpu.memory_space<vmem>> -> memref<128x128xf32, #tpu.memory_space<vmem>>
        %dma_start3A_371 = arith.constant 0 : i32
        %dma_start3A_372 = tpu.memref_slice %arg7[%dma_start3A_365, %dma_start3A_371] : memref<2x128xi32, #tpu.memory_space<vmem>> -> memref<1x128xi32, #tpu.memory_space<vmem>>
        %dma_start3A_373 = tpu.memref_squeeze %dma_start3A_372 : memref<1x128xi32, #tpu.memory_space<vmem>> -> memref<128xi32, #tpu.memory_space<vmem>>
        %dma_start3A_374 = arith.constant 0 : i32
        %dma_start3A_375 = arith.constant 0 : i32
        %dma_start3A_376 = tpu.memref_slice %arg3[%dma_start3A_374, %dma_start3A_375] : memref<250000x128xf32, #tpu.memory_space<hbm>> -> memref<250000x128xf32, #tpu.memory_space<hbm>>
        tpu.enqueue_indirect_dma source(%dma_start3A_376 : memref<250000x128xf32, #tpu.memory_space<hbm>>) target(%dma_start3A_370 : memref<128x128xf32, #tpu.memory_space<vmem>>) offsets(%dma_start3A_373 : memref<128xi32, #tpu.memory_space<vmem>>) semaphore(%arg11 : memref<!tpu.dma_semaphore, #tpu.memory_space<semaphore_mem>>)
      } else {
      }
      %dma_wait3A_218 = arith.constant 1 : i32
      %dma_wait3A_219 = arith.constant 1 : i32
      %dma_wait3A_220 = arith.constant 0 : i32
      %dma_wait3A_221 = arith.constant 0 : i32
      %dma_wait3A_222 = tpu.memref_slice %arg8[%dma_wait3A_219, %dma_wait3A_220, %dma_wait3A_221] : memref<2x128x128xf32, #tpu.memory_space<vmem>> -> memref<1x128x128xf32, #tpu.memory_space<vmem>>
      %dma_wait3A_223 = tpu.memref_squeeze %dma_wait3A_222 : memref<1x128x128xf32, #tpu.memory_space<vmem>> -> memref<128x128xf32, #tpu.memory_space<vmem>>
      %dma_wait3A_224 = arith.constant 0 : i32
      %dma_wait3A_225 = tpu.memref_slice %arg7[%dma_wait3A_218, %dma_wait3A_224] : memref<2x128xi32, #tpu.memory_space<vmem>> -> memref<1x128xi32, #tpu.memory_space<vmem>>
      %dma_wait3A_226 = tpu.memref_squeeze %dma_wait3A_225 : memref<1x128xi32, #tpu.memory_space<vmem>> -> memref<128xi32, #tpu.memory_space<vmem>>
      %dma_wait3A_227 = arith.constant 0 : i32
      %dma_wait3A_228 = arith.constant 0 : i32
      %dma_wait3A_229 = tpu.memref_slice %arg3[%dma_wait3A_227, %dma_wait3A_228] : memref<250000x128xf32, #tpu.memory_space<hbm>> -> memref<250000x128xf32, #tpu.memory_space<hbm>>
      tpu.wait_indirect_dma semaphore(%arg12 : memref<!tpu.dma_semaphore, #tpu.memory_space<semaphore_mem>>) src(%dma_wait3A_229 : memref<250000x128xf32, #tpu.memory_space<hbm>>) dst(%dma_wait3A_223 : memref<128x128xf32, #tpu.memory_space<vmem>>)
      %gt3A_230 = arith.constant 0 : i32
      %gt3A_231 = arith.cmpi sgt, %scan3A_159, %gt3A_230 : i32
      %convert_element_type3A_232 = arith.extui %gt3A_231 : i1 to i32
      %cond3A_233 = arith.constant 0 : i32
      %cond3A_234 = arith.cmpi ne, %convert_element_type3A_232, %cond3A_233 : i32
      scf.if %cond3A_234 {
        %sub3A = arith.constant 2 : i32
        %sub3A_261 = arith.subi %add3A_210, %sub3A : i32
        %dma_wait3A_262 = arith.constant 1 : i32
        %dma_wait3A_263 = arith.constant 0 : i32
        %dma_wait3A_264 = arith.constant 0 : i32
        %dma_wait3A_265 = tpu.memref_slice %arg9[%dma_wait3A_262, %dma_wait3A_263, %dma_wait3A_264] : memref<2x128x32xf32, #tpu.memory_space<vmem>> -> memref<1x128x32xf32, #tpu.memory_space<vmem>>
        %dma_wait3A_266 = tpu.memref_squeeze %dma_wait3A_265 : memref<1x128x32xf32, #tpu.memory_space<vmem>> -> memref<128x32xf32, #tpu.memory_space<vmem>>
        %dma_wait3A_267 = arith.constant 0 : i32
        %dma_wait3A_268 = tpu.memref_slice %arg5[%sub3A_261, %mul3A_2, %dma_wait3A_267] : memref<200x4096x32xf32, #tpu.memory_space<hbm>> -> memref<1x128x32xf32, #tpu.memory_space<hbm>>
        %dma_wait3A_269 = tpu.memref_squeeze %dma_wait3A_268 : memref<1x128x32xf32, #tpu.memory_space<hbm>> -> memref<128x32xf32, #tpu.memory_space<hbm>>
        %dma_wait3A_270 = arith.constant 0 : i32
        %dma_wait3A_271 = tpu.memref_slice %arg5[%sub3A_261, %mul3A_2, %dma_wait3A_270] : memref<200x4096x32xf32, #tpu.memory_space<hbm>> -> memref<1x128x32xf32, #tpu.memory_space<hbm>>
        %dma_wait3A_272 = tpu.memref_squeeze %dma_wait3A_271 : memref<1x128x32xf32, #tpu.memory_space<hbm>> -> memref<128x32xf32, #tpu.memory_space<hbm>>
        %dma_wait3A_273 = arith.constant 0 : i32
        %dma_wait3A_274 = arith.constant 0 : i32
        %dma_wait3A_275 = tpu.memref_slice %arg9[%dma_wait3A_262, %dma_wait3A_273, %dma_wait3A_274] : memref<2x128x32xf32, #tpu.memory_space<vmem>> -> memref<1x128x32xf32, #tpu.memory_space<vmem>>
        %dma_wait3A_276 = tpu.memref_squeeze %dma_wait3A_275 : memref<1x128x32xf32, #tpu.memory_space<vmem>> -> memref<128x32xf32, #tpu.memory_space<vmem>>
        tpu.wait_dma2 semaphore(%arg14 : memref<!tpu.dma_semaphore, #tpu.memory_space<semaphore_mem>>) src(%dma_wait3A_276 : memref<128x32xf32, #tpu.memory_space<vmem>>) dst(%dma_wait3A_272 : memref<128x32xf32, #tpu.memory_space<hbm>>)
      } else {
      }
      %get3A_235 = arith.index_cast %add3A_210 : i32 to index
      %get3A_236 = arith.constant 0 : index
      %get3A_237 = tpu.vector_load %arg10[%get3A_235, %get3A_236] {strides = array<i32>} : memref<200x32xf32, #tpu.memory_space<vmem>>, vector<1x16xf32>,
      %get3A_238 = vector.shape_cast %get3A_237 : vector<1x16xf32> to vector<16xf32>
      %get3A_239 = arith.index_cast %add3A_210 : i32 to index
      %get3A_240 = arith.constant 16 : index
      %get3A_241 = tpu.vector_load %arg10[%get3A_239, %get3A_240] {strides = array<i32>} : memref<200x32xf32, #tpu.memory_space<vmem>>, vector<1x16xf32>,
      %get3A_242 = vector.shape_cast %get3A_241 : vector<1x16xf32> to vector<16xf32>
      %parallel_loop3A_243 = arith.constant 0 : i32
      %parallel_loop3A_244 = arith.constant 8 : i32
      %parallel_loop3A_245 = arith.constant 1 : i32
      scf.for %parallel_loop3A_261 = %parallel_loop3A_243 to %parallel_loop3A_244 step %parallel_loop3A_245  : i32 {
        %parallel_loop3A_262 = arith.constant 16 : i32
        %parallel_loop3A_263 = arith.muli %parallel_loop3A_261, %parallel_loop3A_262 : i32
        %parallel_loop3A_264 = arith.index_cast %add3A_210 : i32 to index
        %parallel_loop3A_265 = arith.index_cast %parallel_loop3A_263 : i32 to index
        %parallel_loop3A_266 = tpu.vector_load %arg6[%parallel_loop3A_264, %parallel_loop3A_265] {strides = array<i32>} : memref<200x128xi32, #tpu.memory_space<vmem>>, vector<1x16xi32>,
        %parallel_loop3A_267 = vector.shape_cast %parallel_loop3A_266 : vector<1x16xi32> to vector<16xi32>
        %parallel_loop3A_268 = arith.constant 3 : i32
        %parallel_loop3A_269 = vector.broadcast %parallel_loop3A_268 : i32 to vector<16xi32>
        %parallel_loop3A_270 = arith.andi %parallel_loop3A_267, %parallel_loop3A_269 : vector<16xi32>
        %parallel_loop3A_271 = arith.constant 32 : i32
        %parallel_loop3A_272 = vector.broadcast %parallel_loop3A_271 : i32 to vector<16xi32>
        %parallel_loop3A_273 = arith.muli %parallel_loop3A_270, %parallel_loop3A_272 : vector<16xi32>
        %parallel_loop3A_274 = arith.constant 0 : i32
        %parallel_loop3A_275 = arith.addi %parallel_loop3A_263, %parallel_loop3A_274 : i32
        %parallel_loop3A_276 = vector.extract_strided_slice %parallel_loop3A_273 {offsets = [0], sizes = [1], strides = [1]} : vector<16xi32> to vector<1xi32>
        %parallel_loop3A_277 = vector.extract %parallel_loop3A_276[0] : i32 from vector<1xi32>
        %parallel_loop3A_278 = arith.constant 0 : i32
        %parallel_loop3A_279 = arith.addi %parallel_loop3A_277, %parallel_loop3A_278 : i32
        %parallel_loop3A_280 = arith.constant 1 : i32
        %parallel_loop3A_281 = arith.index_cast %parallel_loop3A_280 : i32 to index
        %parallel_loop3A_282 = arith.index_cast %parallel_loop3A_275 : i32 to index
        %parallel_loop3A_283 = arith.index_cast %parallel_loop3A_279 : i32 to index
        %parallel_loop3A_284 = tpu.vector_load %arg8[%parallel_loop3A_281, %parallel_loop3A_282, %parallel_loop3A_283] {strides = array<i32>} : memref<2x128x128xf32, #tpu.memory_space<vmem>>, vector<1x1x16xf32>,
        %parallel_loop3A_285 = vector.shape_cast %parallel_loop3A_284 : vector<1x1x16xf32> to vector<16xf32>
        %parallel_loop3A_286 = arith.constant 5.65685415 : f32
        %parallel_loop3A_287 = vector.broadcast %parallel_loop3A_286 : f32 to vector<16xf32>
        %parallel_loop3A_288 = arith.mulf %parallel_loop3A_285, %parallel_loop3A_287 : vector<16xf32>
        %parallel_loop3A_289 = arith.addf %parallel_loop3A_288, %get3A_238 : vector<16xf32>
        %parallel_loop3A_290 = arith.constant 1 : i32
        %parallel_loop3A_291 = arith.index_cast %parallel_loop3A_290 : i32 to index
        %parallel_loop3A_292 = arith.index_cast %parallel_loop3A_275 : i32 to index
        %parallel_loop3A_293 = arith.constant 0 : index
        %parallel_loop3A_294 = tpu.vector_load %arg9[%parallel_loop3A_291, %parallel_loop3A_292, %parallel_loop3A_293] {strides = array<i32>} : memref<2x128x32xf32, #tpu.memory_space<vmem>>, vector<1x1x16xf32>,
        %parallel_loop3A_295 = vector.shape_cast %parallel_loop3A_294 : vector<1x1x16xf32> to vector<16xf32>
        %parallel_loop3A_296 = vector.shape_cast %parallel_loop3A_289 : vector<16xf32> to vector<1x1x16xf32>
        tpu.vector_store %arg9[%parallel_loop3A_291, %parallel_loop3A_292, %parallel_loop3A_293], %parallel_loop3A_296 {strides = array<i32>} : memref<2x128x32xf32, #tpu.memory_space<vmem>>, vector<1x1x16xf32>,
        %parallel_loop3A_297 = arith.constant 16 : i32
        %parallel_loop3A_298 = arith.addi %parallel_loop3A_277, %parallel_loop3A_297 : i32
        %parallel_loop3A_299 = arith.constant 1 : i32
        %parallel_loop3A_300 = arith.index_cast %parallel_loop3A_299 : i32 to index
        %parallel_loop3A_301 = arith.index_cast %parallel_loop3A_275 : i32 to index
        %parallel_loop3A_302 = arith.index_cast %parallel_loop3A_298 : i32 to index
        %parallel_loop3A_303 = tpu.vector_load %arg8[%parallel_loop3A_300, %parallel_loop3A_301, %parallel_loop3A_302] {strides = array<i32>} : memref<2x128x128xf32, #tpu.memory_space<vmem>>, vector<1x1x16xf32>,
        %parallel_loop3A_304 = vector.shape_cast %parallel_loop3A_303 : vector<1x1x16xf32> to vector<16xf32>
        %parallel_loop3A_305 = arith.constant 5.65685415 : f32
        %parallel_loop3A_306 = vector.broadcast %parallel_loop3A_305 : f32 to vector<16xf32>
        %parallel_loop3A_307 = arith.mulf %parallel_loop3A_304, %parallel_loop3A_306 : vector<16xf32>
        %parallel_loop3A_308 = arith.addf %parallel_loop3A_307, %get3A_242 : vector<16xf32>
        %parallel_loop3A_309 = arith.constant 1 : i32
        %parallel_loop3A_310 = arith.index_cast %parallel_loop3A_309 : i32 to index
        %parallel_loop3A_311 = arith.index_cast %parallel_loop3A_275 : i32 to index
        %parallel_loop3A_312 = arith.constant 16 : index
        %parallel_loop3A_313 = tpu.vector_load %arg9[%parallel_loop3A_310, %parallel_loop3A_311, %parallel_loop3A_312] {strides = array<i32>} : memref<2x128x32xf32, #tpu.memory_space<vmem>>, vector<1x1x16xf32>,
        %parallel_loop3A_314 = vector.shape_cast %parallel_loop3A_313 : vector<1x1x16xf32> to vector<16xf32>
        %parallel_loop3A_315 = vector.shape_cast %parallel_loop3A_308 : vector<16xf32> to vector<1x1x16xf32>
        tpu.vector_store %arg9[%parallel_loop3A_310, %parallel_loop3A_311, %parallel_loop3A_312], %parallel_loop3A_315 {strides = array<i32>} : memref<2x128x32xf32, #tpu.memory_space<vmem>>, vector<1x1x16xf32>,
        %parallel_loop3A_316 = arith.constant 1 : i32
        %parallel_loop3A_317 = arith.addi %parallel_loop3A_263, %parallel_loop3A_316 : i32
        %parallel_loop3A_318 = vector.extract_strided_slice %parallel_loop3A_273 {offsets = [1], sizes = [1], strides = [1]} : vector<16xi32> to vector<1xi32>
        %parallel_loop3A_319 = vector.extract %parallel_loop3A_318[0] : i32 from vector<1xi32>
        %parallel_loop3A_320 = arith.constant 0 : i32
        %parallel_loop3A_321 = arith.addi %parallel_loop3A_319, %parallel_loop3A_320 : i32
        %parallel_loop3A_322 = arith.constant 1 : i32
        %parallel_loop3A_323 = arith.index_cast %parallel_loop3A_322 : i32 to index
        %parallel_loop3A_324 = arith.index_cast %parallel_loop3A_317 : i32 to index
        %parallel_loop3A_325 = arith.index_cast %parallel_loop3A_321 : i32 to index
        %parallel_loop3A_326 = tpu.vector_load %arg8[%parallel_loop3A_323, %parallel_loop3A_324, %parallel_loop3A_325] {strides = array<i32>} : memref<2x128x128xf32, #tpu.memory_space<vmem>>, vector<1x1x16xf32>,
        %parallel_loop3A_327 = vector.shape_cast %parallel_loop3A_326 : vector<1x1x16xf32> to vector<16xf32>
        %parallel_loop3A_328 = arith.constant 5.65685415 : f32
        %parallel_loop3A_329 = vector.broadcast %parallel_loop3A_328 : f32 to vector<16xf32>
        %parallel_loop3A_330 = arith.mulf %parallel_loop3A_327, %parallel_loop3A_329 : vector<16xf32>
        %parallel_loop3A_331 = arith.addf %parallel_loop3A_330, %get3A_238 : vector<16xf32>
        %parallel_loop3A_332 = arith.constant 1 : i32
        %parallel_loop3A_333 = arith.index_cast %parallel_loop3A_332 : i32 to index
        %parallel_loop3A_334 = arith.index_cast %parallel_loop3A_317 : i32 to index
        %parallel_loop3A_335 = arith.constant 0 : index
        %parallel_loop3A_336 = tpu.vector_load %arg9[%parallel_loop3A_333, %parallel_loop3A_334, %parallel_loop3A_335] {strides = array<i32>} : memref<2x128x32xf32, #tpu.memory_space<vmem>>, vector<1x1x16xf32>,
        %parallel_loop3A_337 = vector.shape_cast %parallel_loop3A_336 : vector<1x1x16xf32> to vector<16xf32>
        %parallel_loop3A_338 = vector.shape_cast %parallel_loop3A_331 : vector<16xf32> to vector<1x1x16xf32>
        tpu.vector_store %arg9[%parallel_loop3A_333, %parallel_loop3A_334, %parallel_loop3A_335], %parallel_loop3A_338 {strides = array<i32>} : memref<2x128x32xf32, #tpu.memory_space<vmem>>, vector<1x1x16xf32>,
        %parallel_loop3A_339 = arith.constant 16 : i32
        %parallel_loop3A_340 = arith.addi %parallel_loop3A_319, %parallel_loop3A_339 : i32
        %parallel_loop3A_341 = arith.constant 1 : i32
        %parallel_loop3A_342 = arith.index_cast %parallel_loop3A_341 : i32 to index
        %parallel_loop3A_343 = arith.index_cast %parallel_loop3A_317 : i32 to index
        %parallel_loop3A_344 = arith.index_cast %parallel_loop3A_340 : i32 to index
        %parallel_loop3A_345 = tpu.vector_load %arg8[%parallel_loop3A_342, %parallel_loop3A_343, %parallel_loop3A_344] {strides = array<i32>} : memref<2x128x128xf32, #tpu.memory_space<vmem>>, vector<1x1x16xf32>,
        %parallel_loop3A_346 = vector.shape_cast %parallel_loop3A_345 : vector<1x1x16xf32> to vector<16xf32>
        %parallel_loop3A_347 = arith.constant 5.65685415 : f32
        %parallel_loop3A_348 = vector.broadcast %parallel_loop3A_347 : f32 to vector<16xf32>
        %parallel_loop3A_349 = arith.mulf %parallel_loop3A_346, %parallel_loop3A_348 : vector<16xf32>
        %parallel_loop3A_350 = arith.addf %parallel_loop3A_349, %get3A_242 : vector<16xf32>
        %parallel_loop3A_351 = arith.constant 1 : i32
        %parallel_loop3A_352 = arith.index_cast %parallel_loop3A_351 : i32 to index
        %parallel_loop3A_353 = arith.index_cast %parallel_loop3A_317 : i32 to index
        %parallel_loop3A_354 = arith.constant 16 : index
        %parallel_loop3A_355 = tpu.vector_load %arg9[%parallel_loop3A_352, %parallel_loop3A_353, %parallel_loop3A_354] {strides = array<i32>} : memref<2x128x32xf32, #tpu.memory_space<vmem>>, vector<1x1x16xf32>,
        %parallel_loop3A_356 = vector.shape_cast %parallel_loop3A_355 : vector<1x1x16xf32> to vector<16xf32>
        %parallel_loop3A_357 = vector.shape_cast %parallel_loop3A_350 : vector<16xf32> to vector<1x1x16xf32>
        tpu.vector_store %arg9[%parallel_loop3A_352, %parallel_loop3A_353, %parallel_loop3A_354], %parallel_loop3A_357 {strides = array<i32>} : memref<2x128x32xf32, #tpu.memory_space<vmem>>, vector<1x1x16xf32>,
        %parallel_loop3A_358 = arith.constant 2 : i32
        %parallel_loop3A_359 = arith.addi %parallel_loop3A_263, %parallel_loop3A_358 : i32
        %parallel_loop3A_360 = vector.extract_strided_slice %parallel_loop3A_273 {offsets = [2], sizes = [1], strides = [1]} : vector<16xi32> to vector<1xi32>
        %parallel_loop3A_361 = vector.extract %parallel_loop3A_360[0] : i32 from vector<1xi32>
        %parallel_loop3A_362 = arith.constant 0 : i32
        %parallel_loop3A_363 = arith.addi %parallel_loop3A_361, %parallel_loop3A_362 : i32
        %parallel_loop3A_364 = arith.constant 1 : i32
        %parallel_loop3A_365 = arith.index_cast %parallel_loop3A_364 : i32 to index
        %parallel_loop3A_366 = arith.index_cast %parallel_loop3A_359 : i32 to index
        %parallel_loop3A_367 = arith.index_cast %parallel_loop3A_363 : i32 to index
        %parallel_loop3A_368 = tpu.vector_load %arg8[%parallel_loop3A_365, %parallel_loop3A_366, %parallel_loop3A_367] {strides = array<i32>} : memref<2x128x128xf32, #tpu.memory_space<vmem>>, vector<1x1x16xf32>,
        %parallel_loop3A_369 = vector.shape_cast %parallel_loop3A_368 : vector<1x1x16xf32> to vector<16xf32>
        %parallel_loop3A_370 = arith.constant 5.65685415 : f32
        %parallel_loop3A_371 = vector.broadcast %parallel_loop3A_370 : f32 to vector<16xf32>
        %parallel_loop3A_372 = arith.mulf %parallel_loop3A_369, %parallel_loop3A_371 : vector<16xf32>
        %parallel_loop3A_373 = arith.addf %parallel_loop3A_372, %get3A_238 : vector<16xf32>
        %parallel_loop3A_374 = arith.constant 1 : i32
        %parallel_loop3A_375 = arith.index_cast %parallel_loop3A_374 : i32 to index
        %parallel_loop3A_376 = arith.index_cast %parallel_loop3A_359 : i32 to index
        %parallel_loop3A_377 = arith.constant 0 : index
        %parallel_loop3A_378 = tpu.vector_load %arg9[%parallel_loop3A_375, %parallel_loop3A_376, %parallel_loop3A_377] {strides = array<i32>} : memref<2x128x32xf32, #tpu.memory_space<vmem>>, vector<1x1x16xf32>,
        %parallel_loop3A_379 = vector.shape_cast %parallel_loop3A_378 : vector<1x1x16xf32> to vector<16xf32>
        %parallel_loop3A_380 = vector.shape_cast %parallel_loop3A_373 : vector<16xf32> to vector<1x1x16xf32>
        tpu.vector_store %arg9[%parallel_loop3A_375, %parallel_loop3A_376, %parallel_loop3A_377], %parallel_loop3A_380 {strides = array<i32>} : memref<2x128x32xf32, #tpu.memory_space<vmem>>, vector<1x1x16xf32>,
        %parallel_loop3A_381 = arith.constant 16 : i32
        %parallel_loop3A_382 = arith.addi %parallel_loop3A_361, %parallel_loop3A_381 : i32
        %parallel_loop3A_383 = arith.constant 1 : i32
        %parallel_loop3A_384 = arith.index_cast %parallel_loop3A_383 : i32 to index
        %parallel_loop3A_385 = arith.index_cast %parallel_loop3A_359 : i32 to index
        %parallel_loop3A_386 = arith.index_cast %parallel_loop3A_382 : i32 to index
        %parallel_loop3A_387 = tpu.vector_load %arg8[%parallel_loop3A_384, %parallel_loop3A_385, %parallel_loop3A_386] {strides = array<i32>} : memref<2x128x128xf32, #tpu.memory_space<vmem>>, vector<1x1x16xf32>,
        %parallel_loop3A_388 = vector.shape_cast %parallel_loop3A_387 : vector<1x1x16xf32> to vector<16xf32>
        %parallel_loop3A_389 = arith.constant 5.65685415 : f32
        %parallel_loop3A_390 = vector.broadcast %parallel_loop3A_389 : f32 to vector<16xf32>
        %parallel_loop3A_391 = arith.mulf %parallel_loop3A_388, %parallel_loop3A_390 : vector<16xf32>
        %parallel_loop3A_392 = arith.addf %parallel_loop3A_391, %get3A_242 : vector<16xf32>
        %parallel_loop3A_393 = arith.constant 1 : i32
        %parallel_loop3A_394 = arith.index_cast %parallel_loop3A_393 : i32 to index
        %parallel_loop3A_395 = arith.index_cast %parallel_loop3A_359 : i32 to index
        %parallel_loop3A_396 = arith.constant 16 : index
        %parallel_loop3A_397 = tpu.vector_load %arg9[%parallel_loop3A_394, %parallel_loop3A_395, %parallel_loop3A_396] {strides = array<i32>} : memref<2x128x32xf32, #tpu.memory_space<vmem>>, vector<1x1x16xf32>,
        %parallel_loop3A_398 = vector.shape_cast %parallel_loop3A_397 : vector<1x1x16xf32> to vector<16xf32>
        %parallel_loop3A_399 = vector.shape_cast %parallel_loop3A_392 : vector<16xf32> to vector<1x1x16xf32>
        tpu.vector_store %arg9[%parallel_loop3A_394, %parallel_loop3A_395, %parallel_loop3A_396], %parallel_loop3A_399 {strides = array<i32>} : memref<2x128x32xf32, #tpu.memory_space<vmem>>, vector<1x1x16xf32>,
        %parallel_loop3A_400 = arith.constant 3 : i32
        %parallel_loop3A_401 = arith.addi %parallel_loop3A_263, %parallel_loop3A_400 : i32
        %parallel_loop3A_402 = vector.extract_strided_slice %parallel_loop3A_273 {offsets = [3], sizes = [1], strides = [1]} : vector<16xi32> to vector<1xi32>
        %parallel_loop3A_403 = vector.extract %parallel_loop3A_402[0] : i32 from vector<1xi32>
        %parallel_loop3A_404 = arith.constant 0 : i32
        %parallel_loop3A_405 = arith.addi %parallel_loop3A_403, %parallel_loop3A_404 : i32
        %parallel_loop3A_406 = arith.constant 1 : i32
        %parallel_loop3A_407 = arith.index_cast %parallel_loop3A_406 : i32 to index
        %parallel_loop3A_408 = arith.index_cast %parallel_loop3A_401 : i32 to index
        %parallel_loop3A_409 = arith.index_cast %parallel_loop3A_405 : i32 to index
        %parallel_loop3A_410 = tpu.vector_load %arg8[%parallel_loop3A_407, %parallel_loop3A_408, %parallel_loop3A_409] {strides = array<i32>} : memref<2x128x128xf32, #tpu.memory_space<vmem>>, vector<1x1x16xf32>,
        %parallel_loop3A_411 = vector.shape_cast %parallel_loop3A_410 : vector<1x1x16xf32> to vector<16xf32>
        %parallel_loop3A_412 = arith.constant 5.65685415 : f32
        %parallel_loop3A_413 = vector.broadcast %parallel_loop3A_412 : f32 to vector<16xf32>
        %parallel_loop3A_414 = arith.mulf %parallel_loop3A_411, %parallel_loop3A_413 : vector<16xf32>
        %parallel_loop3A_415 = arith.addf %parallel_loop3A_414, %get3A_238 : vector<16xf32>
        %parallel_loop3A_416 = arith.constant 1 : i32
        %parallel_loop3A_417 = arith.index_cast %parallel_loop3A_416 : i32 to index
        %parallel_loop3A_418 = arith.index_cast %parallel_loop3A_401 : i32 to index
        %parallel_loop3A_419 = arith.constant 0 : index
        %parallel_loop3A_420 = tpu.vector_load %arg9[%parallel_loop3A_417, %parallel_loop3A_418, %parallel_loop3A_419] {strides = array<i32>} : memref<2x128x32xf32, #tpu.memory_space<vmem>>, vector<1x1x16xf32>,
        %parallel_loop3A_421 = vector.shape_cast %parallel_loop3A_420 : vector<1x1x16xf32> to vector<16xf32>
        %parallel_loop3A_422 = vector.shape_cast %parallel_loop3A_415 : vector<16xf32> to vector<1x1x16xf32>
        tpu.vector_store %arg9[%parallel_loop3A_417, %parallel_loop3A_418, %parallel_loop3A_419], %parallel_loop3A_422 {strides = array<i32>} : memref<2x128x32xf32, #tpu.memory_space<vmem>>, vector<1x1x16xf32>,
        %parallel_loop3A_423 = arith.constant 16 : i32
        %parallel_loop3A_424 = arith.addi %parallel_loop3A_403, %parallel_loop3A_423 : i32
        %parallel_loop3A_425 = arith.constant 1 : i32
        %parallel_loop3A_426 = arith.index_cast %parallel_loop3A_425 : i32 to index
        %parallel_loop3A_427 = arith.index_cast %parallel_loop3A_401 : i32 to index
        %parallel_loop3A_428 = arith.index_cast %parallel_loop3A_424 : i32 to index
        %parallel_loop3A_429 = tpu.vector_load %arg8[%parallel_loop3A_426, %parallel_loop3A_427, %parallel_loop3A_428] {strides = array<i32>} : memref<2x128x128xf32, #tpu.memory_space<vmem>>, vector<1x1x16xf32>,
        %parallel_loop3A_430 = vector.shape_cast %parallel_loop3A_429 : vector<1x1x16xf32> to vector<16xf32>
        %parallel_loop3A_431 = arith.constant 5.65685415 : f32
        %parallel_loop3A_432 = vector.broadcast %parallel_loop3A_431 : f32 to vector<16xf32>
        %parallel_loop3A_433 = arith.mulf %parallel_loop3A_430, %parallel_loop3A_432 : vector<16xf32>
        %parallel_loop3A_434 = arith.addf %parallel_loop3A_433, %get3A_242 : vector<16xf32>
        %parallel_loop3A_435 = arith.constant 1 : i32
        %parallel_loop3A_436 = arith.index_cast %parallel_loop3A_435 : i32 to index
        %parallel_loop3A_437 = arith.index_cast %parallel_loop3A_401 : i32 to index
        %parallel_loop3A_438 = arith.constant 16 : index
        %parallel_loop3A_439 = tpu.vector_load %arg9[%parallel_loop3A_436, %parallel_loop3A_437, %parallel_loop3A_438] {strides = array<i32>} : memref<2x128x32xf32, #tpu.memory_space<vmem>>, vector<1x1x16xf32>,
        %parallel_loop3A_440 = vector.shape_cast %parallel_loop3A_439 : vector<1x1x16xf32> to vector<16xf32>
        %parallel_loop3A_441 = vector.shape_cast %parallel_loop3A_434 : vector<16xf32> to vector<1x1x16xf32>
        tpu.vector_store %arg9[%parallel_loop3A_436, %parallel_loop3A_437, %parallel_loop3A_438], %parallel_loop3A_441 {strides = array<i32>} : memref<2x128x32xf32, #tpu.memory_space<vmem>>, vector<1x1x16xf32>,
        %parallel_loop3A_442 = arith.constant 4 : i32
        %parallel_loop3A_443 = arith.addi %parallel_loop3A_263, %parallel_loop3A_442 : i32
        %parallel_loop3A_444 = vector.extract_strided_slice %parallel_loop3A_273 {offsets = [4], sizes = [1], strides = [1]} : vector<16xi32> to vector<1xi32>
        %parallel_loop3A_445 = vector.extract %parallel_loop3A_444[0] : i32 from vector<1xi32>
        %parallel_loop3A_446 = arith.constant 0 : i32
        %parallel_loop3A_447 = arith.addi %parallel_loop3A_445, %parallel_loop3A_446 : i32
        %parallel_loop3A_448 = arith.constant 1 : i32
        %parallel_loop3A_449 = arith.index_cast %parallel_loop3A_448 : i32 to index
        %parallel_loop3A_450 = arith.index_cast %parallel_loop3A_443 : i32 to index
        %parallel_loop3A_451 = arith.index_cast %parallel_loop3A_447 : i32 to index
        %parallel_loop3A_452 = tpu.vector_load %arg8[%parallel_loop3A_449, %parallel_loop3A_450, %parallel_loop3A_451] {strides = array<i32>} : memref<2x128x128xf32, #tpu.memory_space<vmem>>, vector<1x1x16xf32>,
        %parallel_loop3A_453 = vector.shape_cast %parallel_loop3A_452 : vector<1x1x16xf32> to vector<16xf32>
        %parallel_loop3A_454 = arith.constant 5.65685415 : f32
        %parallel_loop3A_455 = vector.broadcast %parallel_loop3A_454 : f32 to vector<16xf32>
        %parallel_loop3A_456 = arith.mulf %parallel_loop3A_453, %parallel_loop3A_455 : vector<16xf32>
        %parallel_loop3A_457 = arith.addf %parallel_loop3A_456, %get3A_238 : vector<16xf32>
        %parallel_loop3A_458 = arith.constant 1 : i32
        %parallel_loop3A_459 = arith.index_cast %parallel_loop3A_458 : i32 to index
        %parallel_loop3A_460 = arith.index_cast %parallel_loop3A_443 : i32 to index
        %parallel_loop3A_461 = arith.constant 0 : index
        %parallel_loop3A_462 = tpu.vector_load %arg9[%parallel_loop3A_459, %parallel_loop3A_460, %parallel_loop3A_461] {strides = array<i32>} : memref<2x128x32xf32, #tpu.memory_space<vmem>>, vector<1x1x16xf32>,
        %parallel_loop3A_463 = vector.shape_cast %parallel_loop3A_462 : vector<1x1x16xf32> to vector<16xf32>
        %parallel_loop3A_464 = vector.shape_cast %parallel_loop3A_457 : vector<16xf32> to vector<1x1x16xf32>
        tpu.vector_store %arg9[%parallel_loop3A_459, %parallel_loop3A_460, %parallel_loop3A_461], %parallel_loop3A_464 {strides = array<i32>} : memref<2x128x32xf32, #tpu.memory_space<vmem>>, vector<1x1x16xf32>,
        %parallel_loop3A_465 = arith.constant 16 : i32
        %parallel_loop3A_466 = arith.addi %parallel_loop3A_445, %parallel_loop3A_465 : i32
        %parallel_loop3A_467 = arith.constant 1 : i32
        %parallel_loop3A_468 = arith.index_cast %parallel_loop3A_467 : i32 to index
        %parallel_loop3A_469 = arith.index_cast %parallel_loop3A_443 : i32 to index
        %parallel_loop3A_470 = arith.index_cast %parallel_loop3A_466 : i32 to index
        %parallel_loop3A_471 = tpu.vector_load %arg8[%parallel_loop3A_468, %parallel_loop3A_469, %parallel_loop3A_470] {strides = array<i32>} : memref<2x128x128xf32, #tpu.memory_space<vmem>>, vector<1x1x16xf32>,
        %parallel_loop3A_472 = vector.shape_cast %parallel_loop3A_471 : vector<1x1x16xf32> to vector<16xf32>
        %parallel_loop3A_473 = arith.constant 5.65685415 : f32
        %parallel_loop3A_474 = vector.broadcast %parallel_loop3A_473 : f32 to vector<16xf32>
        %parallel_loop3A_475 = arith.mulf %parallel_loop3A_472, %parallel_loop3A_474 : vector<16xf32>
        %parallel_loop3A_476 = arith.addf %parallel_loop3A_475, %get3A_242 : vector<16xf32>
        %parallel_loop3A_477 = arith.constant 1 : i32
        %parallel_loop3A_478 = arith.index_cast %parallel_loop3A_477 : i32 to index
        %parallel_loop3A_479 = arith.index_cast %parallel_loop3A_443 : i32 to index
        %parallel_loop3A_480 = arith.constant 16 : index
        %parallel_loop3A_481 = tpu.vector_load %arg9[%parallel_loop3A_478, %parallel_loop3A_479, %parallel_loop3A_480] {strides = array<i32>} : memref<2x128x32xf32, #tpu.memory_space<vmem>>, vector<1x1x16xf32>,
        %parallel_loop3A_482 = vector.shape_cast %parallel_loop3A_481 : vector<1x1x16xf32> to vector<16xf32>
        %parallel_loop3A_483 = vector.shape_cast %parallel_loop3A_476 : vector<16xf32> to vector<1x1x16xf32>
        tpu.vector_store %arg9[%parallel_loop3A_478, %parallel_loop3A_479, %parallel_loop3A_480], %parallel_loop3A_483 {strides = array<i32>} : memref<2x128x32xf32, #tpu.memory_space<vmem>>, vector<1x1x16xf32>,
        %parallel_loop3A_484 = arith.constant 5 : i32
        %parallel_loop3A_485 = arith.addi %parallel_loop3A_263, %parallel_loop3A_484 : i32
        %parallel_loop3A_486 = vector.extract_strided_slice %parallel_loop3A_273 {offsets = [5], sizes = [1], strides = [1]} : vector<16xi32> to vector<1xi32>
        %parallel_loop3A_487 = vector.extract %parallel_loop3A_486[0] : i32 from vector<1xi32>
        %parallel_loop3A_488 = arith.constant 0 : i32
        %parallel_loop3A_489 = arith.addi %parallel_loop3A_487, %parallel_loop3A_488 : i32
        %parallel_loop3A_490 = arith.constant 1 : i32
        %parallel_loop3A_491 = arith.index_cast %parallel_loop3A_490 : i32 to index
        %parallel_loop3A_492 = arith.index_cast %parallel_loop3A_485 : i32 to index
        %parallel_loop3A_493 = arith.index_cast %parallel_loop3A_489 : i32 to index
        %parallel_loop3A_494 = tpu.vector_load %arg8[%parallel_loop3A_491, %parallel_loop3A_492, %parallel_loop3A_493] {strides = array<i32>} : memref<2x128x128xf32, #tpu.memory_space<vmem>>, vector<1x1x16xf32>,
        %parallel_loop3A_495 = vector.shape_cast %parallel_loop3A_494 : vector<1x1x16xf32> to vector<16xf32>
        %parallel_loop3A_496 = arith.constant 5.65685415 : f32
        %parallel_loop3A_497 = vector.broadcast %parallel_loop3A_496 : f32 to vector<16xf32>
        %parallel_loop3A_498 = arith.mulf %parallel_loop3A_495, %parallel_loop3A_497 : vector<16xf32>
        %parallel_loop3A_499 = arith.addf %parallel_loop3A_498, %get3A_238 : vector<16xf32>
        %parallel_loop3A_500 = arith.constant 1 : i32
        %parallel_loop3A_501 = arith.index_cast %parallel_loop3A_500 : i32 to index
        %parallel_loop3A_502 = arith.index_cast %parallel_loop3A_485 : i32 to index
        %parallel_loop3A_503 = arith.constant 0 : index
        %parallel_loop3A_504 = tpu.vector_load %arg9[%parallel_loop3A_501, %parallel_loop3A_502, %parallel_loop3A_503] {strides = array<i32>} : memref<2x128x32xf32, #tpu.memory_space<vmem>>, vector<1x1x16xf32>,
        %parallel_loop3A_505 = vector.shape_cast %parallel_loop3A_504 : vector<1x1x16xf32> to vector<16xf32>
        %parallel_loop3A_506 = vector.shape_cast %parallel_loop3A_499 : vector<16xf32> to vector<1x1x16xf32>
        tpu.vector_store %arg9[%parallel_loop3A_501, %parallel_loop3A_502, %parallel_loop3A_503], %parallel_loop3A_506 {strides = array<i32>} : memref<2x128x32xf32, #tpu.memory_space<vmem>>, vector<1x1x16xf32>,
        %parallel_loop3A_507 = arith.constant 16 : i32
        %parallel_loop3A_508 = arith.addi %parallel_loop3A_487, %parallel_loop3A_507 : i32
        %parallel_loop3A_509 = arith.constant 1 : i32
        %parallel_loop3A_510 = arith.index_cast %parallel_loop3A_509 : i32 to index
        %parallel_loop3A_511 = arith.index_cast %parallel_loop3A_485 : i32 to index
        %parallel_loop3A_512 = arith.index_cast %parallel_loop3A_508 : i32 to index
        %parallel_loop3A_513 = tpu.vector_load %arg8[%parallel_loop3A_510, %parallel_loop3A_511, %parallel_loop3A_512] {strides = array<i32>} : memref<2x128x128xf32, #tpu.memory_space<vmem>>, vector<1x1x16xf32>,
        %parallel_loop3A_514 = vector.shape_cast %parallel_loop3A_513 : vector<1x1x16xf32> to vector<16xf32>
        %parallel_loop3A_515 = arith.constant 5.65685415 : f32
        %parallel_loop3A_516 = vector.broadcast %parallel_loop3A_515 : f32 to vector<16xf32>
        %parallel_loop3A_517 = arith.mulf %parallel_loop3A_514, %parallel_loop3A_516 : vector<16xf32>
        %parallel_loop3A_518 = arith.addf %parallel_loop3A_517, %get3A_242 : vector<16xf32>
        %parallel_loop3A_519 = arith.constant 1 : i32
        %parallel_loop3A_520 = arith.index_cast %parallel_loop3A_519 : i32 to index
        %parallel_loop3A_521 = arith.index_cast %parallel_loop3A_485 : i32 to index
        %parallel_loop3A_522 = arith.constant 16 : index
        %parallel_loop3A_523 = tpu.vector_load %arg9[%parallel_loop3A_520, %parallel_loop3A_521, %parallel_loop3A_522] {strides = array<i32>} : memref<2x128x32xf32, #tpu.memory_space<vmem>>, vector<1x1x16xf32>,
        %parallel_loop3A_524 = vector.shape_cast %parallel_loop3A_523 : vector<1x1x16xf32> to vector<16xf32>
        %parallel_loop3A_525 = vector.shape_cast %parallel_loop3A_518 : vector<16xf32> to vector<1x1x16xf32>
        tpu.vector_store %arg9[%parallel_loop3A_520, %parallel_loop3A_521, %parallel_loop3A_522], %parallel_loop3A_525 {strides = array<i32>} : memref<2x128x32xf32, #tpu.memory_space<vmem>>, vector<1x1x16xf32>,
        %parallel_loop3A_526 = arith.constant 6 : i32
        %parallel_loop3A_527 = arith.addi %parallel_loop3A_263, %parallel_loop3A_526 : i32
        %parallel_loop3A_528 = vector.extract_strided_slice %parallel_loop3A_273 {offsets = [6], sizes = [1], strides = [1]} : vector<16xi32> to vector<1xi32>
        %parallel_loop3A_529 = vector.extract %parallel_loop3A_528[0] : i32 from vector<1xi32>
        %parallel_loop3A_530 = arith.constant 0 : i32
        %parallel_loop3A_531 = arith.addi %parallel_loop3A_529, %parallel_loop3A_530 : i32
        %parallel_loop3A_532 = arith.constant 1 : i32
        %parallel_loop3A_533 = arith.index_cast %parallel_loop3A_532 : i32 to index
        %parallel_loop3A_534 = arith.index_cast %parallel_loop3A_527 : i32 to index
        %parallel_loop3A_535 = arith.index_cast %parallel_loop3A_531 : i32 to index
        %parallel_loop3A_536 = tpu.vector_load %arg8[%parallel_loop3A_533, %parallel_loop3A_534, %parallel_loop3A_535] {strides = array<i32>} : memref<2x128x128xf32, #tpu.memory_space<vmem>>, vector<1x1x16xf32>,
        %parallel_loop3A_537 = vector.shape_cast %parallel_loop3A_536 : vector<1x1x16xf32> to vector<16xf32>
        %parallel_loop3A_538 = arith.constant 5.65685415 : f32
        %parallel_loop3A_539 = vector.broadcast %parallel_loop3A_538 : f32 to vector<16xf32>
        %parallel_loop3A_540 = arith.mulf %parallel_loop3A_537, %parallel_loop3A_539 : vector<16xf32>
        %parallel_loop3A_541 = arith.addf %parallel_loop3A_540, %get3A_238 : vector<16xf32>
        %parallel_loop3A_542 = arith.constant 1 : i32
        %parallel_loop3A_543 = arith.index_cast %parallel_loop3A_542 : i32 to index
        %parallel_loop3A_544 = arith.index_cast %parallel_loop3A_527 : i32 to index
        %parallel_loop3A_545 = arith.constant 0 : index
        %parallel_loop3A_546 = tpu.vector_load %arg9[%parallel_loop3A_543, %parallel_loop3A_544, %parallel_loop3A_545] {strides = array<i32>} : memref<2x128x32xf32, #tpu.memory_space<vmem>>, vector<1x1x16xf32>,
        %parallel_loop3A_547 = vector.shape_cast %parallel_loop3A_546 : vector<1x1x16xf32> to vector<16xf32>
        %parallel_loop3A_548 = vector.shape_cast %parallel_loop3A_541 : vector<16xf32> to vector<1x1x16xf32>
        tpu.vector_store %arg9[%parallel_loop3A_543, %parallel_loop3A_544, %parallel_loop3A_545], %parallel_loop3A_548 {strides = array<i32>} : memref<2x128x32xf32, #tpu.memory_space<vmem>>, vector<1x1x16xf32>,
        %parallel_loop3A_549 = arith.constant 16 : i32
        %parallel_loop3A_550 = arith.addi %parallel_loop3A_529, %parallel_loop3A_549 : i32
        %parallel_loop3A_551 = arith.constant 1 : i32
        %parallel_loop3A_552 = arith.index_cast %parallel_loop3A_551 : i32 to index
        %parallel_loop3A_553 = arith.index_cast %parallel_loop3A_527 : i32 to index
        %parallel_loop3A_554 = arith.index_cast %parallel_loop3A_550 : i32 to index
        %parallel_loop3A_555 = tpu.vector_load %arg8[%parallel_loop3A_552, %parallel_loop3A_553, %parallel_loop3A_554] {strides = array<i32>} : memref<2x128x128xf32, #tpu.memory_space<vmem>>, vector<1x1x16xf32>,
        %parallel_loop3A_556 = vector.shape_cast %parallel_loop3A_555 : vector<1x1x16xf32> to vector<16xf32>
        %parallel_loop3A_557 = arith.constant 5.65685415 : f32
        %parallel_loop3A_558 = vector.broadcast %parallel_loop3A_557 : f32 to vector<16xf32>
        %parallel_loop3A_559 = arith.mulf %parallel_loop3A_556, %parallel_loop3A_558 : vector<16xf32>
        %parallel_loop3A_560 = arith.addf %parallel_loop3A_559, %get3A_242 : vector<16xf32>
        %parallel_loop3A_561 = arith.constant 1 : i32
        %parallel_loop3A_562 = arith.index_cast %parallel_loop3A_561 : i32 to index
        %parallel_loop3A_563 = arith.index_cast %parallel_loop3A_527 : i32 to index
        %parallel_loop3A_564 = arith.constant 16 : index
        %parallel_loop3A_565 = tpu.vector_load %arg9[%parallel_loop3A_562, %parallel_loop3A_563, %parallel_loop3A_564] {strides = array<i32>} : memref<2x128x32xf32, #tpu.memory_space<vmem>>, vector<1x1x16xf32>,
        %parallel_loop3A_566 = vector.shape_cast %parallel_loop3A_565 : vector<1x1x16xf32> to vector<16xf32>
        %parallel_loop3A_567 = vector.shape_cast %parallel_loop3A_560 : vector<16xf32> to vector<1x1x16xf32>
        tpu.vector_store %arg9[%parallel_loop3A_562, %parallel_loop3A_563, %parallel_loop3A_564], %parallel_loop3A_567 {strides = array<i32>} : memref<2x128x32xf32, #tpu.memory_space<vmem>>, vector<1x1x16xf32>,
        %parallel_loop3A_568 = arith.constant 7 : i32
        %parallel_loop3A_569 = arith.addi %parallel_loop3A_263, %parallel_loop3A_568 : i32
        %parallel_loop3A_570 = vector.extract_strided_slice %parallel_loop3A_273 {offsets = [7], sizes = [1], strides = [1]} : vector<16xi32> to vector<1xi32>
        %parallel_loop3A_571 = vector.extract %parallel_loop3A_570[0] : i32 from vector<1xi32>
        %parallel_loop3A_572 = arith.constant 0 : i32
        %parallel_loop3A_573 = arith.addi %parallel_loop3A_571, %parallel_loop3A_572 : i32
        %parallel_loop3A_574 = arith.constant 1 : i32
        %parallel_loop3A_575 = arith.index_cast %parallel_loop3A_574 : i32 to index
        %parallel_loop3A_576 = arith.index_cast %parallel_loop3A_569 : i32 to index
        %parallel_loop3A_577 = arith.index_cast %parallel_loop3A_573 : i32 to index
        %parallel_loop3A_578 = tpu.vector_load %arg8[%parallel_loop3A_575, %parallel_loop3A_576, %parallel_loop3A_577] {strides = array<i32>} : memref<2x128x128xf32, #tpu.memory_space<vmem>>, vector<1x1x16xf32>,
        %parallel_loop3A_579 = vector.shape_cast %parallel_loop3A_578 : vector<1x1x16xf32> to vector<16xf32>
        %parallel_loop3A_580 = arith.constant 5.65685415 : f32
        %parallel_loop3A_581 = vector.broadcast %parallel_loop3A_580 : f32 to vector<16xf32>
        %parallel_loop3A_582 = arith.mulf %parallel_loop3A_579, %parallel_loop3A_581 : vector<16xf32>
        %parallel_loop3A_583 = arith.addf %parallel_loop3A_582, %get3A_238 : vector<16xf32>
        %parallel_loop3A_584 = arith.constant 1 : i32
        %parallel_loop3A_585 = arith.index_cast %parallel_loop3A_584 : i32 to index
        %parallel_loop3A_586 = arith.index_cast %parallel_loop3A_569 : i32 to index
        %parallel_loop3A_587 = arith.constant 0 : index
        %parallel_loop3A_588 = tpu.vector_load %arg9[%parallel_loop3A_585, %parallel_loop3A_586, %parallel_loop3A_587] {strides = array<i32>} : memref<2x128x32xf32, #tpu.memory_space<vmem>>, vector<1x1x16xf32>,
        %parallel_loop3A_589 = vector.shape_cast %parallel_loop3A_588 : vector<1x1x16xf32> to vector<16xf32>
        %parallel_loop3A_590 = vector.shape_cast %parallel_loop3A_583 : vector<16xf32> to vector<1x1x16xf32>
        tpu.vector_store %arg9[%parallel_loop3A_585, %parallel_loop3A_586, %parallel_loop3A_587], %parallel_loop3A_590 {strides = array<i32>} : memref<2x128x32xf32, #tpu.memory_space<vmem>>, vector<1x1x16xf32>,
        %parallel_loop3A_591 = arith.constant 16 : i32
        %parallel_loop3A_592 = arith.addi %parallel_loop3A_571, %parallel_loop3A_591 : i32
        %parallel_loop3A_593 = arith.constant 1 : i32
        %parallel_loop3A_594 = arith.index_cast %parallel_loop3A_593 : i32 to index
        %parallel_loop3A_595 = arith.index_cast %parallel_loop3A_569 : i32 to index
        %parallel_loop3A_596 = arith.index_cast %parallel_loop3A_592 : i32 to index
        %parallel_loop3A_597 = tpu.vector_load %arg8[%parallel_loop3A_594, %parallel_loop3A_595, %parallel_loop3A_596] {strides = array<i32>} : memref<2x128x128xf32, #tpu.memory_space<vmem>>, vector<1x1x16xf32>,
        %parallel_loop3A_598 = vector.shape_cast %parallel_loop3A_597 : vector<1x1x16xf32> to vector<16xf32>
        %parallel_loop3A_599 = arith.constant 5.65685415 : f32
        %parallel_loop3A_600 = vector.broadcast %parallel_loop3A_599 : f32 to vector<16xf32>
        %parallel_loop3A_601 = arith.mulf %parallel_loop3A_598, %parallel_loop3A_600 : vector<16xf32>
        %parallel_loop3A_602 = arith.addf %parallel_loop3A_601, %get3A_242 : vector<16xf32>
        %parallel_loop3A_603 = arith.constant 1 : i32
        %parallel_loop3A_604 = arith.index_cast %parallel_loop3A_603 : i32 to index
        %parallel_loop3A_605 = arith.index_cast %parallel_loop3A_569 : i32 to index
        %parallel_loop3A_606 = arith.constant 16 : index
        %parallel_loop3A_607 = tpu.vector_load %arg9[%parallel_loop3A_604, %parallel_loop3A_605, %parallel_loop3A_606] {strides = array<i32>} : memref<2x128x32xf32, #tpu.memory_space<vmem>>, vector<1x1x16xf32>,
        %parallel_loop3A_608 = vector.shape_cast %parallel_loop3A_607 : vector<1x1x16xf32> to vector<16xf32>
        %parallel_loop3A_609 = vector.shape_cast %parallel_loop3A_602 : vector<16xf32> to vector<1x1x16xf32>
        tpu.vector_store %arg9[%parallel_loop3A_604, %parallel_loop3A_605, %parallel_loop3A_606], %parallel_loop3A_609 {strides = array<i32>} : memref<2x128x32xf32, #tpu.memory_space<vmem>>, vector<1x1x16xf32>,
        %parallel_loop3A_610 = arith.constant 8 : i32
        %parallel_loop3A_611 = arith.addi %parallel_loop3A_263, %parallel_loop3A_610 : i32
        %parallel_loop3A_612 = vector.extract_strided_slice %parallel_loop3A_273 {offsets = [8], sizes = [1], strides = [1]} : vector<16xi32> to vector<1xi32>
        %parallel_loop3A_613 = vector.extract %parallel_loop3A_612[0] : i32 from vector<1xi32>
        %parallel_loop3A_614 = arith.constant 0 : i32
        %parallel_loop3A_615 = arith.addi %parallel_loop3A_613, %parallel_loop3A_614 : i32
        %parallel_loop3A_616 = arith.constant 1 : i32
        %parallel_loop3A_617 = arith.index_cast %parallel_loop3A_616 : i32 to index
        %parallel_loop3A_618 = arith.index_cast %parallel_loop3A_611 : i32 to index
        %parallel_loop3A_619 = arith.index_cast %parallel_loop3A_615 : i32 to index
        %parallel_loop3A_620 = tpu.vector_load %arg8[%parallel_loop3A_617, %parallel_loop3A_618, %parallel_loop3A_619] {strides = array<i32>} : memref<2x128x128xf32, #tpu.memory_space<vmem>>, vector<1x1x16xf32>,
        %parallel_loop3A_621 = vector.shape_cast %parallel_loop3A_620 : vector<1x1x16xf32> to vector<16xf32>
        %parallel_loop3A_622 = arith.constant 5.65685415 : f32
        %parallel_loop3A_623 = vector.broadcast %parallel_loop3A_622 : f32 to vector<16xf32>
        %parallel_loop3A_624 = arith.mulf %parallel_loop3A_621, %parallel_loop3A_623 : vector<16xf32>
        %parallel_loop3A_625 = arith.addf %parallel_loop3A_624, %get3A_238 : vector<16xf32>
        %parallel_loop3A_626 = arith.constant 1 : i32
        %parallel_loop3A_627 = arith.index_cast %parallel_loop3A_626 : i32 to index
        %parallel_loop3A_628 = arith.index_cast %parallel_loop3A_611 : i32 to index
        %parallel_loop3A_629 = arith.constant 0 : index
        %parallel_loop3A_630 = tpu.vector_load %arg9[%parallel_loop3A_627, %parallel_loop3A_628, %parallel_loop3A_629] {strides = array<i32>} : memref<2x128x32xf32, #tpu.memory_space<vmem>>, vector<1x1x16xf32>,
        %parallel_loop3A_631 = vector.shape_cast %parallel_loop3A_630 : vector<1x1x16xf32> to vector<16xf32>
        %parallel_loop3A_632 = vector.shape_cast %parallel_loop3A_625 : vector<16xf32> to vector<1x1x16xf32>
        tpu.vector_store %arg9[%parallel_loop3A_627, %parallel_loop3A_628, %parallel_loop3A_629], %parallel_loop3A_632 {strides = array<i32>} : memref<2x128x32xf32, #tpu.memory_space<vmem>>, vector<1x1x16xf32>,
        %parallel_loop3A_633 = arith.constant 16 : i32
        %parallel_loop3A_634 = arith.addi %parallel_loop3A_613, %parallel_loop3A_633 : i32
        %parallel_loop3A_635 = arith.constant 1 : i32
        %parallel_loop3A_636 = arith.index_cast %parallel_loop3A_635 : i32 to index
        %parallel_loop3A_637 = arith.index_cast %parallel_loop3A_611 : i32 to index
        %parallel_loop3A_638 = arith.index_cast %parallel_loop3A_634 : i32 to index
        %parallel_loop3A_639 = tpu.vector_load %arg8[%parallel_loop3A_636, %parallel_loop3A_637, %parallel_loop3A_638] {strides = array<i32>} : memref<2x128x128xf32, #tpu.memory_space<vmem>>, vector<1x1x16xf32>,
        %parallel_loop3A_640 = vector.shape_cast %parallel_loop3A_639 : vector<1x1x16xf32> to vector<16xf32>
        %parallel_loop3A_641 = arith.constant 5.65685415 : f32
        %parallel_loop3A_642 = vector.broadcast %parallel_loop3A_641 : f32 to vector<16xf32>
        %parallel_loop3A_643 = arith.mulf %parallel_loop3A_640, %parallel_loop3A_642 : vector<16xf32>
        %parallel_loop3A_644 = arith.addf %parallel_loop3A_643, %get3A_242 : vector<16xf32>
        %parallel_loop3A_645 = arith.constant 1 : i32
        %parallel_loop3A_646 = arith.index_cast %parallel_loop3A_645 : i32 to index
        %parallel_loop3A_647 = arith.index_cast %parallel_loop3A_611 : i32 to index
        %parallel_loop3A_648 = arith.constant 16 : index
        %parallel_loop3A_649 = tpu.vector_load %arg9[%parallel_loop3A_646, %parallel_loop3A_647, %parallel_loop3A_648] {strides = array<i32>} : memref<2x128x32xf32, #tpu.memory_space<vmem>>, vector<1x1x16xf32>,
        %parallel_loop3A_650 = vector.shape_cast %parallel_loop3A_649 : vector<1x1x16xf32> to vector<16xf32>
        %parallel_loop3A_651 = vector.shape_cast %parallel_loop3A_644 : vector<16xf32> to vector<1x1x16xf32>
        tpu.vector_store %arg9[%parallel_loop3A_646, %parallel_loop3A_647, %parallel_loop3A_648], %parallel_loop3A_651 {strides = array<i32>} : memref<2x128x32xf32, #tpu.memory_space<vmem>>, vector<1x1x16xf32>,
        %parallel_loop3A_652 = arith.constant 9 : i32
        %parallel_loop3A_653 = arith.addi %parallel_loop3A_263, %parallel_loop3A_652 : i32
        %parallel_loop3A_654 = vector.extract_strided_slice %parallel_loop3A_273 {offsets = [9], sizes = [1], strides = [1]} : vector<16xi32> to vector<1xi32>
        %parallel_loop3A_655 = vector.extract %parallel_loop3A_654[0] : i32 from vector<1xi32>
        %parallel_loop3A_656 = arith.constant 0 : i32
        %parallel_loop3A_657 = arith.addi %parallel_loop3A_655, %parallel_loop3A_656 : i32
        %parallel_loop3A_658 = arith.constant 1 : i32
        %parallel_loop3A_659 = arith.index_cast %parallel_loop3A_658 : i32 to index
        %parallel_loop3A_660 = arith.index_cast %parallel_loop3A_653 : i32 to index
        %parallel_loop3A_661 = arith.index_cast %parallel_loop3A_657 : i32 to index
        %parallel_loop3A_662 = tpu.vector_load %arg8[%parallel_loop3A_659, %parallel_loop3A_660, %parallel_loop3A_661] {strides = array<i32>} : memref<2x128x128xf32, #tpu.memory_space<vmem>>, vector<1x1x16xf32>,
        %parallel_loop3A_663 = vector.shape_cast %parallel_loop3A_662 : vector<1x1x16xf32> to vector<16xf32>
        %parallel_loop3A_664 = arith.constant 5.65685415 : f32
        %parallel_loop3A_665 = vector.broadcast %parallel_loop3A_664 : f32 to vector<16xf32>
        %parallel_loop3A_666 = arith.mulf %parallel_loop3A_663, %parallel_loop3A_665 : vector<16xf32>
        %parallel_loop3A_667 = arith.addf %parallel_loop3A_666, %get3A_238 : vector<16xf32>
        %parallel_loop3A_668 = arith.constant 1 : i32
        %parallel_loop3A_669 = arith.index_cast %parallel_loop3A_668 : i32 to index
        %parallel_loop3A_670 = arith.index_cast %parallel_loop3A_653 : i32 to index
        %parallel_loop3A_671 = arith.constant 0 : index
        %parallel_loop3A_672 = tpu.vector_load %arg9[%parallel_loop3A_669, %parallel_loop3A_670, %parallel_loop3A_671] {strides = array<i32>} : memref<2x128x32xf32, #tpu.memory_space<vmem>>, vector<1x1x16xf32>,
        %parallel_loop3A_673 = vector.shape_cast %parallel_loop3A_672 : vector<1x1x16xf32> to vector<16xf32>
        %parallel_loop3A_674 = vector.shape_cast %parallel_loop3A_667 : vector<16xf32> to vector<1x1x16xf32>
        tpu.vector_store %arg9[%parallel_loop3A_669, %parallel_loop3A_670, %parallel_loop3A_671], %parallel_loop3A_674 {strides = array<i32>} : memref<2x128x32xf32, #tpu.memory_space<vmem>>, vector<1x1x16xf32>,
        %parallel_loop3A_675 = arith.constant 16 : i32
        %parallel_loop3A_676 = arith.addi %parallel_loop3A_655, %parallel_loop3A_675 : i32
        %parallel_loop3A_677 = arith.constant 1 : i32
        %parallel_loop3A_678 = arith.index_cast %parallel_loop3A_677 : i32 to index
        %parallel_loop3A_679 = arith.index_cast %parallel_loop3A_653 : i32 to index
        %parallel_loop3A_680 = arith.index_cast %parallel_loop3A_676 : i32 to index
        %parallel_loop3A_681 = tpu.vector_load %arg8[%parallel_loop3A_678, %parallel_loop3A_679, %parallel_loop3A_680] {strides = array<i32>} : memref<2x128x128xf32, #tpu.memory_space<vmem>>, vector<1x1x16xf32>,
        %parallel_loop3A_682 = vector.shape_cast %parallel_loop3A_681 : vector<1x1x16xf32> to vector<16xf32>
        %parallel_loop3A_683 = arith.constant 5.65685415 : f32
        %parallel_loop3A_684 = vector.broadcast %parallel_loop3A_683 : f32 to vector<16xf32>
        %parallel_loop3A_685 = arith.mulf %parallel_loop3A_682, %parallel_loop3A_684 : vector<16xf32>
        %parallel_loop3A_686 = arith.addf %parallel_loop3A_685, %get3A_242 : vector<16xf32>
        %parallel_loop3A_687 = arith.constant 1 : i32
        %parallel_loop3A_688 = arith.index_cast %parallel_loop3A_687 : i32 to index
        %parallel_loop3A_689 = arith.index_cast %parallel_loop3A_653 : i32 to index
        %parallel_loop3A_690 = arith.constant 16 : index
        %parallel_loop3A_691 = tpu.vector_load %arg9[%parallel_loop3A_688, %parallel_loop3A_689, %parallel_loop3A_690] {strides = array<i32>} : memref<2x128x32xf32, #tpu.memory_space<vmem>>, vector<1x1x16xf32>,
        %parallel_loop3A_692 = vector.shape_cast %parallel_loop3A_691 : vector<1x1x16xf32> to vector<16xf32>
        %parallel_loop3A_693 = vector.shape_cast %parallel_loop3A_686 : vector<16xf32> to vector<1x1x16xf32>
        tpu.vector_store %arg9[%parallel_loop3A_688, %parallel_loop3A_689, %parallel_loop3A_690], %parallel_loop3A_693 {strides = array<i32>} : memref<2x128x32xf32, #tpu.memory_space<vmem>>, vector<1x1x16xf32>,
        %parallel_loop3A_694 = arith.constant 10 : i32
        %parallel_loop3A_695 = arith.addi %parallel_loop3A_263, %parallel_loop3A_694 : i32
        %parallel_loop3A_696 = vector.extract_strided_slice %parallel_loop3A_273 {offsets = [10], sizes = [1], strides = [1]} : vector<16xi32> to vector<1xi32>
        %parallel_loop3A_697 = vector.extract %parallel_loop3A_696[0] : i32 from vector<1xi32>
        %parallel_loop3A_698 = arith.constant 0 : i32
        %parallel_loop3A_699 = arith.addi %parallel_loop3A_697, %parallel_loop3A_698 : i32
        %parallel_loop3A_700 = arith.constant 1 : i32
        %parallel_loop3A_701 = arith.index_cast %parallel_loop3A_700 : i32 to index
        %parallel_loop3A_702 = arith.index_cast %parallel_loop3A_695 : i32 to index
        %parallel_loop3A_703 = arith.index_cast %parallel_loop3A_699 : i32 to index
        %parallel_loop3A_704 = tpu.vector_load %arg8[%parallel_loop3A_701, %parallel_loop3A_702, %parallel_loop3A_703] {strides = array<i32>} : memref<2x128x128xf32, #tpu.memory_space<vmem>>, vector<1x1x16xf32>,
        %parallel_loop3A_705 = vector.shape_cast %parallel_loop3A_704 : vector<1x1x16xf32> to vector<16xf32>
        %parallel_loop3A_706 = arith.constant 5.65685415 : f32
        %parallel_loop3A_707 = vector.broadcast %parallel_loop3A_706 : f32 to vector<16xf32>
        %parallel_loop3A_708 = arith.mulf %parallel_loop3A_705, %parallel_loop3A_707 : vector<16xf32>
        %parallel_loop3A_709 = arith.addf %parallel_loop3A_708, %get3A_238 : vector<16xf32>
        %parallel_loop3A_710 = arith.constant 1 : i32
        %parallel_loop3A_711 = arith.index_cast %parallel_loop3A_710 : i32 to index
        %parallel_loop3A_712 = arith.index_cast %parallel_loop3A_695 : i32 to index
        %parallel_loop3A_713 = arith.constant 0 : index
        %parallel_loop3A_714 = tpu.vector_load %arg9[%parallel_loop3A_711, %parallel_loop3A_712, %parallel_loop3A_713] {strides = array<i32>} : memref<2x128x32xf32, #tpu.memory_space<vmem>>, vector<1x1x16xf32>,
        %parallel_loop3A_715 = vector.shape_cast %parallel_loop3A_714 : vector<1x1x16xf32> to vector<16xf32>
        %parallel_loop3A_716 = vector.shape_cast %parallel_loop3A_709 : vector<16xf32> to vector<1x1x16xf32>
        tpu.vector_store %arg9[%parallel_loop3A_711, %parallel_loop3A_712, %parallel_loop3A_713], %parallel_loop3A_716 {strides = array<i32>} : memref<2x128x32xf32, #tpu.memory_space<vmem>>, vector<1x1x16xf32>,
        %parallel_loop3A_717 = arith.constant 16 : i32
        %parallel_loop3A_718 = arith.addi %parallel_loop3A_697, %parallel_loop3A_717 : i32
        %parallel_loop3A_719 = arith.constant 1 : i32
        %parallel_loop3A_720 = arith.index_cast %parallel_loop3A_719 : i32 to index
        %parallel_loop3A_721 = arith.index_cast %parallel_loop3A_695 : i32 to index
        %parallel_loop3A_722 = arith.index_cast %parallel_loop3A_718 : i32 to index
        %parallel_loop3A_723 = tpu.vector_load %arg8[%parallel_loop3A_720, %parallel_loop3A_721, %parallel_loop3A_722] {strides = array<i32>} : memref<2x128x128xf32, #tpu.memory_space<vmem>>, vector<1x1x16xf32>,
        %parallel_loop3A_724 = vector.shape_cast %parallel_loop3A_723 : vector<1x1x16xf32> to vector<16xf32>
        %parallel_loop3A_725 = arith.constant 5.65685415 : f32
        %parallel_loop3A_726 = vector.broadcast %parallel_loop3A_725 : f32 to vector<16xf32>
        %parallel_loop3A_727 = arith.mulf %parallel_loop3A_724, %parallel_loop3A_726 : vector<16xf32>
        %parallel_loop3A_728 = arith.addf %parallel_loop3A_727, %get3A_242 : vector<16xf32>
        %parallel_loop3A_729 = arith.constant 1 : i32
        %parallel_loop3A_730 = arith.index_cast %parallel_loop3A_729 : i32 to index
        %parallel_loop3A_731 = arith.index_cast %parallel_loop3A_695 : i32 to index
        %parallel_loop3A_732 = arith.constant 16 : index
        %parallel_loop3A_733 = tpu.vector_load %arg9[%parallel_loop3A_730, %parallel_loop3A_731, %parallel_loop3A_732] {strides = array<i32>} : memref<2x128x32xf32, #tpu.memory_space<vmem>>, vector<1x1x16xf32>,
        %parallel_loop3A_734 = vector.shape_cast %parallel_loop3A_733 : vector<1x1x16xf32> to vector<16xf32>
        %parallel_loop3A_735 = vector.shape_cast %parallel_loop3A_728 : vector<16xf32> to vector<1x1x16xf32>
        tpu.vector_store %arg9[%parallel_loop3A_730, %parallel_loop3A_731, %parallel_loop3A_732], %parallel_loop3A_735 {strides = array<i32>} : memref<2x128x32xf32, #tpu.memory_space<vmem>>, vector<1x1x16xf32>,
        %parallel_loop3A_736 = arith.constant 11 : i32
        %parallel_loop3A_737 = arith.addi %parallel_loop3A_263, %parallel_loop3A_736 : i32
        %parallel_loop3A_738 = vector.extract_strided_slice %parallel_loop3A_273 {offsets = [11], sizes = [1], strides = [1]} : vector<16xi32> to vector<1xi32>
        %parallel_loop3A_739 = vector.extract %parallel_loop3A_738[0] : i32 from vector<1xi32>
        %parallel_loop3A_740 = arith.constant 0 : i32
        %parallel_loop3A_741 = arith.addi %parallel_loop3A_739, %parallel_loop3A_740 : i32
        %parallel_loop3A_742 = arith.constant 1 : i32
        %parallel_loop3A_743 = arith.index_cast %parallel_loop3A_742 : i32 to index
        %parallel_loop3A_744 = arith.index_cast %parallel_loop3A_737 : i32 to index
        %parallel_loop3A_745 = arith.index_cast %parallel_loop3A_741 : i32 to index
        %parallel_loop3A_746 = tpu.vector_load %arg8[%parallel_loop3A_743, %parallel_loop3A_744, %parallel_loop3A_745] {strides = array<i32>} : memref<2x128x128xf32, #tpu.memory_space<vmem>>, vector<1x1x16xf32>,
        %parallel_loop3A_747 = vector.shape_cast %parallel_loop3A_746 : vector<1x1x16xf32> to vector<16xf32>
        %parallel_loop3A_748 = arith.constant 5.65685415 : f32
        %parallel_loop3A_749 = vector.broadcast %parallel_loop3A_748 : f32 to vector<16xf32>
        %parallel_loop3A_750 = arith.mulf %parallel_loop3A_747, %parallel_loop3A_749 : vector<16xf32>
        %parallel_loop3A_751 = arith.addf %parallel_loop3A_750, %get3A_238 : vector<16xf32>
        %parallel_loop3A_752 = arith.constant 1 : i32
        %parallel_loop3A_753 = arith.index_cast %parallel_loop3A_752 : i32 to index
        %parallel_loop3A_754 = arith.index_cast %parallel_loop3A_737 : i32 to index
        %parallel_loop3A_755 = arith.constant 0 : index
        %parallel_loop3A_756 = tpu.vector_load %arg9[%parallel_loop3A_753, %parallel_loop3A_754, %parallel_loop3A_755] {strides = array<i32>} : memref<2x128x32xf32, #tpu.memory_space<vmem>>, vector<1x1x16xf32>,
        %parallel_loop3A_757 = vector.shape_cast %parallel_loop3A_756 : vector<1x1x16xf32> to vector<16xf32>
        %parallel_loop3A_758 = vector.shape_cast %parallel_loop3A_751 : vector<16xf32> to vector<1x1x16xf32>
        tpu.vector_store %arg9[%parallel_loop3A_753, %parallel_loop3A_754, %parallel_loop3A_755], %parallel_loop3A_758 {strides = array<i32>} : memref<2x128x32xf32, #tpu.memory_space<vmem>>, vector<1x1x16xf32>,
        %parallel_loop3A_759 = arith.constant 16 : i32
        %parallel_loop3A_760 = arith.addi %parallel_loop3A_739, %parallel_loop3A_759 : i32
        %parallel_loop3A_761 = arith.constant 1 : i32
        %parallel_loop3A_762 = arith.index_cast %parallel_loop3A_761 : i32 to index
        %parallel_loop3A_763 = arith.index_cast %parallel_loop3A_737 : i32 to index
        %parallel_loop3A_764 = arith.index_cast %parallel_loop3A_760 : i32 to index
        %parallel_loop3A_765 = tpu.vector_load %arg8[%parallel_loop3A_762, %parallel_loop3A_763, %parallel_loop3A_764] {strides = array<i32>} : memref<2x128x128xf32, #tpu.memory_space<vmem>>, vector<1x1x16xf32>,
        %parallel_loop3A_766 = vector.shape_cast %parallel_loop3A_765 : vector<1x1x16xf32> to vector<16xf32>
        %parallel_loop3A_767 = arith.constant 5.65685415 : f32
        %parallel_loop3A_768 = vector.broadcast %parallel_loop3A_767 : f32 to vector<16xf32>
        %parallel_loop3A_769 = arith.mulf %parallel_loop3A_766, %parallel_loop3A_768 : vector<16xf32>
        %parallel_loop3A_770 = arith.addf %parallel_loop3A_769, %get3A_242 : vector<16xf32>
        %parallel_loop3A_771 = arith.constant 1 : i32
        %parallel_loop3A_772 = arith.index_cast %parallel_loop3A_771 : i32 to index
        %parallel_loop3A_773 = arith.index_cast %parallel_loop3A_737 : i32 to index
        %parallel_loop3A_774 = arith.constant 16 : index
        %parallel_loop3A_775 = tpu.vector_load %arg9[%parallel_loop3A_772, %parallel_loop3A_773, %parallel_loop3A_774] {strides = array<i32>} : memref<2x128x32xf32, #tpu.memory_space<vmem>>, vector<1x1x16xf32>,
        %parallel_loop3A_776 = vector.shape_cast %parallel_loop3A_775 : vector<1x1x16xf32> to vector<16xf32>
        %parallel_loop3A_777 = vector.shape_cast %parallel_loop3A_770 : vector<16xf32> to vector<1x1x16xf32>
        tpu.vector_store %arg9[%parallel_loop3A_772, %parallel_loop3A_773, %parallel_loop3A_774], %parallel_loop3A_777 {strides = array<i32>} : memref<2x128x32xf32, #tpu.memory_space<vmem>>, vector<1x1x16xf32>,
        %parallel_loop3A_778 = arith.constant 12 : i32
        %parallel_loop3A_779 = arith.addi %parallel_loop3A_263, %parallel_loop3A_778 : i32
        %parallel_loop3A_780 = vector.extract_strided_slice %parallel_loop3A_273 {offsets = [12], sizes = [1], strides = [1]} : vector<16xi32> to vector<1xi32>
        %parallel_loop3A_781 = vector.extract %parallel_loop3A_780[0] : i32 from vector<1xi32>
        %parallel_loop3A_782 = arith.constant 0 : i32
        %parallel_loop3A_783 = arith.addi %parallel_loop3A_781, %parallel_loop3A_782 : i32
        %parallel_loop3A_784 = arith.constant 1 : i32
        %parallel_loop3A_785 = arith.index_cast %parallel_loop3A_784 : i32 to index
        %parallel_loop3A_786 = arith.index_cast %parallel_loop3A_779 : i32 to index
        %parallel_loop3A_787 = arith.index_cast %parallel_loop3A_783 : i32 to index
        %parallel_loop3A_788 = tpu.vector_load %arg8[%parallel_loop3A_785, %parallel_loop3A_786, %parallel_loop3A_787] {strides = array<i32>} : memref<2x128x128xf32, #tpu.memory_space<vmem>>, vector<1x1x16xf32>,
        %parallel_loop3A_789 = vector.shape_cast %parallel_loop3A_788 : vector<1x1x16xf32> to vector<16xf32>
        %parallel_loop3A_790 = arith.constant 5.65685415 : f32
        %parallel_loop3A_791 = vector.broadcast %parallel_loop3A_790 : f32 to vector<16xf32>
        %parallel_loop3A_792 = arith.mulf %parallel_loop3A_789, %parallel_loop3A_791 : vector<16xf32>
        %parallel_loop3A_793 = arith.addf %parallel_loop3A_792, %get3A_238 : vector<16xf32>
        %parallel_loop3A_794 = arith.constant 1 : i32
        %parallel_loop3A_795 = arith.index_cast %parallel_loop3A_794 : i32 to index
        %parallel_loop3A_796 = arith.index_cast %parallel_loop3A_779 : i32 to index
        %parallel_loop3A_797 = arith.constant 0 : index
        %parallel_loop3A_798 = tpu.vector_load %arg9[%parallel_loop3A_795, %parallel_loop3A_796, %parallel_loop3A_797] {strides = array<i32>} : memref<2x128x32xf32, #tpu.memory_space<vmem>>, vector<1x1x16xf32>,
        %parallel_loop3A_799 = vector.shape_cast %parallel_loop3A_798 : vector<1x1x16xf32> to vector<16xf32>
        %parallel_loop3A_800 = vector.shape_cast %parallel_loop3A_793 : vector<16xf32> to vector<1x1x16xf32>
        tpu.vector_store %arg9[%parallel_loop3A_795, %parallel_loop3A_796, %parallel_loop3A_797], %parallel_loop3A_800 {strides = array<i32>} : memref<2x128x32xf32, #tpu.memory_space<vmem>>, vector<1x1x16xf32>,
        %parallel_loop3A_801 = arith.constant 16 : i32
        %parallel_loop3A_802 = arith.addi %parallel_loop3A_781, %parallel_loop3A_801 : i32
        %parallel_loop3A_803 = arith.constant 1 : i32
        %parallel_loop3A_804 = arith.index_cast %parallel_loop3A_803 : i32 to index
        %parallel_loop3A_805 = arith.index_cast %parallel_loop3A_779 : i32 to index
        %parallel_loop3A_806 = arith.index_cast %parallel_loop3A_802 : i32 to index
        %parallel_loop3A_807 = tpu.vector_load %arg8[%parallel_loop3A_804, %parallel_loop3A_805, %parallel_loop3A_806] {strides = array<i32>} : memref<2x128x128xf32, #tpu.memory_space<vmem>>, vector<1x1x16xf32>,
        %parallel_loop3A_808 = vector.shape_cast %parallel_loop3A_807 : vector<1x1x16xf32> to vector<16xf32>
        %parallel_loop3A_809 = arith.constant 5.65685415 : f32
        %parallel_loop3A_810 = vector.broadcast %parallel_loop3A_809 : f32 to vector<16xf32>
        %parallel_loop3A_811 = arith.mulf %parallel_loop3A_808, %parallel_loop3A_810 : vector<16xf32>
        %parallel_loop3A_812 = arith.addf %parallel_loop3A_811, %get3A_242 : vector<16xf32>
        %parallel_loop3A_813 = arith.constant 1 : i32
        %parallel_loop3A_814 = arith.index_cast %parallel_loop3A_813 : i32 to index
        %parallel_loop3A_815 = arith.index_cast %parallel_loop3A_779 : i32 to index
        %parallel_loop3A_816 = arith.constant 16 : index
        %parallel_loop3A_817 = tpu.vector_load %arg9[%parallel_loop3A_814, %parallel_loop3A_815, %parallel_loop3A_816] {strides = array<i32>} : memref<2x128x32xf32, #tpu.memory_space<vmem>>, vector<1x1x16xf32>,
        %parallel_loop3A_818 = vector.shape_cast %parallel_loop3A_817 : vector<1x1x16xf32> to vector<16xf32>
        %parallel_loop3A_819 = vector.shape_cast %parallel_loop3A_812 : vector<16xf32> to vector<1x1x16xf32>
        tpu.vector_store %arg9[%parallel_loop3A_814, %parallel_loop3A_815, %parallel_loop3A_816], %parallel_loop3A_819 {strides = array<i32>} : memref<2x128x32xf32, #tpu.memory_space<vmem>>, vector<1x1x16xf32>,
        %parallel_loop3A_820 = arith.constant 13 : i32
        %parallel_loop3A_821 = arith.addi %parallel_loop3A_263, %parallel_loop3A_820 : i32
        %parallel_loop3A_822 = vector.extract_strided_slice %parallel_loop3A_273 {offsets = [13], sizes = [1], strides = [1]} : vector<16xi32> to vector<1xi32>
        %parallel_loop3A_823 = vector.extract %parallel_loop3A_822[0] : i32 from vector<1xi32>
        %parallel_loop3A_824 = arith.constant 0 : i32
        %parallel_loop3A_825 = arith.addi %parallel_loop3A_823, %parallel_loop3A_824 : i32
        %parallel_loop3A_826 = arith.constant 1 : i32
        %parallel_loop3A_827 = arith.index_cast %parallel_loop3A_826 : i32 to index
        %parallel_loop3A_828 = arith.index_cast %parallel_loop3A_821 : i32 to index
        %parallel_loop3A_829 = arith.index_cast %parallel_loop3A_825 : i32 to index
        %parallel_loop3A_830 = tpu.vector_load %arg8[%parallel_loop3A_827, %parallel_loop3A_828, %parallel_loop3A_829] {strides = array<i32>} : memref<2x128x128xf32, #tpu.memory_space<vmem>>, vector<1x1x16xf32>,
        %parallel_loop3A_831 = vector.shape_cast %parallel_loop3A_830 : vector<1x1x16xf32> to vector<16xf32>
        %parallel_loop3A_832 = arith.constant 5.65685415 : f32
        %parallel_loop3A_833 = vector.broadcast %parallel_loop3A_832 : f32 to vector<16xf32>
        %parallel_loop3A_834 = arith.mulf %parallel_loop3A_831, %parallel_loop3A_833 : vector<16xf32>
        %parallel_loop3A_835 = arith.addf %parallel_loop3A_834, %get3A_238 : vector<16xf32>
        %parallel_loop3A_836 = arith.constant 1 : i32
        %parallel_loop3A_837 = arith.index_cast %parallel_loop3A_836 : i32 to index
        %parallel_loop3A_838 = arith.index_cast %parallel_loop3A_821 : i32 to index
        %parallel_loop3A_839 = arith.constant 0 : index
        %parallel_loop3A_840 = tpu.vector_load %arg9[%parallel_loop3A_837, %parallel_loop3A_838, %parallel_loop3A_839] {strides = array<i32>} : memref<2x128x32xf32, #tpu.memory_space<vmem>>, vector<1x1x16xf32>,
        %parallel_loop3A_841 = vector.shape_cast %parallel_loop3A_840 : vector<1x1x16xf32> to vector<16xf32>
        %parallel_loop3A_842 = vector.shape_cast %parallel_loop3A_835 : vector<16xf32> to vector<1x1x16xf32>
        tpu.vector_store %arg9[%parallel_loop3A_837, %parallel_loop3A_838, %parallel_loop3A_839], %parallel_loop3A_842 {strides = array<i32>} : memref<2x128x32xf32, #tpu.memory_space<vmem>>, vector<1x1x16xf32>,
        %parallel_loop3A_843 = arith.constant 16 : i32
        %parallel_loop3A_844 = arith.addi %parallel_loop3A_823, %parallel_loop3A_843 : i32
        %parallel_loop3A_845 = arith.constant 1 : i32
        %parallel_loop3A_846 = arith.index_cast %parallel_loop3A_845 : i32 to index
        %parallel_loop3A_847 = arith.index_cast %parallel_loop3A_821 : i32 to index
        %parallel_loop3A_848 = arith.index_cast %parallel_loop3A_844 : i32 to index
        %parallel_loop3A_849 = tpu.vector_load %arg8[%parallel_loop3A_846, %parallel_loop3A_847, %parallel_loop3A_848] {strides = array<i32>} : memref<2x128x128xf32, #tpu.memory_space<vmem>>, vector<1x1x16xf32>,
        %parallel_loop3A_850 = vector.shape_cast %parallel_loop3A_849 : vector<1x1x16xf32> to vector<16xf32>
        %parallel_loop3A_851 = arith.constant 5.65685415 : f32
        %parallel_loop3A_852 = vector.broadcast %parallel_loop3A_851 : f32 to vector<16xf32>
        %parallel_loop3A_853 = arith.mulf %parallel_loop3A_850, %parallel_loop3A_852 : vector<16xf32>
        %parallel_loop3A_854 = arith.addf %parallel_loop3A_853, %get3A_242 : vector<16xf32>
        %parallel_loop3A_855 = arith.constant 1 : i32
        %parallel_loop3A_856 = arith.index_cast %parallel_loop3A_855 : i32 to index
        %parallel_loop3A_857 = arith.index_cast %parallel_loop3A_821 : i32 to index
        %parallel_loop3A_858 = arith.constant 16 : index
        %parallel_loop3A_859 = tpu.vector_load %arg9[%parallel_loop3A_856, %parallel_loop3A_857, %parallel_loop3A_858] {strides = array<i32>} : memref<2x128x32xf32, #tpu.memory_space<vmem>>, vector<1x1x16xf32>,
        %parallel_loop3A_860 = vector.shape_cast %parallel_loop3A_859 : vector<1x1x16xf32> to vector<16xf32>
        %parallel_loop3A_861 = vector.shape_cast %parallel_loop3A_854 : vector<16xf32> to vector<1x1x16xf32>
        tpu.vector_store %arg9[%parallel_loop3A_856, %parallel_loop3A_857, %parallel_loop3A_858], %parallel_loop3A_861 {strides = array<i32>} : memref<2x128x32xf32, #tpu.memory_space<vmem>>, vector<1x1x16xf32>,
        %parallel_loop3A_862 = arith.constant 14 : i32
        %parallel_loop3A_863 = arith.addi %parallel_loop3A_263, %parallel_loop3A_862 : i32
        %parallel_loop3A_864 = vector.extract_strided_slice %parallel_loop3A_273 {offsets = [14], sizes = [1], strides = [1]} : vector<16xi32> to vector<1xi32>
        %parallel_loop3A_865 = vector.extract %parallel_loop3A_864[0] : i32 from vector<1xi32>
        %parallel_loop3A_866 = arith.constant 0 : i32
        %parallel_loop3A_867 = arith.addi %parallel_loop3A_865, %parallel_loop3A_866 : i32
        %parallel_loop3A_868 = arith.constant 1 : i32
        %parallel_loop3A_869 = arith.index_cast %parallel_loop3A_868 : i32 to index
        %parallel_loop3A_870 = arith.index_cast %parallel_loop3A_863 : i32 to index
        %parallel_loop3A_871 = arith.index_cast %parallel_loop3A_867 : i32 to index
        %parallel_loop3A_872 = tpu.vector_load %arg8[%parallel_loop3A_869, %parallel_loop3A_870, %parallel_loop3A_871] {strides = array<i32>} : memref<2x128x128xf32, #tpu.memory_space<vmem>>, vector<1x1x16xf32>,
        %parallel_loop3A_873 = vector.shape_cast %parallel_loop3A_872 : vector<1x1x16xf32> to vector<16xf32>
        %parallel_loop3A_874 = arith.constant 5.65685415 : f32
        %parallel_loop3A_875 = vector.broadcast %parallel_loop3A_874 : f32 to vector<16xf32>
        %parallel_loop3A_876 = arith.mulf %parallel_loop3A_873, %parallel_loop3A_875 : vector<16xf32>
        %parallel_loop3A_877 = arith.addf %parallel_loop3A_876, %get3A_238 : vector<16xf32>
        %parallel_loop3A_878 = arith.constant 1 : i32
        %parallel_loop3A_879 = arith.index_cast %parallel_loop3A_878 : i32 to index
        %parallel_loop3A_880 = arith.index_cast %parallel_loop3A_863 : i32 to index
        %parallel_loop3A_881 = arith.constant 0 : index
        %parallel_loop3A_882 = tpu.vector_load %arg9[%parallel_loop3A_879, %parallel_loop3A_880, %parallel_loop3A_881] {strides = array<i32>} : memref<2x128x32xf32, #tpu.memory_space<vmem>>, vector<1x1x16xf32>,
        %parallel_loop3A_883 = vector.shape_cast %parallel_loop3A_882 : vector<1x1x16xf32> to vector<16xf32>
        %parallel_loop3A_884 = vector.shape_cast %parallel_loop3A_877 : vector<16xf32> to vector<1x1x16xf32>
        tpu.vector_store %arg9[%parallel_loop3A_879, %parallel_loop3A_880, %parallel_loop3A_881], %parallel_loop3A_884 {strides = array<i32>} : memref<2x128x32xf32, #tpu.memory_space<vmem>>, vector<1x1x16xf32>,
        %parallel_loop3A_885 = arith.constant 16 : i32
        %parallel_loop3A_886 = arith.addi %parallel_loop3A_865, %parallel_loop3A_885 : i32
        %parallel_loop3A_887 = arith.constant 1 : i32
        %parallel_loop3A_888 = arith.index_cast %parallel_loop3A_887 : i32 to index
        %parallel_loop3A_889 = arith.index_cast %parallel_loop3A_863 : i32 to index
        %parallel_loop3A_890 = arith.index_cast %parallel_loop3A_886 : i32 to index
        %parallel_loop3A_891 = tpu.vector_load %arg8[%parallel_loop3A_888, %parallel_loop3A_889, %parallel_loop3A_890] {strides = array<i32>} : memref<2x128x128xf32, #tpu.memory_space<vmem>>, vector<1x1x16xf32>,
        %parallel_loop3A_892 = vector.shape_cast %parallel_loop3A_891 : vector<1x1x16xf32> to vector<16xf32>
        %parallel_loop3A_893 = arith.constant 5.65685415 : f32
        %parallel_loop3A_894 = vector.broadcast %parallel_loop3A_893 : f32 to vector<16xf32>
        %parallel_loop3A_895 = arith.mulf %parallel_loop3A_892, %parallel_loop3A_894 : vector<16xf32>
        %parallel_loop3A_896 = arith.addf %parallel_loop3A_895, %get3A_242 : vector<16xf32>
        %parallel_loop3A_897 = arith.constant 1 : i32
        %parallel_loop3A_898 = arith.index_cast %parallel_loop3A_897 : i32 to index
        %parallel_loop3A_899 = arith.index_cast %parallel_loop3A_863 : i32 to index
        %parallel_loop3A_900 = arith.constant 16 : index
        %parallel_loop3A_901 = tpu.vector_load %arg9[%parallel_loop3A_898, %parallel_loop3A_899, %parallel_loop3A_900] {strides = array<i32>} : memref<2x128x32xf32, #tpu.memory_space<vmem>>, vector<1x1x16xf32>,
        %parallel_loop3A_902 = vector.shape_cast %parallel_loop3A_901 : vector<1x1x16xf32> to vector<16xf32>
        %parallel_loop3A_903 = vector.shape_cast %parallel_loop3A_896 : vector<16xf32> to vector<1x1x16xf32>
        tpu.vector_store %arg9[%parallel_loop3A_898, %parallel_loop3A_899, %parallel_loop3A_900], %parallel_loop3A_903 {strides = array<i32>} : memref<2x128x32xf32, #tpu.memory_space<vmem>>, vector<1x1x16xf32>,
        %parallel_loop3A_904 = arith.constant 15 : i32
        %parallel_loop3A_905 = arith.addi %parallel_loop3A_263, %parallel_loop3A_904 : i32
        %parallel_loop3A_906 = vector.extract_strided_slice %parallel_loop3A_273 {offsets = [15], sizes = [1], strides = [1]} : vector<16xi32> to vector<1xi32>
        %parallel_loop3A_907 = vector.extract %parallel_loop3A_906[0] : i32 from vector<1xi32>
        %parallel_loop3A_908 = arith.constant 0 : i32
        %parallel_loop3A_909 = arith.addi %parallel_loop3A_907, %parallel_loop3A_908 : i32
        %parallel_loop3A_910 = arith.constant 1 : i32
        %parallel_loop3A_911 = arith.index_cast %parallel_loop3A_910 : i32 to index
        %parallel_loop3A_912 = arith.index_cast %parallel_loop3A_905 : i32 to index
        %parallel_loop3A_913 = arith.index_cast %parallel_loop3A_909 : i32 to index
        %parallel_loop3A_914 = tpu.vector_load %arg8[%parallel_loop3A_911, %parallel_loop3A_912, %parallel_loop3A_913] {strides = array<i32>} : memref<2x128x128xf32, #tpu.memory_space<vmem>>, vector<1x1x16xf32>,
        %parallel_loop3A_915 = vector.shape_cast %parallel_loop3A_914 : vector<1x1x16xf32> to vector<16xf32>
        %parallel_loop3A_916 = arith.constant 5.65685415 : f32
        %parallel_loop3A_917 = vector.broadcast %parallel_loop3A_916 : f32 to vector<16xf32>
        %parallel_loop3A_918 = arith.mulf %parallel_loop3A_915, %parallel_loop3A_917 : vector<16xf32>
        %parallel_loop3A_919 = arith.addf %parallel_loop3A_918, %get3A_238 : vector<16xf32>
        %parallel_loop3A_920 = arith.constant 1 : i32
        %parallel_loop3A_921 = arith.index_cast %parallel_loop3A_920 : i32 to index
        %parallel_loop3A_922 = arith.index_cast %parallel_loop3A_905 : i32 to index
        %parallel_loop3A_923 = arith.constant 0 : index
        %parallel_loop3A_924 = tpu.vector_load %arg9[%parallel_loop3A_921, %parallel_loop3A_922, %parallel_loop3A_923] {strides = array<i32>} : memref<2x128x32xf32, #tpu.memory_space<vmem>>, vector<1x1x16xf32>,
        %parallel_loop3A_925 = vector.shape_cast %parallel_loop3A_924 : vector<1x1x16xf32> to vector<16xf32>
        %parallel_loop3A_926 = vector.shape_cast %parallel_loop3A_919 : vector<16xf32> to vector<1x1x16xf32>
        tpu.vector_store %arg9[%parallel_loop3A_921, %parallel_loop3A_922, %parallel_loop3A_923], %parallel_loop3A_926 {strides = array<i32>} : memref<2x128x32xf32, #tpu.memory_space<vmem>>, vector<1x1x16xf32>,
        %parallel_loop3A_927 = arith.constant 16 : i32
        %parallel_loop3A_928 = arith.addi %parallel_loop3A_907, %parallel_loop3A_927 : i32
        %parallel_loop3A_929 = arith.constant 1 : i32
        %parallel_loop3A_930 = arith.index_cast %parallel_loop3A_929 : i32 to index
        %parallel_loop3A_931 = arith.index_cast %parallel_loop3A_905 : i32 to index
        %parallel_loop3A_932 = arith.index_cast %parallel_loop3A_928 : i32 to index
        %parallel_loop3A_933 = tpu.vector_load %arg8[%parallel_loop3A_930, %parallel_loop3A_931, %parallel_loop3A_932] {strides = array<i32>} : memref<2x128x128xf32, #tpu.memory_space<vmem>>, vector<1x1x16xf32>,
        %parallel_loop3A_934 = vector.shape_cast %parallel_loop3A_933 : vector<1x1x16xf32> to vector<16xf32>
        %parallel_loop3A_935 = arith.constant 5.65685415 : f32
        %parallel_loop3A_936 = vector.broadcast %parallel_loop3A_935 : f32 to vector<16xf32>
        %parallel_loop3A_937 = arith.mulf %parallel_loop3A_934, %parallel_loop3A_936 : vector<16xf32>
        %parallel_loop3A_938 = arith.addf %parallel_loop3A_937, %get3A_242 : vector<16xf32>
        %parallel_loop3A_939 = arith.constant 1 : i32
        %parallel_loop3A_940 = arith.index_cast %parallel_loop3A_939 : i32 to index
        %parallel_loop3A_941 = arith.index_cast %parallel_loop3A_905 : i32 to index
        %parallel_loop3A_942 = arith.constant 16 : index
        %parallel_loop3A_943 = tpu.vector_load %arg9[%parallel_loop3A_940, %parallel_loop3A_941, %parallel_loop3A_942] {strides = array<i32>} : memref<2x128x32xf32, #tpu.memory_space<vmem>>, vector<1x1x16xf32>,
        %parallel_loop3A_944 = vector.shape_cast %parallel_loop3A_943 : vector<1x1x16xf32> to vector<16xf32>
        %parallel_loop3A_945 = vector.shape_cast %parallel_loop3A_938 : vector<16xf32> to vector<1x1x16xf32>
        tpu.vector_store %arg9[%parallel_loop3A_940, %parallel_loop3A_941, %parallel_loop3A_942], %parallel_loop3A_945 {strides = array<i32>} : memref<2x128x32xf32, #tpu.memory_space<vmem>>, vector<1x1x16xf32>,
      } {sc.loop_unroll_factor = 4 : i64, sc.parallel_access}
      %dma_start3A_246 = arith.constant 1 : i32
      %dma_start3A_247 = arith.constant 0 : i32
      %dma_start3A_248 = arith.constant 0 : i32
      %dma_start3A_249 = tpu.memref_slice %arg9[%dma_start3A_246, %dma_start3A_247, %dma_start3A_248] : memref<2x128x32xf32, #tpu.memory_space<vmem>> -> memref<1x128x32xf32, #tpu.memory_space<vmem>>
      %dma_start3A_250 = tpu.memref_squeeze %dma_start3A_249 : memref<1x128x32xf32, #tpu.memory_space<vmem>> -> memref<128x32xf32, #tpu.memory_space<vmem>>
      %dma_start3A_251 = arith.constant 0 : i32
      %dma_start3A_252 = tpu.memref_slice %arg5[%add3A_210, %mul3A_2, %dma_start3A_251] : memref<200x4096x32xf32, #tpu.memory_space<hbm>> -> memref<1x128x32xf32, #tpu.memory_space<hbm>>
      %dma_start3A_253 = tpu.memref_squeeze %dma_start3A_252 : memref<1x128x32xf32, #tpu.memory_space<hbm>> -> memref<128x32xf32, #tpu.memory_space<hbm>>
      %dma_start3A_254 = arith.constant 0 : i32
      %dma_start3A_255 = tpu.memref_slice %arg5[%add3A_210, %mul3A_2, %dma_start3A_254] : memref<200x4096x32xf32, #tpu.memory_space<hbm>> -> memref<1x128x32xf32, #tpu.memory_space<hbm>>
      %dma_start3A_256 = tpu.memref_squeeze %dma_start3A_255 : memref<1x128x32xf32, #tpu.memory_space<hbm>> -> memref<128x32xf32, #tpu.memory_space<hbm>>
      %dma_start3A_257 = arith.constant 0 : i32
      %dma_start3A_258 = arith.constant 0 : i32
      %dma_start3A_259 = tpu.memref_slice %arg9[%dma_start3A_246, %dma_start3A_257, %dma_start3A_258] : memref<2x128x32xf32, #tpu.memory_space<vmem>> -> memref<1x128x32xf32, #tpu.memory_space<vmem>>
      %dma_start3A_260 = tpu.memref_squeeze %dma_start3A_259 : memref<1x128x32xf32, #tpu.memory_space<vmem>> -> memref<128x32xf32, #tpu.memory_space<vmem>>
      tpu.enqueue_dma source(%dma_start3A_260 : memref<128x32xf32, #tpu.memory_space<vmem>>) target(%dma_start3A_256 : memref<128x32xf32, #tpu.memory_space<hbm>>) target_semaphore(%arg14 : memref<!tpu.dma_semaphore, #tpu.memory_space<semaphore_mem>>)
    }
    %scan3A_127 = arith.constant 100 : i32
    %dma_wait3A = arith.constant 0 : i32
    %dma_wait3A_128 = arith.constant 198 : i32
    %dma_wait3A_129 = arith.constant 0 : i32
    %dma_wait3A_130 = arith.constant 0 : i32
    %dma_wait3A_131 = tpu.memref_slice %arg9[%dma_wait3A, %dma_wait3A_129, %dma_wait3A_130] : memref<2x128x32xf32, #tpu.memory_space<vmem>> -> memref<1x128x32xf32, #tpu.memory_space<vmem>>
    %dma_wait3A_132 = tpu.memref_squeeze %dma_wait3A_131 : memref<1x128x32xf32, #tpu.memory_space<vmem>> -> memref<128x32xf32, #tpu.memory_space<vmem>>
    %dma_wait3A_133 = arith.constant 0 : i32
    %dma_wait3A_134 = tpu.memref_slice %arg5[%dma_wait3A_128, %mul3A_2, %dma_wait3A_133] : memref<200x4096x32xf32, #tpu.memory_space<hbm>> -> memref<1x128x32xf32, #tpu.memory_space<hbm>>
    %dma_wait3A_135 = tpu.memref_squeeze %dma_wait3A_134 : memref<1x128x32xf32, #tpu.memory_space<hbm>> -> memref<128x32xf32, #tpu.memory_space<hbm>>
    %dma_wait3A_136 = arith.constant 0 : i32
    %dma_wait3A_137 = tpu.memref_slice %arg5[%dma_wait3A_128, %mul3A_2, %dma_wait3A_136] : memref<200x4096x32xf32, #tpu.memory_space<hbm>> -> memref<1x128x32xf32, #tpu.memory_space<hbm>>
    %dma_wait3A_138 = tpu.memref_squeeze %dma_wait3A_137 : memref<1x128x32xf32, #tpu.memory_space<hbm>> -> memref<128x32xf32, #tpu.memory_space<hbm>>
    %dma_wait3A_139 = arith.constant 0 : i32
    %dma_wait3A_140 = arith.constant 0 : i32
    %dma_wait3A_141 = tpu.memref_slice %arg9[%dma_wait3A, %dma_wait3A_139, %dma_wait3A_140] : memref<2x128x32xf32, #tpu.memory_space<vmem>> -> memref<1x128x32xf32, #tpu.memory_space<vmem>>
    %dma_wait3A_142 = tpu.memref_squeeze %dma_wait3A_141 : memref<1x128x32xf32, #tpu.memory_space<vmem>> -> memref<128x32xf32, #tpu.memory_space<vmem>>
    tpu.wait_dma2 semaphore(%arg13 : memref<!tpu.dma_semaphore, #tpu.memory_space<semaphore_mem>>) src(%dma_wait3A_142 : memref<128x32xf32, #tpu.memory_space<vmem>>) dst(%dma_wait3A_138 : memref<128x32xf32, #tpu.memory_space<hbm>>)
    %dma_wait3A_143 = arith.constant 1 : i32
    %dma_wait3A_144 = arith.constant 199 : i32
    %dma_wait3A_145 = arith.constant 0 : i32
    %dma_wait3A_146 = arith.constant 0 : i32
    %dma_wait3A_147 = tpu.memref_slice %arg9[%dma_wait3A_143, %dma_wait3A_145, %dma_wait3A_146] : memref<2x128x32xf32, #tpu.memory_space<vmem>> -> memref<1x128x32xf32, #tpu.memory_space<vmem>>
    %dma_wait3A_148 = tpu.memref_squeeze %dma_wait3A_147 : memref<1x128x32xf32, #tpu.memory_space<vmem>> -> memref<128x32xf32, #tpu.memory_space<vmem>>
    %dma_wait3A_149 = arith.constant 0 : i32
    %dma_wait3A_150 = tpu.memref_slice %arg5[%dma_wait3A_144, %mul3A_2, %dma_wait3A_149] : memref<200x4096x32xf32, #tpu.memory_space<hbm>> -> memref<1x128x32xf32, #tpu.memory_space<hbm>>
    %dma_wait3A_151 = tpu.memref_squeeze %dma_wait3A_150 : memref<1x128x32xf32, #tpu.memory_space<hbm>> -> memref<128x32xf32, #tpu.memory_space<hbm>>
    %dma_wait3A_152 = arith.constant 0 : i32
    %dma_wait3A_153 = tpu.memref_slice %arg5[%dma_wait3A_144, %mul3A_2, %dma_wait3A_152] : memref<200x4096x32xf32, #tpu.memory_space<hbm>> -> memref<1x128x32xf32, #tpu.memory_space<hbm>>
    %dma_wait3A_154 = tpu.memref_squeeze %dma_wait3A_153 : memref<1x128x32xf32, #tpu.memory_space<hbm>> -> memref<128x32xf32, #tpu.memory_space<hbm>>
    %dma_wait3A_155 = arith.constant 0 : i32
    %dma_wait3A_156 = arith.constant 0 : i32
    %dma_wait3A_157 = tpu.memref_slice %arg9[%dma_wait3A_143, %dma_wait3A_155, %dma_wait3A_156] : memref<2x128x32xf32, #tpu.memory_space<vmem>> -> memref<1x128x32xf32, #tpu.memory_space<vmem>>
    %dma_wait3A_158 = tpu.memref_squeeze %dma_wait3A_157 : memref<1x128x32xf32, #tpu.memory_space<vmem>> -> memref<128x32xf32, #tpu.memory_space<vmem>>
    tpu.wait_dma2 semaphore(%arg14 : memref<!tpu.dma_semaphore, #tpu.memory_space<semaphore_mem>>) src(%dma_wait3A_158 : memref<128x32xf32, #tpu.memory_space<vmem>>) dst(%dma_wait3A_154 : memref<128x32xf32, #tpu.memory_space<hbm>>)
    return
  }
}

</mosaic_0001>

<sc_bundles>
// kernel: kernel.3.cloned.1.call-start
scs
__scs_entry_jumppad:
0x0: {  	(pc) =	sbr.rel $0x88, $3  }
0x1: {  	(tag) =	ssettag $0x0;
	lr =	simm.s32 $0x1  }
0x2: {  	[smem:$0x3F9E] =	sst lr;
	_ =	strace $0xD0000000  }
0x3: {  	_ = 	snop  }
0x4: {  	_ = 	snop  }
0x5: {  	_ = 	snop  }
0x6: {  	_ = 	snop  }
0x7: {  	_ = 	snop  }
__scs_overlays_trampoline_lowered:
0x8: {  	[smem:$0x3FAD] =	sst s0  }
0x9: {  	[smem:$0x3FAE] =	sst s1  }
0xa: {  	[smem:$0x3FAF] =	sst s2  }
0xb: {  	[smem:$0x3FB0] =	sst s3  }
0xc: {  	[smem:$0x3FB1] =	sst s4  }
0xd: {  	[smem:$0x3FB2] =	sst s5  }
0xe: {  	[smem:$0x3FB3] =	sst s6  }
0xf: {  	[smem:$0x3FB4] =	sst s7  }
0x10: {  	[smem:$0x3FB5] =	sst s8  }
0x11: {  	[smem:$0x3FB6] =	sst s9;
	s0 =	simm.s32 @!p0 $0x0  }
0x12: {  	s1 =	sld [smem:$0x3F9C];
	s0 =	simm.s32 @p0 $0x1  }
0x13: {  	[smem:$0x3FB7] =	sst s0;
	s0 =	simm.s32 @!p1 $0x0  }
0x14: {  	s2 =	sld [smem:$0x3F9B];
	s0 =	simm.s32 @p1 $0x1  }
0x15: {  	[smem:$0x3FB8] =	sst s0;
	s0 =	simm.s32 @!p2 $0x0  }
0x16: {  	s3 =	sld [smem:$0x3FDB];
	s0 =	simm.s32 @p2 $0x1  }
0x17: {  	s4 =	simm.s32 $0x1BF5;
	[smem:$0x3FBA] =	sst s0  }
0x18: {  	s0 =	sld [smem:$0x3F9D];
	_ =	swait.ge [sflag:s4], $0x0  }
0x19: {  	s7 =	sld [smem:$0x3F9E]  }
0x1a: {  	s8 =	sadd.s32 $0xFFFFE003, lr  }
0x1b: {  	s9 =	sadd.s32 $0xFFFFFEF7, lr;
	s5 =	simm.s32 $0xFFFFFFFF;
	p2 =	slt.u32 s8, $0xFFFFF086  }
0x1c: {  	p1 =	slt.u32 s9, $0xF7A;
	s5 =	simm.s32 @!p2 $0x0  }
0x1d: {  	s5 =	simm.s32 @p1 $0x1;
	p0 =	seq.s32 s7, s2  }
0x1e: {  	s7 =	smul.u32 @!p0 $0xF7A, s2;
	p2 =	seq.s32 @!p0 s5, $0x0  }
0x1f: {  	s9 =	smul.u32 $0xF7A, s1;
	s8 =	simm.s32 @!p0 $0x1BF5;
	p2 =	por !p2, p0  }
0x20: {  	[sflag:s8] =	ssyncset.s32 @!p0 $0xFFFFF086;
	s6 =	sadd.s32 @!p0 s3, s7;
	s7 =	simm.s32 @!p0 $0x108  }
0x21: {  	s3 =	sadd.s32 s3, s9;
	s6 =	sadd.s32 @!p0 $0x88, s6;
	s7 =	simm.s32 @p2 $0x1082  }
0x22: {  	[simem:s7], [sflag:s8] =	dma.local @!p0 [hbm:s6], $0xF7A  }
0x23: {  	s9 =	sor.u32 $0xD0000000, s2;
	s6 =	simm.s32 $0x108;
	_ =	swait.ge @!p0 [sflag:s8], $0x0  }
0x24: {  	s3 =	sadd.s32 $0x88, s3;
	s6 =	simm.s32 @!p1 $0x1082;
	[sflag:s4] =	ssyncset.s32 $0xFFFFF086  }
0x25: {  	[simem:s6], [sflag:s4] =	dma.local [hbm:s3], $0xF7A  }
0x26: {  	[smem:$0x3F9E] =	sst s1;
	(tag) =	ssettag s2;
	_ =	strace s9  }
0x27: {  	s1 =	sld [smem:$0x3FAE]  }
0x28: {  	s2 =	sld [smem:$0x3FAF]  }
0x29: {  	s4 =	sld [smem:$0x3FB1]  }
0x2a: {  	p0 =	seq.s32 s5, $0x0;
	s5 =	sld [smem:$0x3FB2]  }
0x2b: {  	s6 =	sld [smem:$0x3FB3]  }
0x2c: {  	s7 =	sld [smem:$0x3FB4]  }
0x2d: {  	s3 =	simm.s32 $0x108;
	s8 =	sld [smem:$0x3FB5]  }
0x2e: {  	s3 =	simm.s32 @!p0 $0x1082;
	s9 =	sld [smem:$0x3FB6]  }
0x2f: {  	lr =	sadd.s32 s0, s3;
	s0 =	sld [smem:$0x3FAD]  }
0x30: {  	s3 =	sld [smem:$0x3FB0]  }
0x31: {  	[smem:$0x3FB9] =	sst s10  }
0x32: {  	s10 =	sld [smem:$0x3FB7];
	_ =	sdelay $0x3  }
0x33: {  	p0 =	seq.s32 s10, $0x1;
	s10 =	sld [smem:$0x3FB9];
	_ =	sdelay $0x3  }
0x34: {  	[smem:$0x3FB9] =	sst s10  }
0x35: {  	s10 =	sld [smem:$0x3FB8];
	_ =	sdelay $0x3  }
0x36: {  	p1 =	seq.s32 s10, $0x1;
	s10 =	sld [smem:$0x3FB9];
	_ =	sdelay $0x3  }
0x37: {  	[smem:$0x3FB9] =	sst s10  }
0x38: {  	s10 =	sld [smem:$0x3FBA]  }
0x39: {  	_ = 	snop;
	(pc) =	sbr.ind lr, $3  }
0x3a: {  	_ = 	snop  }
0x3b: {  	_ = 	snop  }
0x3c: {  	p2 =	seq.s32 s10, $0x1;
	s10 =	sld [smem:$0x3FB9]  }
0x3d: {  	_ =	shalt  }
0x3e: {  	_ =	shalt  }
0x3f: {  	_ =	shalt  }
0x40: {  	_ =	shalt  }
0x41: {  	_ =	shalt  }
0x42: {  	_ =	shalt  }
0x43: {  	_ =	shalt  }
0x44: {  	_ =	shalt  }
0x45: {  	_ =	shalt  }
0x46: {  	_ =	shalt  }
0x47: {  	_ =	shalt  }
0x48: {  	_ =	shalt  }
0x49: {  	_ =	shalt  }
0x4a: {  	_ =	shalt  }
0x4b: {  	_ =	shalt  }
0x4c: {  	_ =	shalt  }
0x4d: {  	_ =	shalt  }
0x4e: {  	_ =	shalt  }
0x4f: {  	_ =	shalt  }
0x50: {  	_ =	shalt  }
0x51: {  	_ =	shalt  }
0x52: {  	_ =	shalt  }
0x53: {  	_ =	shalt  }
0x54: {  	_ =	shalt  }
0x55: {  	_ =	shalt  }
0x56: {  	_ =	shalt  }
0x57: {  	_ =	shalt  }
0x58: {  	_ =	shalt  }
0x59: {  	_ =	shalt  }
0x5a: {  	_ =	shalt  }
0x5b: {  	_ =	shalt  }
0x5c: {  	_ =	shalt  }
0x5d: {  	_ =	shalt  }
0x5e: {  	_ =	shalt  }
0x5f: {  	_ =	shalt  }
0x60: {  	_ =	shalt  }
0x61: {  	_ =	shalt  }
0x62: {  	_ =	shalt  }
0x63: {  	_ =	shalt  }
0x64: {  	_ =	shalt  }
0x65: {  	_ =	shalt  }
0x66: {  	_ =	shalt  }
0x67: {  	_ =	shalt  }
0x68: {  	_ =	shalt  }
0x69: {  	_ =	shalt  }
0x6a: {  	_ =	shalt  }
0x6b: {  	_ =	shalt  }
0x6c: {  	_ =	shalt  }
0x6d: {  	_ =	shalt  }
0x6e: {  	_ =	shalt  }
0x6f: {  	_ =	shalt  }
0x70: {  	_ =	shalt  }
0x71: {  	_ =	shalt  }
0x72: {  	_ =	shalt  }
0x73: {  	_ =	shalt  }
0x74: {  	_ =	shalt  }
0x75: {  	_ =	shalt  }
0x76: {  	_ =	shalt  }
0x77: {  	_ =	shalt  }
0x78: {  	_ =	shalt  }
0x79: {  	_ =	shalt  }
0x7a: {  	_ =	shalt  }
0x7b: {  	_ =	shalt  }
0x7c: {  	_ =	shalt  }
0x7d: {  	_ =	shalt  }
0x7e: {  	_ =	shalt  }
0x7f: {  	_ =	shalt  }
0x80: {  	_ =	shalt  }
0x81: {  	_ =	shalt  }
0x82: {  	_ =	shalt  }
0x83: {  	_ =	shalt  }
0x84: {  	_ =	shalt  }
0x85: {  	_ =	shalt  }
0x86: {  	_ =	shalt  }
0x87: {  	_ =	shalt  }
.Lfunc_end0:
.L_simem_size_0:
called_computation.1_lowered:
.L_overlay_start_0:
0x88: {  	s2 =	sld [smem:$0x3FD9]  }
0x89: {  	s3 =	sld [smem:$0x3FFE];
	_ =	sdelay $0x1  }
0x8a: {  	s1 =	srdreg.scid  }
0x8b: {  	s0 =	sand.u32 $0x1, s1  }
0x8c: {  	s17 =	sshll.u32 s0, $0xA;
	s2 =	sadd.s32 s3, s2  }
0x8d: {  	s2 =	sadd.s32 s2, s17  }
0x8e: {  	[smem:$0x3FC5] =	sst s2  }
0x8f: {  	_ = 	snop  }
0x90: {  	s2 =	sld [smem:$0x3FC9]  }
0x91: {  	s18 =	sld [smem:$0x3FD0];
	(tm) =	ssettm $0x1  }
0x92: {  	s4 =	sld [smem:$0x3FFB];
	_ =	sdelay $0x3  }
0x93: {  	_ =	strace s4  }
0x94: {  	s4 =	sld [smem:$0x3FFC];
	_ =	sdelay $0x3  }
0x95: {  	_ =	strace s4  }
0x96: {  	s4 =	sld [smem:$0x3FFD];
	_ =	sdelay $0x3  }
0x97: {  	_ =	strace s4  }
0x98: {  	_ =	strace $0x8FFFFFFF  }
0x99: {  	s19 =	sld [smem:$0x3FDB];
	_ =	sdelay $0x1  }
0x9a: {  	s5 =	simm.s32 $_scs_section_size  }
0x9b: {  	s6 =	simm.s32 $_size__tile_overlayer_lowered;
	s7 =	simm.s32 $_tile_overlayer_lowered  }
0x9c: {  	s22 =	simm.s32 $0x1BFF;
	s21 =	sshll.u32 s7, $0x1;
	s4 =	sadd.s32 s5, s19  }
0x9d: {  	s8 =	simm.s32 $0x0;
	s20 =	sshll.u32 s6, $0x1;
	s6 =	sadd.s32 s21, s4  }
0x9e: {  	[timem:s8], [sflag:s22] =	dma.local [hbm:s6], s20  }
0x9f: {  	_ =	swait.ge [sflag:s22], s20  }
0xa0: {  	s5 =	ssub.s32 $0x0, s20;
	[sflag:s22] =	ssyncset.done $0x0  }
0xa1: {  	[sflag:s22] =	ssyncadd.s32 s5;
	_ =	sdelay $0x1  }
0xa2: {  	s23 =	simm.s32 $0x1B8B  }
0xa3: {  	_ =	swait.ge [sflag:s23], $0x1  }
0xa4: {  	[sflag:s23] =	ssyncset.done $0x0  }
0xa5: {  	s25 =	simm.s32 $0x1B8E;
	s24 =	sld [smem:$0x3FFE];
	[sflag:s23] =	ssyncadd.s32 $0xFFFFFFFF  }
0xa6: {  	s26 =	simm.s32 $execute0_lowered;
	[smem:$0x3FD2] =	sst s25  }
0xa7: {  	s6 =	sshll.u32 s26, $0x1;
	_ =	strace $0x80000046;
	[dreg:$0x1] =	wrdreg $0xFFFFFFFF  }
0xa8: {  	s28 =	simm.s32 $_size_execute0_lowered;
	s4 =	sadd.s32 s4, s6;
	[dreg:$0x0] =	wrdreg $0x0  }
0xa9: {  	s6 =	sshll.u32 s28, $0x1;
	[dreg:$0x2] =	wrdreg s4  }
0xaa: {  	[dreg:$0x3] =	wrdreg s6  }
0xab: {  	[dreg:$0x4] =	wrdreg $0xC0  }
0xac: {  	_ =	task [dreg:s8], $0x5FFFF  }
0xad: {  	[dreg:$0x1] =	wrdreg $0xFFFFFFFF  }
0xae: {  	[dreg:$0x0] =	wrdreg $0x60  }
0xaf: {  	[dreg:$0x2] =	wrdreg s2  }
0xb0: {  	[dreg:$0x3] =	wrdreg s24  }
0xb1: {  	[dreg:$0x4] =	wrdreg s18  }
0xb2: {  	[dreg:$0x5] =	wrdreg $0x9  }
0xb3: {  	_ =	task.clear_ibuf [dreg:s8], $0x6FFFF;
	_ =	strace $0x90000046  }
0xb4: {  	s29 =	simm.s32 $0x9;
	_ =	strace $0x80000048  }
0xb5: {  	_ =	swait.ge [sflag:s29], $0x1  }
0xb6: {  	[sflag:s29] =	ssyncadd.s32 $0xFFFFFFFF  }
0xb7: {  	_ =	strace $0x90000048  }
0xb8: {  	_ =	sfence  }
0xb9: {  	s30 =	sld [smem:$0x0];
	_ =	sdelay $0x2  }
0xba: {  	s31 =	sshll.u32 s1, $0xD;
	s1 =	sshrl.u32 s1, $0x2  }
0xbb: {  	s3 =	sand.u32 $0x4000, s31;
	s1 =	sadd.s32 s1, s30  }
0xbc: {  	s0 =	sor.u32 s3, s0;
	s1 =	sshll.u32 s1, $0x11  }
0xbd: {  	s0 =	sor.u32 s1, s0  }
0xbe: {  	s0 =	sadd.s32 $0x8F2B, s0  }
0xbf: {  	[sflag:s0] =	ssyncadd.remote.s32 $0x1  }
0xc0: {  	_ =	sfence.sel $0xFFFF  }
0xc1: {  	[dreg:$0x0] =	wrdreg $0xFFFFFFFF;
	(pc) =	sbr.abs _section_cstart, $3  }
0xc2: {  	[dreg:$0x1] =	wrdreg $0xFFFFFFFF  }
0xc3: {  	_ =	task.clear_ibuf [dreg:s8], $0x2FFFF;
	_ =	strace $0x9FFFFFFF  }
0xc4: {  	(tm) =	ssettm $0x7FFFFFFF  }
0xc5: {  	_ =	shalt  }
tec
execute0_lowered:
.L_overlay_start_1:
0x0: {  	(tag) =	ssettag $0x1  }
0x1: {  	s0 =	rddreg [dreg:$0x0]  }
0x2: {  	s1 =	rddreg [dreg:$0x1];
	s2 =	simm.s32 $0x0;
	s26 =	srdreg.scid  }
0x3: {  	s4 =	stileid.u32;
	[smem:$0x7FF] =	sst s2  }
0x4: {  	s2 =	sand.u32 $0x1, s26;
	s4 =	sshll.u32 s4, $0x8;
	s5 =	sadd.s32 $0xF42E00, s1  }
0x5: {  	s1 =	sadd.s32 $0xA00, s1;
	s3 =	ssub.s32 $0x2, s2;
	s2 =	sshll.u32 s2, $0x7  }
0x6: {  	_ =	strace $0x80000047;
	[dreg:$0x4] =	wrdreg s5;
	s2 =	sor.u32 s2, s4  }
0x7: {  	[dreg:$0x5] =	wrdreg s1;
	s28 =	sshrl.u32 s3, $0x1;
	s0 =	sadd.s32 s0, s2  }
0x8: {  	s29 =	ssub.s32 s3, s28;
	s30 =	sshll.u32 s2, $0x7;
	[dreg:$0x6] =	wrdreg s0  }
0x9: {  	[dreg:$0x7] =	wrdreg s30;
	s31 =	smax.u32 s29, $0x1  }
0xa: {  	s2 =	simm.s32 $0x0;
	[dreg:$0x8] =	wrdreg s31  }
.LBB2_1:
0xb: {  	[dreg:$0x9] =	wrdreg s2  }
0xc: {  	s1 =	simm.s32 $0x0;
	s0 =	rddreg [dreg:$0x6]  }
0xd: {  	s23 =	simm.s32 $0x400;
	s3 =	simm.s32 $0x8000;
	s24 =	simm.s32 $0x5  }
0xe: {  	[tilespmem:s1], [sflag:$0x5] =	stream.strided.gather [hbm4b:s0+s23], $0x6400, s3, s23, $0x38;
	[tilespmem:$0x1C900] =	vst v63  }
0xf: {  	_ =	swait.ge [sflag:s24], $0x6400  }
0x10: {  	[sflag:s24] =	ssyncset.done $0x0  }
0x11: {  	[sflag:s24] =	ssyncadd.s32 $0xFFFF9C00  }
0x12: {  	s26 =	simm.s32 $0x16500;
	s25 =	rddreg [dreg:$0x2]  }
0x13: {  	[tilespmem:s26], [sflag:$0x5] =	stream.linear.gather [hbm4b:s25+s1], $0x6400, $0x38;
	[tilespmem:$0x1C900] =	vst v63  }
0x14: {  	_ =	swait.ge [sflag:s24], $0x6400  }
0x15: {  	[sflag:s24] =	ssyncset.done $0x0  }
0x16: {  	[sflag:s24] =	ssyncadd.s32 $0xFFFF9C00  }
0x17: {  	v0 =	vld [tilespmem:$0x0]  }
0x18: {  	v1 =	vld [tilespmem:$0x10]  }
0x19: {  	v2 =	vld [tilespmem:$0x20]  }
0x1a: {  	v3 =	vld [tilespmem:$0x30]  }
0x1b: {  	v4 =	vld [tilespmem:$0x40]  }
0x1c: {  	v5 =	vld [tilespmem:$0x50];
	v0 =	vshrl.u32 v0, $0x2  }
0x1d: {  	v56 =	vld [tilespmem:$0x60];
	v55 =	vshrl.u32 v1, $0x2;
	[tilespmem:$0x6400] =	vst v0  }
0x1e: {  	v58 =	vld [tilespmem:$0x70];
	v57 =	vshrl.u32 v2, $0x2;
	[tilespmem:$0x6410] =	vst v55  }
0x1f: {  	v59 =	vshrl.u32 v3, $0x2;
	[tilespmem:$0x6420] =	vst v57  }
0x20: {  	v60 =	vshrl.u32 v4, $0x2;
	[tilespmem:$0x6430] =	vst v59  }
0x21: {  	v61 =	vshrl.u32 v5, $0x2;
	[tilespmem:$0x6440] =	vst v60  }
0x22: {  	v62 =	vshrl.u32 v56, $0x2;
	[tilespmem:$0x6450] =	vst v61  }
0x23: {  	s29 =	simm.s32 $0x80;
	s30 =	simm.s32 $0x6400;
	v63 =	vshrl.u32 v58, $0x2;
	[tilespmem:$0x6460] =	vst v62  }
0x24: {  	s31 =	simm.s32 $0x6500;
	s4 =	simm.s32 $0x0;
	s28 =	rddreg [dreg:$0x4];
	[tilespmem:$0x6470] =	vst v63  }
0x25: {  	[tilespmem:s31], [sflag:$0x1] =	stream.indirect.gather [hbm4b:s28+s29], $0x80, s30, s29, $0xb8;
	[tilespmem:$0x1C900] =	vst v63  }
.LBB2_2:
0x26: {  	s0 =	sshllo.u32 s4, $0x1  }
0x27: {  	[dreg:$0xb] =	wrdreg s0;
	s0 =	sshll.u32 s0, $0x7  }
0x28: {  	v0 =	vld [tilespmem:s0+$0x0];
	_ =	sdelay $0x4  }
0x29: {  	v0 =	vshrl.u32 v0, $0x2  }
0x2a: {  	[tilespmem:$0x6480] =	vst v0  }
0x2b: {  	v0 =	vld [tilespmem:s0+$0x10];
	_ =	sdelay $0x4  }
0x2c: {  	v0 =	vshrl.u32 v0, $0x2  }
0x2d: {  	[tilespmem:$0x6490] =	vst v0  }
0x2e: {  	v0 =	vld [tilespmem:s0+$0x20];
	_ =	sdelay $0x4  }
0x2f: {  	v0 =	vshrl.u32 v0, $0x2  }
0x30: {  	[tilespmem:$0x64A0] =	vst v0  }
0x31: {  	v0 =	vld [tilespmem:s0+$0x30];
	_ =	sdelay $0x4  }
0x32: {  	v0 =	vshrl.u32 v0, $0x2  }
0x33: {  	[tilespmem:$0x64B0] =	vst v0  }
0x34: {  	v0 =	vld [tilespmem:s0+$0x40];
	_ =	sdelay $0x4  }
0x35: {  	v0 =	vshrl.u32 v0, $0x2  }
0x36: {  	[tilespmem:$0x64C0] =	vst v0  }
0x37: {  	v0 =	vld [tilespmem:s0+$0x50];
	_ =	sdelay $0x4  }
0x38: {  	v0 =	vshrl.u32 v0, $0x2  }
0x39: {  	[tilespmem:$0x64D0] =	vst v0  }
0x3a: {  	v0 =	vld [tilespmem:s0+$0x60];
	_ =	sdelay $0x4  }
0x3b: {  	v0 =	vshrl.u32 v0, $0x2  }
0x3c: {  	[tilespmem:$0x64E0] =	vst v0  }
0x3d: {  	v0 =	vld [tilespmem:s0+$0x70];
	_ =	sdelay $0x4  }
0x3e: {  	s28 =	rddreg [dreg:$0x4];
	s1 =	simm.s32 $0x80;
	s2 =	simm.s32 $0x6480;
	v0 =	vshrl.u32 v0, $0x2  }
0x3f: {  	s3 =	simm.s32 $0xA500;
	s29 =	simm.s32 $0x1;
	[dreg:$0xc] =	wrdreg s0;
	[tilespmem:$0x64F0] =	vst v0  }
0x40: {  	[tilespmem:s3], [sflag:$0x2] =	stream.indirect.gather [hbm4b:s28+s1], $0x80, s2, s1, $0xb8;
	[tilespmem:$0x1C900] =	vst v63  }
0x41: {  	_ =	swait.ge [sflag:s29], $0x4000  }
0x42: {  	p0 =	seq.s32 s4, $0x0;
	[sflag:s29] =	ssyncset.done $0x0  }
0x43: {  	s0 =	simm.s32 @!p0 $0x3;
	[sflag:s29] =	ssyncadd.s32 $0xFFFFC000  }
0x44: {  	_ =	swait.ge @!p0 [sflag:s0], $0x4000  }
0x45: {  	s30 =	sshll.u32 s4, $0x8;
	[sflag:s0] =	ssyncset.done @!p0 $0x0  }
0x46: {  	v2 =	vmov s30;
	[sflag:s0] =	ssyncadd.s32 @!p0 $0xFFFFC000  }
0x47: {  	[dreg:$0xa] =	wrdreg s4;
	v0 =	vld [tilespmem:s30+$0x16500]  }
0x48: {  	s31 =	simm.s32 $0x0;
	p1 =	por $0x1, $0x1;
	[dreg:$0xd] =	wrdreg s30;
	v1 =	vld [tilespmem:s30+$0x16510]  }
.LBB2_3:
0x49: {  	s3 =	sshll.u32 s31, $0x4  }
0x4a: {  	s0 =	sand.u32 $0x3FFFFFF0, s3  }
0x4b: {  	v3 =	vld.idx.msk [tilespmem:v2+s0+$0x0 ss:$0x1], $0xffff;
	_ =	sdelay $0x4  }
0x4c: {  	v3 =	vshll.u32 v3, $0x5  }
0x4d: {  	v3 =	vand.u32 $0x60, v3  }
0x4e: {  	(v2sf) =	vpush v3, $0x0  }
0x4f: {  	(v2sf) =	vpush v3, $0x1  }
0x50: {  	(v2sf) =	vpush v3, $0x2  }
0x51: {  	(v2sf) =	vpush v3, $0x3  }
0x52: {  	(v2sf) =	vpush v3, $0x4  }
0x53: {  	(v2sf) =	vpush v3, $0x5  }
0x54: {  	(v2sf) =	vpush v3, $0x6  }
0x55: {  	(v2sf) =	vpush v3, $0x7  }
0x56: {  	s5 =	sor.u32 $0x10, s3;
	(v2sf) =	vpush v3, $0x8  }
0x57: {  	v4 =	vld.idx.msk [tilespmem:v2+s5+$0x0 ss:$0x1], $0xffff;
	(v2sf) =	vpush v3, $0x9  }
0x58: {  	(v2sf) =	vpush v3, $0xA  }
0x59: {  	(v2sf) =	vpush v3, $0xB  }
0x5a: {  	(v2sf) =	vpush v3, $0xC  }
0x5b: {  	(v2sf) =	vpush v3, $0xD  }
0x5c: {  	v4 =	vshll.u32 v4, $0x5;
	(v2sf) =	vpush v3, $0xE  }
0x5d: {  	s6 =	spop (v2sf);
	(v2sf) =	vpush v3, $0xF;
	v3 =	vand.u32 $0x60, v4  }
0x5e: {  	s10 =	spop (v2sf);
	(v2sf) =	vpush v3, $0x0  }
0x5f: {  	s13 =	spop (v2sf);
	(v2sf) =	vpush v3, $0x1  }
0x60: {  	s16 =	spop (v2sf);
	(v2sf) =	vpush v3, $0x2  }
0x61: {  	s19 =	spop (v2sf);
	(v2sf) =	vpush v3, $0x3  }
0x62: {  	s28 =	spop (v2sf);
	(v2sf) =	vpush v3, $0x4  }
0x63: {  	s26 =	spop (v2sf);
	(v2sf) =	vpush v3, $0x5  }
0x64: {  	s24 =	spop (v2sf);
	(v2sf) =	vpush v3, $0x6  }
0x65: {  	s2 =	spop (v2sf);
	(v2sf) =	vpush v3, $0x7  }
0x66: {  	[smem:$0x7F1] =	sst s2;
	s4 =	spop (v2sf);
	(v2sf) =	vpush v3, $0x8;
	s2 =	sor.u32 $0x20, s3  }
0x67: {  	s7 =	spop (v2sf);
	(v2sf) =	vpush v3, $0x9;
	v50 =	vld.idx.msk [tilespmem:v2+s2+$0x0 ss:$0x1], $0xffff  }
0x68: {  	s8 =	spop (v2sf);
	(v2sf) =	vpush v3, $0xA  }
0x69: {  	s9 =	spop (v2sf);
	(v2sf) =	vpush v3, $0xB  }
0x6a: {  	s11 =	spop (v2sf);
	(v2sf) =	vpush v3, $0xC  }
0x6b: {  	s12 =	spop (v2sf);
	(v2sf) =	vpush v3, $0xD  }
0x6c: {  	s14 =	spop (v2sf);
	(v2sf) =	vpush v3, $0xE;
	v4 =	vshll.u32 v50, $0x5  }
0x6d: {  	[smem:$0x7F2] =	sst s4;
	s4 =	spop (v2sf);
	(v2sf) =	vpush v3, $0xF;
	v3 =	vand.u32 $0x60, v4  }
0x6e: {  	[smem:$0x7F8] =	sst s8;
	s8 =	spop (v2sf);
	(v2sf) =	vpush v3, $0x0  }
0x6f: {  	[dreg:$0x19] =	wrdreg s11;
	s11 =	spop (v2sf);
	(v2sf) =	vpush v3, $0x1  }
0x70: {  	[dreg:$0xf] =	wrdreg s14;
	s14 =	spop (v2sf);
	(v2sf) =	vpush v3, $0x2  }
0x71: {  	s17 =	spop (v2sf);
	(v2sf) =	vpush v3, $0x3  }
0x72: {  	s20 =	spop (v2sf);
	(v2sf) =	vpush v3, $0x4  }
0x73: {  	(v2sf) =	vpush v3, $0x5;
	s29 =	spop (v2sf)  }
0x74: {  	(v2sf) =	vpush v3, $0x6;
	s22 =	spop (v2sf)  }
0x75: {  	(v2sf) =	vpush v3, $0x7;
	s30 =	spop (v2sf)  }
0x76: {  	s0 =	sor.u32 $0x30, s3;
	(v2sf) =	vpush v3, $0x8;
	s1 =	spop (v2sf)  }
0x77: {  	v51 =	vld.idx.msk [tilespmem:v2+s0+$0x0 ss:$0x1], $0xffff;
	(v2sf) =	vpush v3, $0x9;
	s15 =	spop (v2sf)  }
0x78: {  	(v2sf) =	vpush v3, $0xA;
	s18 =	spop (v2sf)  }
0x79: {  	(v2sf) =	vpush v3, $0xB;
	s21 =	spop (v2sf)  }
0x7a: {  	(v2sf) =	vpush v3, $0xC;
	s23 =	spop (v2sf)  }
0x7b: {  	(v2sf) =	vpush v3, $0xD;
	s25 =	spop (v2sf)  }
0x7c: {  	v4 =	vshll.u32 v51, $0x5;
	(v2sf) =	vpush v3, $0xE;
	s3 =	spop (v2sf)  }
0x7d: {  	[smem:$0x7F3] =	sst s1;
	(v2sf) =	vpush v3, $0xF;
	v3 =	vand.u32 $0x60, v4;
	s1 =	spop (v2sf)  }
0x7e: {  	[smem:$0x7F5] =	sst s7;
	(v2sf) =	vpush v3, $0x0;
	s7 =	spop (v2sf)  }
0x7f: {  	[dreg:$0x1f] =	wrdreg s9;
	s9 =	spop (v2sf)  }
0x80: {  	[dreg:$0x13] =	wrdreg s12;
	s12 =	spop (v2sf)  }
0x81: {  	[smem:$0x7F6] =	sst s15;
	s15 =	spop (v2sf)  }
0x82: {  	[smem:$0x7F9] =	sst s18;
	s18 =	spop (v2sf)  }
0x83: {  	[smem:$0x7FB] =	sst s21;
	s21 =	spop (v2sf)  }
0x84: {  	[dreg:$0x18] =	wrdreg s25;
	s25 =	spop (v2sf)  }
0x85: {  	[dreg:$0x1e] =	wrdreg s23;
	s23 =	spop (v2sf)  }
0x86: {  	[dreg:$0x12] =	wrdreg s3;
	s3 =	spop (v2sf)  }
0x87: {  	s31 =	sshll.u32 s31, $0xB;
	[smem:$0x7F4] =	sst s3;
	s3 =	spop (v2sf)  }
0x88: {  	s5 =	sshll.u32 s5, $0x7;
	[smem:$0x7F7] =	sst s3;
	s3 =	spop (v2sf)  }
0x89: {  	s6 =	sor.u32 s6, s31;
	[smem:$0x7FA] =	sst s3;
	s3 =	spop (v2sf)  }
0x8a: {  	s2 =	sshll.u32 s2, $0x7;
	[smem:$0x7FC] =	sst s3;
	s3 =	spop (v2sf)  }
0x8b: {  	v52 =	vld [tilespmem:s6+$0x6500];
	s4 =	sor.u32 s4, s5;
	[smem:$0x7FD] =	sst s3;
	s3 =	spop (v2sf)  }
0x8c: {  	v5 =	vld [tilespmem:s4+$0x6500];
	s1 =	sor.u32 s1, s2;
	[dreg:$0x1b] =	wrdreg s3;
	s3 =	spop (v2sf)  }
0x8d: {  	v6 =	vld [tilespmem:s1+$0x6500];
	[dreg:$0x15] =	wrdreg s3;
	s3 =	sshll.u32 s0, $0x7;
	s0 =	spop (v2sf)  }
0x8e: {  	s0 =	sor.u32 s0, s3  }
0x8f: {  	v7 =	vld [tilespmem:s0+$0x6500]  }
0x90: {  	v4 =	vmul.f32 $5.656854150e+00, v52  }
0x91: {  	v5 =	vmul.f32 $5.656854150e+00, v5;
	(v2sf) =	vpush v3, $0x1  }
0x92: {  	v4 =	vadd.f32 v4, v0;
	v6 =	vmul.f32 $5.656854150e+00, v6  }
0x93: {  	v5 =	vadd.f32 v5, v0  }
0x94: {  	[tilespmem:s31+$0xE500] =	vst v4;
	v53 =	vadd.f32 v6, v0;
	v7 =	vmul.f32 $5.656854150e+00, v7  }
0x95: {  	[tilespmem:s5+$0xE500] =	vst v5;
	v54 =	vld [tilespmem:s6+$0x6510]  }
0x96: {  	v56 =	vld [tilespmem:s4+$0x6510];
	[tilespmem:s2+$0xE500] =	vst v53;
	v55 =	vadd.f32 v7, v0  }
0x97: {  	v4 =	vld [tilespmem:s1+$0x6510]  }
0x98: {  	[tilespmem:s3+$0xE500] =	vst v55  }
0x99: {  	v5 =	vld [tilespmem:s0+$0x6510]  }
0x9a: {  	v6 =	vmul.f32 $5.656854150e+00, v54  }
0x9b: {  	v7 =	vmul.f32 $5.656854150e+00, v56  }
0x9c: {  	v6 =	vadd.f32 v6, v1;
	v4 =	vmul.f32 $5.656854150e+00, v4  }
0x9d: {  	v7 =	vadd.f32 v7, v1  }
0x9e: {  	[tilespmem:s31+$0xE510] =	vst v6;
	v4 =	vadd.f32 v4, v1;
	s0 =	sor.u32 s10, s31;
	v5 =	vmul.f32 $5.656854150e+00, v5  }
0x9f: {  	[tilespmem:s5+$0xE510] =	vst v7;
	v6 =	vld [tilespmem:s0+$0x6580];
	s5 =	sor.u32 s7, s31  }
0xa0: {  	s4 =	sor.u32 s8, s31;
	[tilespmem:s2+$0xE510] =	vst v4;
	s6 =	spop (v2sf);
	s7 =	sor.u32 $0x1080, s5;
	v5 =	vadd.f32 v5, v1  }
0xa1: {  	s1 =	sor.u32 $0x880, s4;
	s8 =	sor.u32 s6, s31;
	v58 =	vld [tilespmem:s7+$0x6500]  }
0xa2: {  	v57 =	vld [tilespmem:s1+$0x6500];
	s10 =	sor.u32 $0x1880, s8;
	[tilespmem:s3+$0xE510] =	vst v5  }
0xa3: {  	v59 =	vld [tilespmem:s10+$0x6500]  }
0xa4: {  	v6 =	vmul.f32 $5.656854150e+00, v6  }
0xa5: {  	(v2sf) =	vpush v3, $0x2  }
0xa6: {  	v6 =	vadd.f32 v6, v0;
	v5 =	vmul.f32 $5.656854150e+00, v58  }
0xa7: {  	v4 =	vmul.f32 $5.656854150e+00, v57  }
0xa8: {  	[tilespmem:s31+$0xE580] =	vst v6;
	v5 =	vadd.f32 v5, v0;
	v7 =	vmul.f32 $5.656854150e+00, v59  }
0xa9: {  	v4 =	vadd.f32 v4, v0;
	v6 =	vld [tilespmem:s0+$0x6590]  }
0xaa: {  	[tilespmem:s31+$0xF580] =	vst v5;
	v60 =	vadd.f32 v7, v0  }
0xab: {  	[tilespmem:s31+$0xED80] =	vst v4;
	v5 =	vld [tilespmem:s7+$0x6510]  }
0xac: {  	v61 =	vld [tilespmem:s1+$0x6510];
	[tilespmem:s31+$0xFD80] =	vst v60  }
0xad: {  	v4 =	vld [tilespmem:s10+$0x6510]  }
0xae: {  	v6 =	vmul.f32 $5.656854150e+00, v6;
	_ =	sdelay $0x1  }
0xaf: {  	v6 =	vadd.f32 v6, v1;
	v5 =	vmul.f32 $5.656854150e+00, v5  }
0xb0: {  	v7 =	vmul.f32 $5.656854150e+00, v61  }
0xb1: {  	s13 =	sor.u32 s13, s31;
	[tilespmem:s31+$0xE590] =	vst v6;
	v5 =	vadd.f32 v5, v1;
	v4 =	vmul.f32 $5.656854150e+00, v4  }
0xb2: {  	s2 =	sor.u32 s11, s31;
	s3 =	sor.u32 s9, s31;
	v7 =	vadd.f32 v7, v1;
	v6 =	vld [tilespmem:s13+$0x6600]  }
0xb3: {  	s1 =	sor.u32 $0x900, s2;
	s2 =	sor.u32 $0x1100, s3;
	s4 =	spop (v2sf);
	[tilespmem:s31+$0xF590] =	vst v5;
	v4 =	vadd.f32 v4, v1  }
0xb4: {  	s3 =	sor.u32 s4, s31;
	[tilespmem:s31+$0xED90] =	vst v7;
	v5 =	vld [tilespmem:s2+$0x6500]  }
0xb5: {  	s3 =	sor.u32 $0x1900, s3;
	v7 =	vld [tilespmem:s1+$0x6500];
	[tilespmem:s31+$0xFD90] =	vst v4  }
0xb6: {  	v4 =	vld [tilespmem:s3+$0x6500]  }
0xb7: {  	v6 =	vmul.f32 $5.656854150e+00, v6  }
0xb8: {  	(v2sf) =	vpush v3, $0x3  }
0xb9: {  	v6 =	vadd.f32 v6, v0;
	v5 =	vmul.f32 $5.656854150e+00, v5  }
0xba: {  	v7 =	vmul.f32 $5.656854150e+00, v7  }
0xbb: {  	[tilespmem:s31+$0xE600] =	vst v6;
	v5 =	vadd.f32 v5, v0;
	v4 =	vmul.f32 $5.656854150e+00, v4  }
0xbc: {  	v7 =	vadd.f32 v7, v0;
	v6 =	vld [tilespmem:s13+$0x6610]  }
0xbd: {  	[tilespmem:s31+$0xF600] =	vst v5;
	v4 =	vadd.f32 v4, v0  }
0xbe: {  	[tilespmem:s31+$0xEE00] =	vst v7;
	v5 =	vld [tilespmem:s2+$0x6510]  }
0xbf: {  	v7 =	vld [tilespmem:s1+$0x6510];
	[tilespmem:s31+$0xFE00] =	vst v4  }
0xc0: {  	v4 =	vld [tilespmem:s3+$0x6510]  }
0xc1: {  	v6 =	vmul.f32 $5.656854150e+00, v6;
	_ =	sdelay $0x1  }
0xc2: {  	v6 =	vadd.f32 v6, v1;
	v5 =	vmul.f32 $5.656854150e+00, v5  }
0xc3: {  	v7 =	vmul.f32 $5.656854150e+00, v7  }
0xc4: {  	s5 =	sor.u32 s16, s31;
	[tilespmem:s31+$0xE610] =	vst v6;
	v5 =	vadd.f32 v5, v1;
	v4 =	vmul.f32 $5.656854150e+00, v4  }
0xc5: {  	s7 =	sor.u32 s12, s31;
	v7 =	vadd.f32 v7, v1;
	v6 =	vld [tilespmem:s5+$0x6680]  }
0xc6: {  	s6 =	sor.u32 s14, s31;
	s8 =	spop (v2sf);
	s2 =	sor.u32 $0x1180, s7;
	[tilespmem:s31+$0xF610] =	vst v5;
	v4 =	vadd.f32 v4, v1  }
0xc7: {  	s1 =	sor.u32 $0x980, s6;
	s3 =	sor.u32 s8, s31;
	[tilespmem:s31+$0xEE10] =	vst v7;
	v5 =	vld [tilespmem:s2+$0x6500]  }
0xc8: {  	s3 =	sor.u32 $0x1980, s3;
	v7 =	vld [tilespmem:s1+$0x6500];
	[tilespmem:s31+$0xFE10] =	vst v4  }
0xc9: {  	v4 =	vld [tilespmem:s3+$0x6500]  }
0xca: {  	v6 =	vmul.f32 $5.656854150e+00, v6  }
0xcb: {  	(v2sf) =	vpush v3, $0x4  }
0xcc: {  	v6 =	vadd.f32 v6, v0;
	v5 =	vmul.f32 $5.656854150e+00, v5  }
0xcd: {  	v7 =	vmul.f32 $5.656854150e+00, v7  }
0xce: {  	[tilespmem:s31+$0xE680] =	vst v6;
	v5 =	vadd.f32 v5, v0;
	v4 =	vmul.f32 $5.656854150e+00, v4  }
0xcf: {  	v7 =	vadd.f32 v7, v0;
	v6 =	vld [tilespmem:s5+$0x6690]  }
0xd0: {  	[tilespmem:s31+$0xF680] =	vst v5;
	v4 =	vadd.f32 v4, v0  }
0xd1: {  	[tilespmem:s31+$0xEE80] =	vst v7;
	v5 =	vld [tilespmem:s2+$0x6510]  }
0xd2: {  	v7 =	vld [tilespmem:s1+$0x6510];
	[tilespmem:s31+$0xFE80] =	vst v4  }
0xd3: {  	v4 =	vld [tilespmem:s3+$0x6510]  }
0xd4: {  	v6 =	vmul.f32 $5.656854150e+00, v6;
	_ =	sdelay $0x1  }
0xd5: {  	v6 =	vadd.f32 v6, v1;
	v5 =	vmul.f32 $5.656854150e+00, v5  }
0xd6: {  	v7 =	vmul.f32 $5.656854150e+00, v7  }
0xd7: {  	s9 =	sor.u32 s19, s31;
	[tilespmem:s31+$0xE690] =	vst v6;
	v5 =	vadd.f32 v5, v1;
	v4 =	vmul.f32 $5.656854150e+00, v4  }
0xd8: {  	s11 =	sor.u32 s15, s31;
	v7 =	vadd.f32 v7, v1;
	v6 =	vld [tilespmem:s9+$0x6700]  }
0xd9: {  	s10 =	sor.u32 s17, s31;
	s12 =	spop (v2sf);
	s2 =	sor.u32 $0x1200, s11;
	[tilespmem:s31+$0xF690] =	vst v5;
	v4 =	vadd.f32 v4, v1  }
0xda: {  	s1 =	sor.u32 $0xA00, s10;
	s3 =	sor.u32 s12, s31;
	[tilespmem:s31+$0xEE90] =	vst v7;
	v5 =	vld [tilespmem:s2+$0x6500]  }
0xdb: {  	s3 =	sor.u32 $0x1A00, s3;
	v7 =	vld [tilespmem:s1+$0x6500];
	[tilespmem:s31+$0xFE90] =	vst v4  }
0xdc: {  	v4 =	vld [tilespmem:s3+$0x6500]  }
0xdd: {  	v6 =	vmul.f32 $5.656854150e+00, v6  }
0xde: {  	(v2sf) =	vpush v3, $0x5  }
0xdf: {  	v6 =	vadd.f32 v6, v0;
	v5 =	vmul.f32 $5.656854150e+00, v5  }
0xe0: {  	v7 =	vmul.f32 $5.656854150e+00, v7  }
0xe1: {  	[tilespmem:s31+$0xE700] =	vst v6;
	v5 =	vadd.f32 v5, v0;
	v4 =	vmul.f32 $5.656854150e+00, v4  }
0xe2: {  	v7 =	vadd.f32 v7, v0;
	v6 =	vld [tilespmem:s9+$0x6710]  }
0xe3: {  	[tilespmem:s31+$0xF700] =	vst v5;
	v4 =	vadd.f32 v4, v0  }
0xe4: {  	[tilespmem:s31+$0xEF00] =	vst v7;
	v5 =	vld [tilespmem:s2+$0x6510]  }
0xe5: {  	v7 =	vld [tilespmem:s1+$0x6510];
	[tilespmem:s31+$0xFF00] =	vst v4  }
0xe6: {  	v4 =	vld [tilespmem:s3+$0x6510]  }
0xe7: {  	v6 =	vmul.f32 $5.656854150e+00, v6;
	_ =	sdelay $0x1  }
0xe8: {  	v6 =	vadd.f32 v6, v1;
	v5 =	vmul.f32 $5.656854150e+00, v5  }
0xe9: {  	v7 =	vmul.f32 $5.656854150e+00, v7  }
0xea: {  	s13 =	sor.u32 s28, s31;
	[tilespmem:s31+$0xE710] =	vst v6;
	v5 =	vadd.f32 v5, v1;
	v4 =	vmul.f32 $5.656854150e+00, v4  }
0xeb: {  	s15 =	sor.u32 s18, s31;
	v7 =	vadd.f32 v7, v1;
	v6 =	vld [tilespmem:s13+$0x6780]  }
0xec: {  	s14 =	sor.u32 s20, s31;
	s16 =	spop (v2sf);
	s2 =	sor.u32 $0x1280, s15;
	[tilespmem:s31+$0xF710] =	vst v5;
	v4 =	vadd.f32 v4, v1  }
0xed: {  	s1 =	sor.u32 $0xA80, s14;
	s3 =	sor.u32 s16, s31;
	[tilespmem:s31+$0xEF10] =	vst v7;
	v5 =	vld [tilespmem:s2+$0x6500]  }
0xee: {  	s3 =	sor.u32 $0x1A80, s3;
	v7 =	vld [tilespmem:s1+$0x6500];
	[tilespmem:s31+$0xFF10] =	vst v4  }
0xef: {  	v4 =	vld [tilespmem:s3+$0x6500]  }
0xf0: {  	v6 =	vmul.f32 $5.656854150e+00, v6  }
0xf1: {  	(v2sf) =	vpush v3, $0x6  }
0xf2: {  	v6 =	vadd.f32 v6, v0;
	v5 =	vmul.f32 $5.656854150e+00, v5  }
0xf3: {  	v7 =	vmul.f32 $5.656854150e+00, v7  }
0xf4: {  	[tilespmem:s31+$0xE780] =	vst v6;
	v5 =	vadd.f32 v5, v0;
	v4 =	vmul.f32 $5.656854150e+00, v4  }
0xf5: {  	v7 =	vadd.f32 v7, v0;
	v6 =	vld [tilespmem:s13+$0x6790]  }
0xf6: {  	[tilespmem:s31+$0xF780] =	vst v5;
	v4 =	vadd.f32 v4, v0  }
0xf7: {  	[tilespmem:s31+$0xEF80] =	vst v7;
	v5 =	vld [tilespmem:s2+$0x6510]  }
0xf8: {  	v7 =	vld [tilespmem:s1+$0x6510];
	[tilespmem:s31+$0xFF80] =	vst v4  }
0xf9: {  	v4 =	vld [tilespmem:s3+$0x6510]  }
0xfa: {  	v6 =	vmul.f32 $5.656854150e+00, v6;
	_ =	sdelay $0x1  }
0xfb: {  	v6 =	vadd.f32 v6, v1;
	v5 =	vmul.f32 $5.656854150e+00, v5  }
0xfc: {  	v7 =	vmul.f32 $5.656854150e+00, v7  }
0xfd: {  	s17 =	sor.u32 s26, s31;
	[tilespmem:s31+$0xE790] =	vst v6;
	v5 =	vadd.f32 v5, v1;
	v4 =	vmul.f32 $5.656854150e+00, v4  }
0xfe: {  	s19 =	sor.u32 s21, s31;
	v7 =	vadd.f32 v7, v1;
	v6 =	vld [tilespmem:s17+$0x6800]  }
0xff: {  	s18 =	sor.u32 s29, s31;
	s20 =	spop (v2sf);
	s2 =	sor.u32 $0x1300, s19;
	[tilespmem:s31+$0xF790] =	vst v5;
	v4 =	vadd.f32 v4, v1  }
0x100: {  	s1 =	sor.u32 $0xB00, s18;
	s3 =	sor.u32 s20, s31;
	[tilespmem:s31+$0xEF90] =	vst v7;
	v5 =	vld [tilespmem:s2+$0x6500]  }
0x101: {  	s3 =	sor.u32 $0x1B00, s3;
	v7 =	vld [tilespmem:s1+$0x6500];
	[tilespmem:s31+$0xFF90] =	vst v4  }
0x102: {  	v4 =	vld [tilespmem:s3+$0x6500]  }
0x103: {  	v6 =	vmul.f32 $5.656854150e+00, v6  }
0x104: {  	(v2sf) =	vpush v3, $0x7  }
0x105: {  	v6 =	vadd.f32 v6, v0;
	v5 =	vmul.f32 $5.656854150e+00, v5  }
0x106: {  	v7 =	vmul.f32 $5.656854150e+00, v7  }
0x107: {  	[tilespmem:s31+$0xE800] =	vst v6;
	v5 =	vadd.f32 v5, v0;
	v4 =	vmul.f32 $5.656854150e+00, v4  }
0x108: {  	v7 =	vadd.f32 v7, v0;
	v6 =	vld [tilespmem:s17+$0x6810]  }
0x109: {  	[tilespmem:s31+$0xF800] =	vst v5;
	v4 =	vadd.f32 v4, v0  }
0x10a: {  	[tilespmem:s31+$0xF000] =	vst v7;
	v5 =	vld [tilespmem:s2+$0x6510]  }
0x10b: {  	v7 =	vld [tilespmem:s1+$0x6510];
	[tilespmem:s31+$0x10000] =	vst v4  }
0x10c: {  	v4 =	vld [tilespmem:s3+$0x6510]  }
0x10d: {  	v6 =	vmul.f32 $5.656854150e+00, v6;
	_ =	sdelay $0x1  }
0x10e: {  	v6 =	vadd.f32 v6, v1;
	v5 =	vmul.f32 $5.656854150e+00, v5  }
0x10f: {  	v7 =	vmul.f32 $5.656854150e+00, v7  }
0x110: {  	s21 =	sor.u32 s24, s31;
	[tilespmem:s31+$0xE810] =	vst v6;
	v5 =	vadd.f32 v5, v1;
	v4 =	vmul.f32 $5.656854150e+00, v4  }
0x111: {  	s24 =	sor.u32 s25, s31;
	v7 =	vadd.f32 v7, v1;
	v6 =	vld [tilespmem:s21+$0x6880]  }
0x112: {  	s22 =	sor.u32 s22, s31;
	s25 =	spop (v2sf);
	s2 =	sor.u32 $0x1380, s24;
	[tilespmem:s31+$0xF810] =	vst v5;
	v4 =	vadd.f32 v4, v1  }
0x113: {  	s1 =	sor.u32 $0xB80, s22;
	s3 =	sor.u32 s25, s31;
	[tilespmem:s31+$0xF010] =	vst v7;
	v5 =	vld [tilespmem:s2+$0x6500]  }
0x114: {  	s3 =	sor.u32 $0x1B80, s3;
	v7 =	vld [tilespmem:s1+$0x6500];
	[tilespmem:s31+$0x10010] =	vst v4  }
0x115: {  	v4 =	vld [tilespmem:s3+$0x6500]  }
0x116: {  	v6 =	vmul.f32 $5.656854150e+00, v6  }
0x117: {  	(v2sf) =	vpush v3, $0x8  }
0x118: {  	v6 =	vadd.f32 v6, v0;
	v5 =	vmul.f32 $5.656854150e+00, v5  }
0x119: {  	v7 =	vmul.f32 $5.656854150e+00, v7  }
0x11a: {  	[tilespmem:s31+$0xE880] =	vst v6;
	v5 =	vadd.f32 v5, v0;
	v4 =	vmul.f32 $5.656854150e+00, v4  }
0x11b: {  	v7 =	vadd.f32 v7, v0;
	v6 =	vld [tilespmem:s21+$0x6890]  }
0x11c: {  	[tilespmem:s31+$0xF880] =	vst v5;
	v4 =	vadd.f32 v4, v0  }
0x11d: {  	[tilespmem:s31+$0xF080] =	vst v7;
	v5 =	vld [tilespmem:s2+$0x6510]  }
0x11e: {  	v7 =	vld [tilespmem:s1+$0x6510];
	[tilespmem:s31+$0x10080] =	vst v4  }
0x11f: {  	v4 =	vld [tilespmem:s3+$0x6510]  }
0x120: {  	v6 =	vmul.f32 $5.656854150e+00, v6  }
0x121: {  	s26 =	sld [smem:$0x7F1]  }
0x122: {  	v6 =	vadd.f32 v6, v1;
	v5 =	vmul.f32 $5.656854150e+00, v5  }
0x123: {  	v7 =	vmul.f32 $5.656854150e+00, v7  }
0x124: {  	s0 =	sor.u32 s26, s31;
	[tilespmem:s31+$0xE890] =	vst v6;
	v5 =	vadd.f32 v5, v1;
	v4 =	vmul.f32 $5.656854150e+00, v4  }
0x125: {  	s29 =	sor.u32 s23, s31;
	v7 =	vadd.f32 v7, v1;
	v6 =	vld [tilespmem:s0+$0x6900]  }
0x126: {  	s28 =	sor.u32 s30, s31;
	s30 =	spop (v2sf);
	s2 =	sor.u32 $0x1400, s29;
	[tilespmem:s31+$0xF890] =	vst v5;
	v4 =	vadd.f32 v4, v1  }
0x127: {  	s1 =	sor.u32 $0xC00, s28;
	s3 =	sor.u32 s30, s31;
	[tilespmem:s31+$0xF090] =	vst v7;
	v5 =	vld [tilespmem:s2+$0x6500]  }
0x128: {  	s3 =	sor.u32 $0x1C00, s3;
	v7 =	vld [tilespmem:s1+$0x6500];
	[tilespmem:s31+$0x10090] =	vst v4  }
0x129: {  	v4 =	vld [tilespmem:s3+$0x6500]  }
0x12a: {  	v6 =	vmul.f32 $5.656854150e+00, v6  }
0x12b: {  	(v2sf) =	vpush v3, $0x9  }
0x12c: {  	v6 =	vadd.f32 v6, v0;
	v5 =	vmul.f32 $5.656854150e+00, v5  }
0x12d: {  	v7 =	vmul.f32 $5.656854150e+00, v7  }
0x12e: {  	[tilespmem:s31+$0xE900] =	vst v6;
	v5 =	vadd.f32 v5, v0;
	v4 =	vmul.f32 $5.656854150e+00, v4  }
0x12f: {  	v7 =	vadd.f32 v7, v0;
	v6 =	vld [tilespmem:s0+$0x6910]  }
0x130: {  	[tilespmem:s31+$0xF900] =	vst v5;
	v4 =	vadd.f32 v4, v0  }
0x131: {  	[tilespmem:s31+$0xF100] =	vst v7;
	v5 =	vld [tilespmem:s2+$0x6510]  }
0x132: {  	v7 =	vld [tilespmem:s1+$0x6510];
	[tilespmem:s31+$0x10100] =	vst v4  }
0x133: {  	v4 =	vld [tilespmem:s3+$0x6510]  }
0x134: {  	v6 =	vmul.f32 $5.656854150e+00, v6  }
0x135: {  	s2 =	sld [smem:$0x7F2]  }
0x136: {  	s4 =	sld [smem:$0x7F4];
	v6 =	vadd.f32 v6, v1;
	v5 =	vmul.f32 $5.656854150e+00, v5  }
0x137: {  	v7 =	vmul.f32 $5.656854150e+00, v7;
	s3 =	sld [smem:$0x7F3]  }
0x138: {  	s0 =	sor.u32 s2, s31;
	[tilespmem:s31+$0xE910] =	vst v6;
	v5 =	vadd.f32 v5, v1;
	v4 =	vmul.f32 $5.656854150e+00, v4  }
0x139: {  	s2 =	sor.u32 s4, s31;
	v7 =	vadd.f32 v7, v1;
	v6 =	vld [tilespmem:s0+$0x6980]  }
0x13a: {  	s5 =	spop (v2sf);
	s2 =	sor.u32 $0x1480, s2;
	s1 =	sor.u32 s3, s31;
	[tilespmem:s31+$0xF910] =	vst v5;
	v4 =	vadd.f32 v4, v1  }
0x13b: {  	[tilespmem:s31+$0xF110] =	vst v7;
	s3 =	sor.u32 s5, s31;
	s1 =	sor.u32 $0xC80, s1;
	v5 =	vld [tilespmem:s2+$0x6500]  }
0x13c: {  	s3 =	sor.u32 $0x1C80, s3;
	v7 =	vld [tilespmem:s1+$0x6500];
	[tilespmem:s31+$0x10110] =	vst v4  }
0x13d: {  	v4 =	vld [tilespmem:s3+$0x6500]  }
0x13e: {  	v6 =	vmul.f32 $5.656854150e+00, v6  }
0x13f: {  	(v2sf) =	vpush v3, $0xA  }
0x140: {  	v6 =	vadd.f32 v6, v0;
	v5 =	vmul.f32 $5.656854150e+00, v5  }
0x141: {  	v7 =	vmul.f32 $5.656854150e+00, v7  }
0x142: {  	[tilespmem:s31+$0xE980] =	vst v6;
	v5 =	vadd.f32 v5, v0;
	v4 =	vmul.f32 $5.656854150e+00, v4  }
0x143: {  	v6 =	vld [tilespmem:s0+$0x6990];
	v7 =	vadd.f32 v7, v0  }
0x144: {  	[tilespmem:s31+$0xF980] =	vst v5;
	v4 =	vadd.f32 v4, v0  }
0x145: {  	[tilespmem:s31+$0xF180] =	vst v7;
	v5 =	vld [tilespmem:s2+$0x6510]  }
0x146: {  	v7 =	vld [tilespmem:s1+$0x6510];
	[tilespmem:s31+$0x10180] =	vst v4  }
0x147: {  	v4 =	vld [tilespmem:s3+$0x6510]  }
0x148: {  	v6 =	vmul.f32 $5.656854150e+00, v6  }
0x149: {  	s6 =	sld [smem:$0x7F5]  }
0x14a: {  	s8 =	sld [smem:$0x7F7];
	v6 =	vadd.f32 v6, v1;
	v5 =	vmul.f32 $5.656854150e+00, v5  }
0x14b: {  	s7 =	sld [smem:$0x7F6];
	v7 =	vmul.f32 $5.656854150e+00, v7  }
0x14c: {  	s0 =	sor.u32 s6, s31;
	[tilespmem:s31+$0xE990] =	vst v6;
	v5 =	vadd.f32 v5, v1;
	v4 =	vmul.f32 $5.656854150e+00, v4  }
0x14d: {  	s2 =	sor.u32 s8, s31;
	v6 =	vld [tilespmem:s0+$0x6A00];
	v7 =	vadd.f32 v7, v1  }
0x14e: {  	s9 =	spop (v2sf);
	s1 =	sor.u32 s7, s31;
	s2 =	sor.u32 $0x1500, s2;
	[tilespmem:s31+$0xF990] =	vst v5;
	v4 =	vadd.f32 v4, v1  }
0x14f: {  	s1 =	sor.u32 $0xD00, s1;
	s3 =	sor.u32 s9, s31;
	[tilespmem:s31+$0xF190] =	vst v7;
	v5 =	vld [tilespmem:s2+$0x6500]  }
0x150: {  	s3 =	sor.u32 $0x1D00, s3;
	v7 =	vld [tilespmem:s1+$0x6500];
	[tilespmem:s31+$0x10190] =	vst v4  }
0x151: {  	v4 =	vld [tilespmem:s3+$0x6500]  }
0x152: {  	v6 =	vmul.f32 $5.656854150e+00, v6  }
0x153: {  	(v2sf) =	vpush v3, $0xB  }
0x154: {  	v6 =	vadd.f32 v6, v0;
	v5 =	vmul.f32 $5.656854150e+00, v5  }
0x155: {  	v7 =	vmul.f32 $5.656854150e+00, v7  }
0x156: {  	[tilespmem:s31+$0xEA00] =	vst v6;
	v5 =	vadd.f32 v5, v0;
	v4 =	vmul.f32 $5.656854150e+00, v4  }
0x157: {  	v6 =	vld [tilespmem:s0+$0x6A10];
	v7 =	vadd.f32 v7, v0  }
0x158: {  	[tilespmem:s31+$0xFA00] =	vst v5;
	v4 =	vadd.f32 v4, v0  }
0x159: {  	[tilespmem:s31+$0xF200] =	vst v7;
	v5 =	vld [tilespmem:s2+$0x6510]  }
0x15a: {  	v7 =	vld [tilespmem:s1+$0x6510];
	[tilespmem:s31+$0x10200] =	vst v4  }
0x15b: {  	v4 =	vld [tilespmem:s3+$0x6510]  }
0x15c: {  	v6 =	vmul.f32 $5.656854150e+00, v6  }
0x15d: {  	s10 =	sld [smem:$0x7F8]  }
0x15e: {  	s12 =	sld [smem:$0x7FA];
	v6 =	vadd.f32 v6, v1;
	v5 =	vmul.f32 $5.656854150e+00, v5  }
0x15f: {  	s11 =	sld [smem:$0x7F9];
	v7 =	vmul.f32 $5.656854150e+00, v7  }
0x160: {  	s0 =	sor.u32 s10, s31;
	[tilespmem:s31+$0xEA10] =	vst v6;
	v5 =	vadd.f32 v5, v1;
	v4 =	vmul.f32 $5.656854150e+00, v4  }
0x161: {  	s2 =	sor.u32 s12, s31;
	v6 =	vld [tilespmem:s0+$0x6A80];
	v7 =	vadd.f32 v7, v1  }
0x162: {  	s13 =	spop (v2sf);
	s1 =	sor.u32 s11, s31;
	s2 =	sor.u32 $0x1580, s2;
	[tilespmem:s31+$0xFA10] =	vst v5;
	v4 =	vadd.f32 v4, v1  }
0x163: {  	s1 =	sor.u32 $0xD80, s1;
	s3 =	sor.u32 s13, s31;
	[tilespmem:s31+$0xF210] =	vst v7;
	v5 =	vld [tilespmem:s2+$0x6500]  }
0x164: {  	s3 =	sor.u32 $0x1D80, s3;
	v7 =	vld [tilespmem:s1+$0x6500];
	[tilespmem:s31+$0x10210] =	vst v4  }
0x165: {  	v4 =	vld [tilespmem:s3+$0x6500]  }
0x166: {  	v6 =	vmul.f32 $5.656854150e+00, v6  }
0x167: {  	(v2sf) =	vpush v3, $0xC  }
0x168: {  	v6 =	vadd.f32 v6, v0;
	v5 =	vmul.f32 $5.656854150e+00, v5  }
0x169: {  	v7 =	vmul.f32 $5.656854150e+00, v7  }
0x16a: {  	[tilespmem:s31+$0xEA80] =	vst v6;
	v5 =	vadd.f32 v5, v0;
	v4 =	vmul.f32 $5.656854150e+00, v4  }
0x16b: {  	v6 =	vld [tilespmem:s0+$0x6A90];
	v7 =	vadd.f32 v7, v0  }
0x16c: {  	[tilespmem:s31+$0xFA80] =	vst v5;
	v4 =	vadd.f32 v4, v0  }
0x16d: {  	[tilespmem:s31+$0xF280] =	vst v7;
	v5 =	vld [tilespmem:s2+$0x6510]  }
0x16e: {  	v7 =	vld [tilespmem:s1+$0x6510];
	[tilespmem:s31+$0x10280] =	vst v4  }
0x16f: {  	v4 =	vld [tilespmem:s3+$0x6510]  }
0x170: {  	v6 =	vmul.f32 $5.656854150e+00, v6  }
0x171: {  	s14 =	rddreg [dreg:$0x1f]  }
0x172: {  	s16 =	sld [smem:$0x7FC];
	v6 =	vadd.f32 v6, v1;
	v5 =	vmul.f32 $5.656854150e+00, v5  }
0x173: {  	s15 =	sld [smem:$0x7FB];
	v7 =	vmul.f32 $5.656854150e+00, v7  }
0x174: {  	s0 =	sor.u32 s14, s31;
	[tilespmem:s31+$0xEA90] =	vst v6;
	v5 =	vadd.f32 v5, v1;
	v4 =	vmul.f32 $5.656854150e+00, v4  }
0x175: {  	s2 =	sor.u32 s16, s31;
	v6 =	vld [tilespmem:s0+$0x6B00];
	v7 =	vadd.f32 v7, v1  }
0x176: {  	s17 =	spop (v2sf);
	s1 =	sor.u32 s15, s31;
	s2 =	sor.u32 $0x1600, s2;
	[tilespmem:s31+$0xFA90] =	vst v5;
	v4 =	vadd.f32 v4, v1  }
0x177: {  	s1 =	sor.u32 $0xE00, s1;
	s3 =	sor.u32 s17, s31;
	[tilespmem:s31+$0xF290] =	vst v7;
	v5 =	vld [tilespmem:s2+$0x6500]  }
0x178: {  	s3 =	sor.u32 $0x1E00, s3;
	v7 =	vld [tilespmem:s1+$0x6500];
	[tilespmem:s31+$0x10290] =	vst v4  }
0x179: {  	v4 =	vld [tilespmem:s3+$0x6500]  }
0x17a: {  	v6 =	vmul.f32 $5.656854150e+00, v6  }
0x17b: {  	(v2sf) =	vpush v3, $0xD  }
0x17c: {  	v6 =	vadd.f32 v6, v0;
	v5 =	vmul.f32 $5.656854150e+00, v5  }
0x17d: {  	v7 =	vmul.f32 $5.656854150e+00, v7  }
0x17e: {  	[tilespmem:s31+$0xEB00] =	vst v6;
	v5 =	vadd.f32 v5, v0;
	v4 =	vmul.f32 $5.656854150e+00, v4  }
0x17f: {  	v6 =	vld [tilespmem:s0+$0x6B10];
	v7 =	vadd.f32 v7, v0  }
0x180: {  	[tilespmem:s31+$0xFB00] =	vst v5;
	v4 =	vadd.f32 v4, v0  }
0x181: {  	[tilespmem:s31+$0xF300] =	vst v7;
	v5 =	vld [tilespmem:s2+$0x6510]  }
0x182: {  	v7 =	vld [tilespmem:s1+$0x6510];
	[tilespmem:s31+$0x10300] =	vst v4  }
0x183: {  	v4 =	vld [tilespmem:s3+$0x6510]  }
0x184: {  	v6 =	vmul.f32 $5.656854150e+00, v6;
	_ =	sdelay $0x1  }
0x185: {  	s20 =	sld [smem:$0x7FD];
	v6 =	vadd.f32 v6, v1;
	v5 =	vmul.f32 $5.656854150e+00, v5  }
0x186: {  	s18 =	rddreg [dreg:$0x19];
	v7 =	vmul.f32 $5.656854150e+00, v7  }
0x187: {  	s0 =	sor.u32 s18, s31;
	[tilespmem:s31+$0xEB10] =	vst v6;
	v5 =	vadd.f32 v5, v1;
	v4 =	vmul.f32 $5.656854150e+00, v4  }
0x188: {  	s19 =	rddreg [dreg:$0x1e];
	s2 =	sor.u32 s20, s31;
	v6 =	vld [tilespmem:s0+$0x6B80];
	v7 =	vadd.f32 v7, v1  }
0x189: {  	s21 =	spop (v2sf);
	s1 =	sor.u32 s19, s31;
	s2 =	sor.u32 $0x1680, s2;
	[tilespmem:s31+$0xFB10] =	vst v5;
	v4 =	vadd.f32 v4, v1  }
0x18a: {  	s1 =	sor.u32 $0xE80, s1;
	s3 =	sor.u32 s21, s31;
	[tilespmem:s31+$0xF310] =	vst v7;
	v5 =	vld [tilespmem:s2+$0x6500]  }
0x18b: {  	s3 =	sor.u32 $0x1E80, s3;
	v7 =	vld [tilespmem:s1+$0x6500];
	[tilespmem:s31+$0x10310] =	vst v4  }
0x18c: {  	v4 =	vld [tilespmem:s3+$0x6500]  }
0x18d: {  	v6 =	vmul.f32 $5.656854150e+00, v6  }
0x18e: {  	(v2sf) =	vpush v3, $0xE  }
0x18f: {  	v6 =	vadd.f32 v6, v0;
	v5 =	vmul.f32 $5.656854150e+00, v5  }
0x190: {  	v7 =	vmul.f32 $5.656854150e+00, v7  }
0x191: {  	[tilespmem:s31+$0xEB80] =	vst v6;
	v5 =	vadd.f32 v5, v0;
	v4 =	vmul.f32 $5.656854150e+00, v4  }
0x192: {  	v6 =	vld [tilespmem:s0+$0x6B90];
	v7 =	vadd.f32 v7, v0  }
0x193: {  	[tilespmem:s31+$0xFB80] =	vst v5;
	v4 =	vadd.f32 v4, v0  }
0x194: {  	[tilespmem:s31+$0xF380] =	vst v7;
	v5 =	vld [tilespmem:s2+$0x6510]  }
0x195: {  	v7 =	vld [tilespmem:s1+$0x6510];
	[tilespmem:s31+$0x10380] =	vst v4  }
0x196: {  	v4 =	vld [tilespmem:s3+$0x6510]  }
0x197: {  	v6 =	vmul.f32 $5.656854150e+00, v6;
	_ =	sdelay $0x1  }
0x198: {  	v6 =	vadd.f32 v6, v1;
	v5 =	vmul.f32 $5.656854150e+00, v5  }
0x199: {  	s22 =	rddreg [dreg:$0x13];
	v7 =	vmul.f32 $5.656854150e+00, v7  }
0x19a: {  	s24 =	rddreg [dreg:$0x1b];
	s0 =	sor.u32 s22, s31;
	[tilespmem:s31+$0xEB90] =	vst v6;
	v5 =	vadd.f32 v5, v1;
	v4 =	vmul.f32 $5.656854150e+00, v4  }
0x19b: {  	s23 =	rddreg [dreg:$0x18];
	s2 =	sor.u32 s24, s31;
	v6 =	vld [tilespmem:s0+$0x6C00];
	v7 =	vadd.f32 v7, v1  }
0x19c: {  	s25 =	spop (v2sf);
	s1 =	sor.u32 s23, s31;
	s2 =	sor.u32 $0x1700, s2;
	[tilespmem:s31+$0xFB90] =	vst v5;
	v4 =	vadd.f32 v4, v1  }
0x19d: {  	s1 =	sor.u32 $0xF00, s1;
	s3 =	sor.u32 s25, s31;
	[tilespmem:s31+$0xF390] =	vst v7;
	v5 =	vld [tilespmem:s2+$0x6500]  }
0x19e: {  	s3 =	sor.u32 $0x1F00, s3;
	v7 =	vld [tilespmem:s1+$0x6500];
	[tilespmem:s31+$0x10390] =	vst v4  }
0x19f: {  	v4 =	vld [tilespmem:s3+$0x6500]  }
0x1a0: {  	(v2sf) =	vpush v3, $0xF;
	v3 =	vmul.f32 $5.656854150e+00, v6;
	_ =	sdelay $0x1  }
0x1a1: {  	v3 =	vadd.f32 v3, v0;
	v5 =	vmul.f32 $5.656854150e+00, v5  }
0x1a2: {  	v62 =	vmul.f32 $5.656854150e+00, v7  }
0x1a3: {  	[tilespmem:s31+$0xEC00] =	vst v3;
	v3 =	vadd.f32 v5, v0;
	v4 =	vmul.f32 $5.656854150e+00, v4  }
0x1a4: {  	v6 =	vadd.f32 v62, v0  }
0x1a5: {  	v63 =	vld [tilespmem:s0+$0x6C10];
	[tilespmem:s31+$0xFC00] =	vst v3;
	v4 =	vadd.f32 v4, v0  }
0x1a6: {  	[tilespmem:s31+$0xF400] =	vst v6;
	v3 =	vld [tilespmem:s2+$0x6510]  }
0x1a7: {  	v6 =	vld [tilespmem:s1+$0x6510];
	[tilespmem:s31+$0x10400] =	vst v4  }
0x1a8: {  	v4 =	vld [tilespmem:s3+$0x6510];
	_ =	sdelay $0x1  }
0x1a9: {  	v5 =	vmul.f32 $5.656854150e+00, v63  }
0x1aa: {  	v3 =	vmul.f32 $5.656854150e+00, v3  }
0x1ab: {  	s26 =	rddreg [dreg:$0xf];
	v5 =	vadd.f32 v5, v1;
	v6 =	vmul.f32 $5.656854150e+00, v6  }
0x1ac: {  	s29 =	rddreg [dreg:$0x15];
	v3 =	vadd.f32 v3, v1;
	v4 =	vmul.f32 $5.656854150e+00, v4  }
0x1ad: {  	s28 =	rddreg [dreg:$0x12];
	s0 =	sor.u32 s26, s31;
	s2 =	sor.u32 s29, s31;
	[tilespmem:s31+$0xEC10] =	vst v5;
	v6 =	vadd.f32 v6, v1  }
0x1ae: {  	s30 =	spop (v2sf);
	s1 =	sor.u32 s28, s31;
	s2 =	sor.u32 $0x1780, s2;
	v5 =	vld [tilespmem:s0+$0x6C80];
	[tilespmem:s31+$0xFC10] =	vst v3;
	v4 =	vadd.f32 v4, v1  }
0x1af: {  	s1 =	sor.u32 $0xF80, s1;
	s3 =	sor.u32 s30, s31;
	[tilespmem:s31+$0xF410] =	vst v6;
	v3 =	vld [tilespmem:s2+$0x6500]  }
0x1b0: {  	s3 =	sor.u32 $0x1F80, s3;
	v6 =	vld [tilespmem:s1+$0x6500];
	[tilespmem:s31+$0x10410] =	vst v4  }
0x1b1: {  	v4 =	vld [tilespmem:s3+$0x6500];
	_ =	sdelay $0x1  }
0x1b2: {  	v5 =	vmul.f32 $5.656854150e+00, v5  }
0x1b3: {  	v3 =	vmul.f32 $5.656854150e+00, v3  }
0x1b4: {  	v5 =	vadd.f32 v5, v0;
	v6 =	vmul.f32 $5.656854150e+00, v6  }
0x1b5: {  	v3 =	vadd.f32 v3, v0;
	v4 =	vmul.f32 $5.656854150e+00, v4  }
0x1b6: {  	[tilespmem:s31+$0xEC80] =	vst v5;
	v6 =	vadd.f32 v6, v0  }
0x1b7: {  	v5 =	vld [tilespmem:s0+$0x6C90];
	[tilespmem:s31+$0xFC80] =	vst v3;
	v4 =	vadd.f32 v4, v0  }
0x1b8: {  	[tilespmem:s31+$0xF480] =	vst v6;
	v3 =	vld [tilespmem:s2+$0x6510]  }
0x1b9: {  	v6 =	vld [tilespmem:s1+$0x6510];
	[tilespmem:s31+$0x10480] =	vst v4  }
0x1ba: {  	v4 =	vld [tilespmem:s3+$0x6510];
	_ =	sdelay $0x1  }
0x1bb: {  	v5 =	vmul.f32 $5.656854150e+00, v5  }
0x1bc: {  	v3 =	vmul.f32 $5.656854150e+00, v3  }
0x1bd: {  	p2 =	por p1, p1;
	v5 =	vadd.f32 v5, v1;
	v6 =	vmul.f32 $5.656854150e+00, v6  }
.Ltmp0:
0x1be: {  	v3 =	vadd.f32 v3, v1;
	v4 =	vmul.f32 $5.656854150e+00, v4;
	(pc) =	sbr.rel @p2 .LBB2_3-.Ltmp0, $4  }
0x1bf: {  	[tilespmem:s31+$0xEC90] =	vst v5;
	v6 =	vadd.f32 v6, v1  }
0x1c0: {  	[tilespmem:s31+$0xFC90] =	vst v3;
	v4 =	vadd.f32 v4, v1  }
0x1c1: {  	[tilespmem:s31+$0xF490] =	vst v6  }
0x1c2: {  	p1 =	por $0x0, $0x0;
	[tilespmem:s31+$0x10490] =	vst v4;
	s31 =	simm.s32 $0x4  }
0x1c3: {  	s3 =	rddreg [dreg:$0xa]  }
0x1c4: {  	p1 =	sne.s32 s3, $0x63  }
.Ltmp1:
0x1c5: {  	s1 =	rddreg [dreg:$0x7];
	s0 =	sshll.u32 s3, $0x14;
	(pc) =	sbr.rel @p1 .LBB2_6-.Ltmp1, $4  }
0x1c6: {  	s0 =	sor.u32 s1, s0  }
0x1c7: {  	s30 =	rddreg [dreg:$0x5];
	s0 =	sshrl.u32 s0, $0x3  }
0x1c8: {  	s31 =	simm.s32 $0x0;
	s2 =	simm.s32 $0xE500;
	s0 =	sadd.s32 s30, s0  }
0x1c9: {  	[hbm4b:s0+s31] =	stream.linear.scatter [tilespmem:s2], [sflag:$0x3], $0x4000, $0x38;
	[tilespmem:$0x1C900] =	vst v63  }
.Ltmp2:
0x1ca: {  	(pc) =	sbr.rel .LBB2_7-.Ltmp2, $4  }
0x1cb: {  	s0 =	simm.s32 $0x2  }
0x1cc: {  	_ =	swait.ge [sflag:s0], $0x4000  }
0x1cd: {  	[sflag:s0] =	ssyncset.done $0x0  }
0x1ce: {  	[sflag:s0] =	ssyncadd.s32 $0xFFFFC000  }
.LBB2_6:
0x1cf: {  	s0 =	rddreg [dreg:$0xd]  }
0x1d0: {  	v0 =	vld [tilespmem:s0+$0x100];
	_ =	sdelay $0x4  }
0x1d1: {  	v0 =	vshrl.u32 v0, $0x2  }
0x1d2: {  	[tilespmem:$0x6400] =	vst v0  }
0x1d3: {  	v0 =	vld [tilespmem:s0+$0x110];
	_ =	sdelay $0x4  }
0x1d4: {  	v0 =	vshrl.u32 v0, $0x2  }
0x1d5: {  	[tilespmem:$0x6410] =	vst v0  }
0x1d6: {  	v0 =	vld [tilespmem:s0+$0x120];
	_ =	sdelay $0x4  }
0x1d7: {  	v0 =	vshrl.u32 v0, $0x2  }
0x1d8: {  	[tilespmem:$0x6420] =	vst v0  }
0x1d9: {  	v0 =	vld [tilespmem:s0+$0x130];
	_ =	sdelay $0x4  }
0x1da: {  	v0 =	vshrl.u32 v0, $0x2  }
0x1db: {  	[tilespmem:$0x6430] =	vst v0  }
0x1dc: {  	v0 =	vld [tilespmem:s0+$0x140];
	_ =	sdelay $0x4  }
0x1dd: {  	v0 =	vshrl.u32 v0, $0x2  }
0x1de: {  	[tilespmem:$0x6440] =	vst v0  }
0x1df: {  	v0 =	vld [tilespmem:s0+$0x150];
	_ =	sdelay $0x4  }
0x1e0: {  	v0 =	vshrl.u32 v0, $0x2  }
0x1e1: {  	[tilespmem:$0x6450] =	vst v0  }
0x1e2: {  	v0 =	vld [tilespmem:s0+$0x160];
	_ =	sdelay $0x4  }
0x1e3: {  	v0 =	vshrl.u32 v0, $0x2  }
0x1e4: {  	[tilespmem:$0x6460] =	vst v0  }
0x1e5: {  	v0 =	vld [tilespmem:s0+$0x170];
	_ =	sdelay $0x4  }
0x1e6: {  	s30 =	rddreg [dreg:$0x4];
	s1 =	simm.s32 $0x80;
	s2 =	simm.s32 $0x6400;
	v0 =	vshrl.u32 v0, $0x2  }
.Ltmp3:
0x1e7: {  	s3 =	simm.s32 $0x6500;
	s31 =	simm.s32 $0x2;
	[tilespmem:$0x6470] =	vst v0;
	(pc) =	sbr.rel @p0 .LBB2_8-.Ltmp3, $4  }
0x1e8: {  	[tilespmem:s3], [sflag:$0x1] =	stream.indirect.gather [hbm4b:s30+s1], $0x80, s2, s1, $0xb8;
	[tilespmem:$0x1C900] =	vst v63  }
0x1e9: {  	_ =	swait.ge [sflag:s31], $0x4000  }
0x1ea: {  	[sflag:s31] =	ssyncset.done $0x0  }
0x1eb: {  	[sflag:s31] =	ssyncadd.s32 $0xFFFFC000  }
.LBB2_7:
0x1ec: {  	s0 =	simm.s32 $0x4  }
0x1ed: {  	_ =	swait.ge [sflag:s0], $0x4000  }
0x1ee: {  	[sflag:s0] =	ssyncset.done $0x0  }
0x1ef: {  	[sflag:s0] =	ssyncadd.s32 $0xFFFFC000  }
.LBB2_8:
0x1f0: {  	s0 =	rddreg [dreg:$0xc]  }
0x1f1: {  	v2 =	vmov s0  }
0x1f2: {  	v0 =	vld [tilespmem:s0+$0x16500]  }
0x1f3: {  	s29 =	simm.s32 $0x0;
	p0 =	por $0x1, $0x1;
	v1 =	vld [tilespmem:s0+$0x16510]  }
.LBB2_9:
0x1f4: {  	s3 =	sshll.u32 s29, $0x4  }
0x1f5: {  	s0 =	sand.u32 $0x3FFFFFF0, s3  }
0x1f6: {  	v3 =	vld.idx.msk [tilespmem:v2+s0+$0x0 ss:$0x1], $0xffff;
	_ =	sdelay $0x4  }
0x1f7: {  	v3 =	vshll.u32 v3, $0x5  }
0x1f8: {  	v3 =	vand.u32 $0x60, v3  }
0x1f9: {  	(v2sf) =	vpush v3, $0x0  }
0x1fa: {  	(v2sf) =	vpush v3, $0x1  }
0x1fb: {  	(v2sf) =	vpush v3, $0x2  }
0x1fc: {  	(v2sf) =	vpush v3, $0x3  }
0x1fd: {  	(v2sf) =	vpush v3, $0x4  }
0x1fe: {  	(v2sf) =	vpush v3, $0x5  }
0x1ff: {  	(v2sf) =	vpush v3, $0x6  }
0x200: {  	(v2sf) =	vpush v3, $0x7  }
0x201: {  	s5 =	sor.u32 $0x10, s3;
	(v2sf) =	vpush v3, $0x8  }
0x202: {  	v4 =	vld.idx.msk [tilespmem:v2+s5+$0x0 ss:$0x1], $0xffff;
	(v2sf) =	vpush v3, $0x9  }
0x203: {  	(v2sf) =	vpush v3, $0xA  }
0x204: {  	(v2sf) =	vpush v3, $0xB  }
0x205: {  	(v2sf) =	vpush v3, $0xC  }
0x206: {  	(v2sf) =	vpush v3, $0xD  }
0x207: {  	v4 =	vshll.u32 v4, $0x5;
	(v2sf) =	vpush v3, $0xE  }
0x208: {  	s6 =	spop (v2sf);
	(v2sf) =	vpush v3, $0xF;
	v3 =	vand.u32 $0x60, v4  }
0x209: {  	s10 =	spop (v2sf);
	(v2sf) =	vpush v3, $0x0  }
0x20a: {  	s13 =	spop (v2sf);
	(v2sf) =	vpush v3, $0x1  }
0x20b: {  	s16 =	spop (v2sf);
	(v2sf) =	vpush v3, $0x2  }
0x20c: {  	s19 =	spop (v2sf);
	(v2sf) =	vpush v3, $0x3  }
0x20d: {  	s26 =	spop (v2sf);
	(v2sf) =	vpush v3, $0x4  }
0x20e: {  	s23 =	spop (v2sf);
	(v2sf) =	vpush v3, $0x5  }
0x20f: {  	s30 =	spop (v2sf);
	(v2sf) =	vpush v3, $0x6  }
0x210: {  	s2 =	spop (v2sf);
	(v2sf) =	vpush v3, $0x7  }
0x211: {  	[smem:$0x7E4] =	sst s2;
	s4 =	spop (v2sf);
	(v2sf) =	vpush v3, $0x8;
	s2 =	sor.u32 $0x20, s3  }
0x212: {  	s7 =	spop (v2sf);
	(v2sf) =	vpush v3, $0x9;
	v50 =	vld.idx.msk [tilespmem:v2+s2+$0x0 ss:$0x1], $0xffff  }
0x213: {  	s8 =	spop (v2sf);
	(v2sf) =	vpush v3, $0xA  }
0x214: {  	s9 =	spop (v2sf);
	(v2sf) =	vpush v3, $0xB  }
0x215: {  	s11 =	spop (v2sf);
	(v2sf) =	vpush v3, $0xC  }
0x216: {  	s12 =	spop (v2sf);
	(v2sf) =	vpush v3, $0xD  }
0x217: {  	s14 =	spop (v2sf);
	(v2sf) =	vpush v3, $0xE;
	v4 =	vshll.u32 v50, $0x5  }
0x218: {  	[smem:$0x7E5] =	sst s4;
	s4 =	spop (v2sf);
	(v2sf) =	vpush v3, $0xF;
	v3 =	vand.u32 $0x60, v4  }
0x219: {  	[smem:$0x7EB] =	sst s8;
	s8 =	spop (v2sf);
	(v2sf) =	vpush v3, $0x0  }
0x21a: {  	[dreg:$0x17] =	wrdreg s11;
	s11 =	spop (v2sf);
	(v2sf) =	vpush v3, $0x1  }
0x21b: {  	[dreg:$0xe] =	wrdreg s14;
	s14 =	spop (v2sf);
	(v2sf) =	vpush v3, $0x2  }
0x21c: {  	s17 =	spop (v2sf);
	(v2sf) =	vpush v3, $0x3  }
0x21d: {  	s20 =	spop (v2sf);
	(v2sf) =	vpush v3, $0x4  }
0x21e: {  	(v2sf) =	vpush v3, $0x5;
	s25 =	spop (v2sf)  }
0x21f: {  	(v2sf) =	vpush v3, $0x6;
	s24 =	spop (v2sf)  }
0x220: {  	(v2sf) =	vpush v3, $0x7;
	s31 =	spop (v2sf)  }
0x221: {  	s0 =	sor.u32 $0x30, s3;
	(v2sf) =	vpush v3, $0x8;
	s1 =	spop (v2sf)  }
0x222: {  	v51 =	vld.idx.msk [tilespmem:v2+s0+$0x0 ss:$0x1], $0xffff;
	(v2sf) =	vpush v3, $0x9;
	s15 =	spop (v2sf)  }
0x223: {  	(v2sf) =	vpush v3, $0xA;
	s18 =	spop (v2sf)  }
0x224: {  	(v2sf) =	vpush v3, $0xB;
	s21 =	spop (v2sf)  }
0x225: {  	(v2sf) =	vpush v3, $0xC;
	s22 =	spop (v2sf)  }
0x226: {  	(v2sf) =	vpush v3, $0xD;
	s28 =	spop (v2sf)  }
0x227: {  	v4 =	vshll.u32 v51, $0x5;
	(v2sf) =	vpush v3, $0xE;
	s3 =	spop (v2sf)  }
0x228: {  	[smem:$0x7E6] =	sst s1;
	(v2sf) =	vpush v3, $0xF;
	v3 =	vand.u32 $0x60, v4;
	s1 =	spop (v2sf)  }
0x229: {  	[smem:$0x7E8] =	sst s7;
	(v2sf) =	vpush v3, $0x0;
	s7 =	spop (v2sf)  }
0x22a: {  	[dreg:$0x1d] =	wrdreg s9;
	s9 =	spop (v2sf)  }
0x22b: {  	[dreg:$0x11] =	wrdreg s12;
	s12 =	spop (v2sf)  }
0x22c: {  	[smem:$0x7E9] =	sst s15;
	s15 =	spop (v2sf)  }
0x22d: {  	[smem:$0x7EC] =	sst s18;
	s18 =	spop (v2sf)  }
0x22e: {  	[smem:$0x7EE] =	sst s21;
	s21 =	spop (v2sf)  }
0x22f: {  	[dreg:$0x1c] =	wrdreg s22;
	s22 =	spop (v2sf)  }
0x230: {  	s29 =	sshll.u32 s29, $0xB;
	[dreg:$0x16] =	wrdreg s28;
	s28 =	spop (v2sf)  }
0x231: {  	s5 =	sshll.u32 s5, $0x7;
	[dreg:$0x10] =	wrdreg s3;
	s3 =	spop (v2sf)  }
0x232: {  	s6 =	sor.u32 s6, s29;
	[smem:$0x7E7] =	sst s3;
	s3 =	spop (v2sf)  }
0x233: {  	s6 =	sor.u32 $0x4000, s6;
	[smem:$0x7EA] =	sst s3;
	s3 =	spop (v2sf)  }
0x234: {  	s2 =	sshll.u32 s2, $0x7;
	[smem:$0x7ED] =	sst s3;
	s3 =	spop (v2sf)  }
0x235: {  	s4 =	sor.u32 s4, s5;
	[smem:$0x7EF] =	sst s3;
	s3 =	spop (v2sf)  }
0x236: {  	s1 =	sor.u32 s1, s2;
	[smem:$0x7F0] =	sst s3;
	s3 =	spop (v2sf)  }
0x237: {  	v52 =	vld [tilespmem:s6+$0x6500];
	s1 =	sor.u32 $0x4000, s1;
	[dreg:$0x1a] =	wrdreg s3;
	s3 =	spop (v2sf)  }
0x238: {  	[dreg:$0x14] =	wrdreg s3;
	s3 =	sshll.u32 s0, $0x7;
	s0 =	spop (v2sf)  }
0x239: {  	s4 =	sor.u32 $0x4000, s4;
	v6 =	vld [tilespmem:s1+$0x6500];
	s0 =	sor.u32 s0, s3  }
0x23a: {  	v5 =	vld [tilespmem:s4+$0x6500];
	s0 =	sor.u32 $0x4000, s0  }
0x23b: {  	v7 =	vld [tilespmem:s0+$0x6500]  }
0x23c: {  	v4 =	vmul.f32 $5.656854150e+00, v52  }
0x23d: {  	(v2sf) =	vpush v3, $0x1  }
0x23e: {  	v4 =	vadd.f32 v4, v0;
	v6 =	vmul.f32 $5.656854150e+00, v6  }
0x23f: {  	v5 =	vmul.f32 $5.656854150e+00, v5  }
0x240: {  	[tilespmem:s29+$0x12500] =	vst v4;
	v53 =	vadd.f32 v6, v0;
	v7 =	vmul.f32 $5.656854150e+00, v7  }
0x241: {  	v5 =	vadd.f32 v5, v0;
	v54 =	vld [tilespmem:s6+$0x6510]  }
0x242: {  	[tilespmem:s2+$0x12500] =	vst v53;
	v55 =	vadd.f32 v7, v0  }
0x243: {  	[tilespmem:s5+$0x12500] =	vst v5;
	v4 =	vld [tilespmem:s1+$0x6510]  }
0x244: {  	v56 =	vld [tilespmem:s4+$0x6510];
	[tilespmem:s3+$0x12500] =	vst v55  }
0x245: {  	v5 =	vld [tilespmem:s0+$0x6510]  }
0x246: {  	v6 =	vmul.f32 $5.656854150e+00, v54;
	_ =	sdelay $0x1  }
0x247: {  	v6 =	vadd.f32 v6, v1;
	v4 =	vmul.f32 $5.656854150e+00, v4  }
0x248: {  	s4 =	sor.u32 s10, s29;
	v7 =	vmul.f32 $5.656854150e+00, v56  }
0x249: {  	[tilespmem:s29+$0x12510] =	vst v6;
	v4 =	vadd.f32 v4, v1;
	s0 =	sor.u32 $0x4080, s4;
	v5 =	vmul.f32 $5.656854150e+00, v5  }
0x24a: {  	s7 =	sor.u32 s7, s29;
	v7 =	vadd.f32 v7, v1;
	v6 =	vld [tilespmem:s0+$0x6500]  }
0x24b: {  	s10 =	sor.u32 $0x5080, s7;
	s6 =	sor.u32 s8, s29;
	[tilespmem:s2+$0x12510] =	vst v4;
	s8 =	spop (v2sf);
	v5 =	vadd.f32 v5, v1  }
0x24c: {  	s1 =	sor.u32 $0x4880, s6;
	v58 =	vld [tilespmem:s10+$0x6500];
	[tilespmem:s5+$0x12510] =	vst v7;
	s6 =	sor.u32 s8, s29  }
0x24d: {  	v57 =	vld [tilespmem:s1+$0x6500];
	s7 =	sor.u32 $0x5880, s6;
	[tilespmem:s3+$0x12510] =	vst v5  }
0x24e: {  	v59 =	vld [tilespmem:s7+$0x6500]  }
0x24f: {  	v6 =	vmul.f32 $5.656854150e+00, v6  }
0x250: {  	(v2sf) =	vpush v3, $0x2  }
0x251: {  	v6 =	vadd.f32 v6, v0;
	v5 =	vmul.f32 $5.656854150e+00, v58  }
0x252: {  	v4 =	vmul.f32 $5.656854150e+00, v57  }
0x253: {  	[tilespmem:s29+$0x12580] =	vst v6;
	v5 =	vadd.f32 v5, v0;
	v7 =	vmul.f32 $5.656854150e+00, v59  }
0x254: {  	v4 =	vadd.f32 v4, v0;
	v6 =	vld [tilespmem:s0+$0x6510]  }
0x255: {  	[tilespmem:s29+$0x13580] =	vst v5;
	v60 =	vadd.f32 v7, v0  }
0x256: {  	[tilespmem:s29+$0x12D80] =	vst v4;
	v5 =	vld [tilespmem:s10+$0x6510]  }
0x257: {  	v61 =	vld [tilespmem:s1+$0x6510];
	[tilespmem:s29+$0x13D80] =	vst v60  }
0x258: {  	v4 =	vld [tilespmem:s7+$0x6510]  }
0x259: {  	v6 =	vmul.f32 $5.656854150e+00, v6;
	_ =	sdelay $0x1  }
0x25a: {  	v6 =	vadd.f32 v6, v1;
	v5 =	vmul.f32 $5.656854150e+00, v5  }
0x25b: {  	s8 =	sor.u32 s13, s29;
	v7 =	vmul.f32 $5.656854150e+00, v61  }
0x25c: {  	s0 =	sor.u32 $0x4100, s8;
	[tilespmem:s29+$0x12590] =	vst v6;
	v5 =	vadd.f32 v5, v1;
	v4 =	vmul.f32 $5.656854150e+00, v4  }
0x25d: {  	s10 =	sor.u32 s11, s29;
	s11 =	sor.u32 s9, s29;
	v7 =	vadd.f32 v7, v1;
	v6 =	vld [tilespmem:s0+$0x6500]  }
0x25e: {  	s13 =	spop (v2sf);
	s2 =	sor.u32 $0x5100, s11;
	[tilespmem:s29+$0x13590] =	vst v5;
	v4 =	vadd.f32 v4, v1  }
0x25f: {  	s1 =	sor.u32 $0x4900, s10;
	s3 =	sor.u32 s13, s29;
	[tilespmem:s29+$0x12D90] =	vst v7;
	v5 =	vld [tilespmem:s2+$0x6500]  }
0x260: {  	s3 =	sor.u32 $0x5900, s3;
	v7 =	vld [tilespmem:s1+$0x6500];
	[tilespmem:s29+$0x13D90] =	vst v4  }
0x261: {  	v4 =	vld [tilespmem:s3+$0x6500]  }
0x262: {  	v6 =	vmul.f32 $5.656854150e+00, v6  }
0x263: {  	(v2sf) =	vpush v3, $0x3  }
0x264: {  	v6 =	vadd.f32 v6, v0;
	v5 =	vmul.f32 $5.656854150e+00, v5  }
0x265: {  	v7 =	vmul.f32 $5.656854150e+00, v7  }
0x266: {  	[tilespmem:s29+$0x12600] =	vst v6;
	v5 =	vadd.f32 v5, v0;
	v4 =	vmul.f32 $5.656854150e+00, v4  }
0x267: {  	v7 =	vadd.f32 v7, v0;
	v6 =	vld [tilespmem:s0+$0x6510]  }
0x268: {  	[tilespmem:s29+$0x13600] =	vst v5;
	v4 =	vadd.f32 v4, v0  }
0x269: {  	[tilespmem:s29+$0x12E00] =	vst v7;
	v5 =	vld [tilespmem:s2+$0x6510]  }
0x26a: {  	v7 =	vld [tilespmem:s1+$0x6510];
	[tilespmem:s29+$0x13E00] =	vst v4  }
0x26b: {  	v4 =	vld [tilespmem:s3+$0x6510]  }
0x26c: {  	v6 =	vmul.f32 $5.656854150e+00, v6;
	_ =	sdelay $0x1  }
0x26d: {  	v6 =	vadd.f32 v6, v1;
	v5 =	vmul.f32 $5.656854150e+00, v5  }
0x26e: {  	s4 =	sor.u32 s16, s29;
	v7 =	vmul.f32 $5.656854150e+00, v7  }
0x26f: {  	s0 =	sor.u32 $0x4180, s4;
	[tilespmem:s29+$0x12610] =	vst v6;
	v5 =	vadd.f32 v5, v1;
	v4 =	vmul.f32 $5.656854150e+00, v4  }
0x270: {  	s6 =	sor.u32 s12, s29;
	v7 =	vadd.f32 v7, v1;
	v6 =	vld [tilespmem:s0+$0x6500]  }
0x271: {  	s5 =	sor.u32 s14, s29;
	s7 =	spop (v2sf);
	s2 =	sor.u32 $0x5180, s6;
	[tilespmem:s29+$0x13610] =	vst v5;
	v4 =	vadd.f32 v4, v1  }
0x272: {  	s1 =	sor.u32 $0x4980, s5;
	s3 =	sor.u32 s7, s29;
	[tilespmem:s29+$0x12E10] =	vst v7;
	v5 =	vld [tilespmem:s2+$0x6500]  }
0x273: {  	s3 =	sor.u32 $0x5980, s3;
	v7 =	vld [tilespmem:s1+$0x6500];
	[tilespmem:s29+$0x13E10] =	vst v4  }
0x274: {  	v4 =	vld [tilespmem:s3+$0x6500]  }
0x275: {  	v6 =	vmul.f32 $5.656854150e+00, v6  }
0x276: {  	(v2sf) =	vpush v3, $0x4  }
0x277: {  	v6 =	vadd.f32 v6, v0;
	v5 =	vmul.f32 $5.656854150e+00, v5  }
0x278: {  	v7 =	vmul.f32 $5.656854150e+00, v7  }
0x279: {  	[tilespmem:s29+$0x12680] =	vst v6;
	v5 =	vadd.f32 v5, v0;
	v4 =	vmul.f32 $5.656854150e+00, v4  }
0x27a: {  	v7 =	vadd.f32 v7, v0;
	v6 =	vld [tilespmem:s0+$0x6510]  }
0x27b: {  	[tilespmem:s29+$0x13680] =	vst v5;
	v4 =	vadd.f32 v4, v0  }
0x27c: {  	[tilespmem:s29+$0x12E80] =	vst v7;
	v5 =	vld [tilespmem:s2+$0x6510]  }
0x27d: {  	v7 =	vld [tilespmem:s1+$0x6510];
	[tilespmem:s29+$0x13E80] =	vst v4  }
0x27e: {  	v4 =	vld [tilespmem:s3+$0x6510]  }
0x27f: {  	v6 =	vmul.f32 $5.656854150e+00, v6;
	_ =	sdelay $0x1  }
0x280: {  	v6 =	vadd.f32 v6, v1;
	v5 =	vmul.f32 $5.656854150e+00, v5  }
0x281: {  	s8 =	sor.u32 s19, s29;
	v7 =	vmul.f32 $5.656854150e+00, v7  }
0x282: {  	s0 =	sor.u32 $0x4200, s8;
	[tilespmem:s29+$0x12690] =	vst v6;
	v5 =	vadd.f32 v5, v1;
	v4 =	vmul.f32 $5.656854150e+00, v4  }
0x283: {  	s10 =	sor.u32 s15, s29;
	v7 =	vadd.f32 v7, v1;
	v6 =	vld [tilespmem:s0+$0x6500]  }
0x284: {  	s9 =	sor.u32 s17, s29;
	s11 =	spop (v2sf);
	s2 =	sor.u32 $0x5200, s10;
	[tilespmem:s29+$0x13690] =	vst v5;
	v4 =	vadd.f32 v4, v1  }
0x285: {  	s1 =	sor.u32 $0x4A00, s9;
	s3 =	sor.u32 s11, s29;
	[tilespmem:s29+$0x12E90] =	vst v7;
	v5 =	vld [tilespmem:s2+$0x6500]  }
0x286: {  	s3 =	sor.u32 $0x5A00, s3;
	v7 =	vld [tilespmem:s1+$0x6500];
	[tilespmem:s29+$0x13E90] =	vst v4  }
0x287: {  	v4 =	vld [tilespmem:s3+$0x6500]  }
0x288: {  	v6 =	vmul.f32 $5.656854150e+00, v6  }
0x289: {  	(v2sf) =	vpush v3, $0x5  }
0x28a: {  	v6 =	vadd.f32 v6, v0;
	v5 =	vmul.f32 $5.656854150e+00, v5  }
0x28b: {  	v7 =	vmul.f32 $5.656854150e+00, v7  }
0x28c: {  	[tilespmem:s29+$0x12700] =	vst v6;
	v5 =	vadd.f32 v5, v0;
	v4 =	vmul.f32 $5.656854150e+00, v4  }
0x28d: {  	v7 =	vadd.f32 v7, v0;
	v6 =	vld [tilespmem:s0+$0x6510]  }
0x28e: {  	[tilespmem:s29+$0x13700] =	vst v5;
	v4 =	vadd.f32 v4, v0  }
0x28f: {  	[tilespmem:s29+$0x12F00] =	vst v7;
	v5 =	vld [tilespmem:s2+$0x6510]  }
0x290: {  	v7 =	vld [tilespmem:s1+$0x6510];
	[tilespmem:s29+$0x13F00] =	vst v4  }
0x291: {  	v4 =	vld [tilespmem:s3+$0x6510]  }
0x292: {  	v6 =	vmul.f32 $5.656854150e+00, v6;
	_ =	sdelay $0x1  }
0x293: {  	v6 =	vadd.f32 v6, v1;
	v5 =	vmul.f32 $5.656854150e+00, v5  }
0x294: {  	s12 =	sor.u32 s26, s29;
	v7 =	vmul.f32 $5.656854150e+00, v7  }
0x295: {  	s0 =	sor.u32 $0x4280, s12;
	[tilespmem:s29+$0x12710] =	vst v6;
	v5 =	vadd.f32 v5, v1;
	v4 =	vmul.f32 $5.656854150e+00, v4  }
0x296: {  	s14 =	sor.u32 s18, s29;
	v7 =	vadd.f32 v7, v1;
	v6 =	vld [tilespmem:s0+$0x6500]  }
0x297: {  	s13 =	sor.u32 s20, s29;
	s15 =	spop (v2sf);
	s2 =	sor.u32 $0x5280, s14;
	[tilespmem:s29+$0x13710] =	vst v5;
	v4 =	vadd.f32 v4, v1  }
0x298: {  	s1 =	sor.u32 $0x4A80, s13;
	s3 =	sor.u32 s15, s29;
	[tilespmem:s29+$0x12F10] =	vst v7;
	v5 =	vld [tilespmem:s2+$0x6500]  }
0x299: {  	s3 =	sor.u32 $0x5A80, s3;
	v7 =	vld [tilespmem:s1+$0x6500];
	[tilespmem:s29+$0x13F10] =	vst v4  }
0x29a: {  	v4 =	vld [tilespmem:s3+$0x6500]  }
0x29b: {  	v6 =	vmul.f32 $5.656854150e+00, v6  }
0x29c: {  	(v2sf) =	vpush v3, $0x6  }
0x29d: {  	v6 =	vadd.f32 v6, v0;
	v5 =	vmul.f32 $5.656854150e+00, v5  }
0x29e: {  	v7 =	vmul.f32 $5.656854150e+00, v7  }
0x29f: {  	[tilespmem:s29+$0x12780] =	vst v6;
	v5 =	vadd.f32 v5, v0;
	v4 =	vmul.f32 $5.656854150e+00, v4  }
0x2a0: {  	v7 =	vadd.f32 v7, v0;
	v6 =	vld [tilespmem:s0+$0x6510]  }
0x2a1: {  	[tilespmem:s29+$0x13780] =	vst v5;
	v4 =	vadd.f32 v4, v0  }
0x2a2: {  	[tilespmem:s29+$0x12F80] =	vst v7;
	v5 =	vld [tilespmem:s2+$0x6510]  }
0x2a3: {  	v7 =	vld [tilespmem:s1+$0x6510];
	[tilespmem:s29+$0x13F80] =	vst v4  }
0x2a4: {  	v4 =	vld [tilespmem:s3+$0x6510]  }
0x2a5: {  	v6 =	vmul.f32 $5.656854150e+00, v6;
	_ =	sdelay $0x1  }
0x2a6: {  	v6 =	vadd.f32 v6, v1;
	v5 =	vmul.f32 $5.656854150e+00, v5  }
0x2a7: {  	s16 =	sor.u32 s23, s29;
	v7 =	vmul.f32 $5.656854150e+00, v7  }
0x2a8: {  	s0 =	sor.u32 $0x4300, s16;
	[tilespmem:s29+$0x12790] =	vst v6;
	v5 =	vadd.f32 v5, v1;
	v4 =	vmul.f32 $5.656854150e+00, v4  }
0x2a9: {  	s18 =	sor.u32 s21, s29;
	v7 =	vadd.f32 v7, v1;
	v6 =	vld [tilespmem:s0+$0x6500]  }
0x2aa: {  	s17 =	sor.u32 s25, s29;
	s19 =	spop (v2sf);
	s2 =	sor.u32 $0x5300, s18;
	[tilespmem:s29+$0x13790] =	vst v5;
	v4 =	vadd.f32 v4, v1  }
0x2ab: {  	s1 =	sor.u32 $0x4B00, s17;
	s3 =	sor.u32 s19, s29;
	[tilespmem:s29+$0x12F90] =	vst v7;
	v5 =	vld [tilespmem:s2+$0x6500]  }
0x2ac: {  	s3 =	sor.u32 $0x5B00, s3;
	v7 =	vld [tilespmem:s1+$0x6500];
	[tilespmem:s29+$0x13F90] =	vst v4  }
0x2ad: {  	v4 =	vld [tilespmem:s3+$0x6500]  }
0x2ae: {  	v6 =	vmul.f32 $5.656854150e+00, v6  }
0x2af: {  	(v2sf) =	vpush v3, $0x7  }
0x2b0: {  	v6 =	vadd.f32 v6, v0;
	v5 =	vmul.f32 $5.656854150e+00, v5  }
0x2b1: {  	v7 =	vmul.f32 $5.656854150e+00, v7  }
0x2b2: {  	[tilespmem:s29+$0x12800] =	vst v6;
	v5 =	vadd.f32 v5, v0;
	v4 =	vmul.f32 $5.656854150e+00, v4  }
0x2b3: {  	v7 =	vadd.f32 v7, v0;
	v6 =	vld [tilespmem:s0+$0x6510]  }
0x2b4: {  	[tilespmem:s29+$0x13800] =	vst v5;
	v4 =	vadd.f32 v4, v0  }
0x2b5: {  	[tilespmem:s29+$0x13000] =	vst v7;
	v5 =	vld [tilespmem:s2+$0x6510]  }
0x2b6: {  	v7 =	vld [tilespmem:s1+$0x6510];
	[tilespmem:s29+$0x14000] =	vst v4  }
0x2b7: {  	v4 =	vld [tilespmem:s3+$0x6510]  }
0x2b8: {  	v6 =	vmul.f32 $5.656854150e+00, v6;
	_ =	sdelay $0x1  }
0x2b9: {  	v6 =	vadd.f32 v6, v1;
	v5 =	vmul.f32 $5.656854150e+00, v5  }
0x2ba: {  	s20 =	sor.u32 s30, s29;
	v7 =	vmul.f32 $5.656854150e+00, v7  }
0x2bb: {  	s0 =	sor.u32 $0x4380, s20;
	[tilespmem:s29+$0x12810] =	vst v6;
	v5 =	vadd.f32 v5, v1;
	v4 =	vmul.f32 $5.656854150e+00, v4  }
0x2bc: {  	s23 =	sor.u32 s22, s29;
	v7 =	vadd.f32 v7, v1;
	v6 =	vld [tilespmem:s0+$0x6500]  }
0x2bd: {  	s21 =	sor.u32 s24, s29;
	s24 =	spop (v2sf);
	s2 =	sor.u32 $0x5380, s23;
	[tilespmem:s29+$0x13810] =	vst v5;
	v4 =	vadd.f32 v4, v1  }
0x2be: {  	s1 =	sor.u32 $0x4B80, s21;
	s3 =	sor.u32 s24, s29;
	[tilespmem:s29+$0x13010] =	vst v7;
	v5 =	vld [tilespmem:s2+$0x6500]  }
0x2bf: {  	s3 =	sor.u32 $0x5B80, s3;
	v7 =	vld [tilespmem:s1+$0x6500];
	[tilespmem:s29+$0x14010] =	vst v4  }
0x2c0: {  	v4 =	vld [tilespmem:s3+$0x6500]  }
0x2c1: {  	v6 =	vmul.f32 $5.656854150e+00, v6  }
0x2c2: {  	(v2sf) =	vpush v3, $0x8  }
0x2c3: {  	v6 =	vadd.f32 v6, v0;
	v5 =	vmul.f32 $5.656854150e+00, v5  }
0x2c4: {  	v7 =	vmul.f32 $5.656854150e+00, v7  }
0x2c5: {  	[tilespmem:s29+$0x12880] =	vst v6;
	v5 =	vadd.f32 v5, v0;
	v4 =	vmul.f32 $5.656854150e+00, v4  }
0x2c6: {  	v7 =	vadd.f32 v7, v0;
	v6 =	vld [tilespmem:s0+$0x6510]  }
0x2c7: {  	[tilespmem:s29+$0x13880] =	vst v5;
	v4 =	vadd.f32 v4, v0  }
0x2c8: {  	[tilespmem:s29+$0x13080] =	vst v7;
	v5 =	vld [tilespmem:s2+$0x6510]  }
0x2c9: {  	v7 =	vld [tilespmem:s1+$0x6510];
	[tilespmem:s29+$0x14080] =	vst v4  }
0x2ca: {  	v4 =	vld [tilespmem:s3+$0x6510]  }
0x2cb: {  	s25 =	sld [smem:$0x7E4];
	v6 =	vmul.f32 $5.656854150e+00, v6;
	_ =	sdelay $0x1  }
0x2cc: {  	v6 =	vadd.f32 v6, v1;
	v5 =	vmul.f32 $5.656854150e+00, v5  }
0x2cd: {  	s0 =	sor.u32 s25, s29;
	v7 =	vmul.f32 $5.656854150e+00, v7  }
0x2ce: {  	s0 =	sor.u32 $0x4400, s0;
	[tilespmem:s29+$0x12890] =	vst v6;
	v5 =	vadd.f32 v5, v1;
	v4 =	vmul.f32 $5.656854150e+00, v4  }
0x2cf: {  	s30 =	sor.u32 s28, s29;
	v7 =	vadd.f32 v7, v1;
	v6 =	vld [tilespmem:s0+$0x6500]  }
0x2d0: {  	s26 =	sor.u32 s31, s29;
	s31 =	spop (v2sf);
	s2 =	sor.u32 $0x5400, s30;
	[tilespmem:s29+$0x13890] =	vst v5;
	v4 =	vadd.f32 v4, v1  }
0x2d1: {  	s1 =	sor.u32 $0x4C00, s26;
	s3 =	sor.u32 s31, s29;
	[tilespmem:s29+$0x13090] =	vst v7;
	v5 =	vld [tilespmem:s2+$0x6500]  }
0x2d2: {  	s3 =	sor.u32 $0x5C00, s3;
	v7 =	vld [tilespmem:s1+$0x6500];
	[tilespmem:s29+$0x14090] =	vst v4  }
0x2d3: {  	v4 =	vld [tilespmem:s3+$0x6500]  }
0x2d4: {  	v6 =	vmul.f32 $5.656854150e+00, v6  }
0x2d5: {  	(v2sf) =	vpush v3, $0x9  }
0x2d6: {  	v6 =	vadd.f32 v6, v0;
	v5 =	vmul.f32 $5.656854150e+00, v5  }
0x2d7: {  	v7 =	vmul.f32 $5.656854150e+00, v7  }
0x2d8: {  	[tilespmem:s29+$0x12900] =	vst v6;
	v5 =	vadd.f32 v5, v0;
	v4 =	vmul.f32 $5.656854150e+00, v4  }
0x2d9: {  	v7 =	vadd.f32 v7, v0;
	v6 =	vld [tilespmem:s0+$0x6510]  }
0x2da: {  	[tilespmem:s29+$0x13900] =	vst v5;
	v4 =	vadd.f32 v4, v0  }
0x2db: {  	[tilespmem:s29+$0x13100] =	vst v7;
	v5 =	vld [tilespmem:s2+$0x6510]  }
0x2dc: {  	v7 =	vld [tilespmem:s1+$0x6510];
	[tilespmem:s29+$0x14100] =	vst v4  }
0x2dd: {  	v4 =	vld [tilespmem:s3+$0x6510]  }
0x2de: {  	s2 =	sld [smem:$0x7E5];
	v6 =	vmul.f32 $5.656854150e+00, v6;
	_ =	sdelay $0x1  }
0x2df: {  	s4 =	sld [smem:$0x7E7];
	v6 =	vadd.f32 v6, v1;
	v5 =	vmul.f32 $5.656854150e+00, v5  }
0x2e0: {  	v7 =	vmul.f32 $5.656854150e+00, v7;
	s0 =	sor.u32 s2, s29;
	s3 =	sld [smem:$0x7E6]  }
0x2e1: {  	s0 =	sor.u32 $0x4480, s0;
	[tilespmem:s29+$0x12910] =	vst v6;
	v5 =	vadd.f32 v5, v1;
	v4 =	vmul.f32 $5.656854150e+00, v4  }
0x2e2: {  	s2 =	sor.u32 s4, s29;
	v7 =	vadd.f32 v7, v1;
	v6 =	vld [tilespmem:s0+$0x6500]  }
0x2e3: {  	s5 =	spop (v2sf);
	s2 =	sor.u32 $0x5480, s2;
	s1 =	sor.u32 s3, s29;
	[tilespmem:s29+$0x13910] =	vst v5;
	v4 =	vadd.f32 v4, v1  }
0x2e4: {  	[tilespmem:s29+$0x13110] =	vst v7;
	s3 =	sor.u32 s5, s29;
	s1 =	sor.u32 $0x4C80, s1;
	v5 =	vld [tilespmem:s2+$0x6500]  }
0x2e5: {  	s3 =	sor.u32 $0x5C80, s3;
	v7 =	vld [tilespmem:s1+$0x6500];
	[tilespmem:s29+$0x14110] =	vst v4  }
0x2e6: {  	v4 =	vld [tilespmem:s3+$0x6500]  }
0x2e7: {  	v6 =	vmul.f32 $5.656854150e+00, v6  }
0x2e8: {  	(v2sf) =	vpush v3, $0xA  }
0x2e9: {  	v6 =	vadd.f32 v6, v0;
	v5 =	vmul.f32 $5.656854150e+00, v5  }
0x2ea: {  	v7 =	vmul.f32 $5.656854150e+00, v7  }
0x2eb: {  	[tilespmem:s29+$0x12980] =	vst v6;
	v5 =	vadd.f32 v5, v0;
	v4 =	vmul.f32 $5.656854150e+00, v4  }
0x2ec: {  	v6 =	vld [tilespmem:s0+$0x6510];
	v7 =	vadd.f32 v7, v0  }
0x2ed: {  	[tilespmem:s29+$0x13980] =	vst v5;
	v4 =	vadd.f32 v4, v0  }
0x2ee: {  	[tilespmem:s29+$0x13180] =	vst v7;
	v5 =	vld [tilespmem:s2+$0x6510]  }
0x2ef: {  	v7 =	vld [tilespmem:s1+$0x6510];
	[tilespmem:s29+$0x14180] =	vst v4  }
0x2f0: {  	v4 =	vld [tilespmem:s3+$0x6510]  }
0x2f1: {  	s6 =	sld [smem:$0x7E8];
	v6 =	vmul.f32 $5.656854150e+00, v6;
	_ =	sdelay $0x1  }
0x2f2: {  	s8 =	sld [smem:$0x7EA];
	v6 =	vadd.f32 v6, v1;
	v5 =	vmul.f32 $5.656854150e+00, v5  }
0x2f3: {  	s7 =	sld [smem:$0x7E9];
	s0 =	sor.u32 s6, s29;
	v7 =	vmul.f32 $5.656854150e+00, v7  }
0x2f4: {  	s0 =	sor.u32 $0x4500, s0;
	[tilespmem:s29+$0x12990] =	vst v6;
	v5 =	vadd.f32 v5, v1;
	v4 =	vmul.f32 $5.656854150e+00, v4  }
0x2f5: {  	s2 =	sor.u32 s8, s29;
	v6 =	vld [tilespmem:s0+$0x6500];
	v7 =	vadd.f32 v7, v1  }
0x2f6: {  	s9 =	spop (v2sf);
	s1 =	sor.u32 s7, s29;
	s2 =	sor.u32 $0x5500, s2;
	[tilespmem:s29+$0x13990] =	vst v5;
	v4 =	vadd.f32 v4, v1  }
0x2f7: {  	s1 =	sor.u32 $0x4D00, s1;
	s3 =	sor.u32 s9, s29;
	[tilespmem:s29+$0x13190] =	vst v7;
	v5 =	vld [tilespmem:s2+$0x6500]  }
0x2f8: {  	s3 =	sor.u32 $0x5D00, s3;
	v7 =	vld [tilespmem:s1+$0x6500];
	[tilespmem:s29+$0x14190] =	vst v4  }
0x2f9: {  	v4 =	vld [tilespmem:s3+$0x6500]  }
0x2fa: {  	v6 =	vmul.f32 $5.656854150e+00, v6  }
0x2fb: {  	(v2sf) =	vpush v3, $0xB  }
0x2fc: {  	v6 =	vadd.f32 v6, v0;
	v5 =	vmul.f32 $5.656854150e+00, v5  }
0x2fd: {  	v7 =	vmul.f32 $5.656854150e+00, v7  }
0x2fe: {  	[tilespmem:s29+$0x12A00] =	vst v6;
	v5 =	vadd.f32 v5, v0;
	v4 =	vmul.f32 $5.656854150e+00, v4  }
0x2ff: {  	v6 =	vld [tilespmem:s0+$0x6510];
	v7 =	vadd.f32 v7, v0  }
0x300: {  	[tilespmem:s29+$0x13A00] =	vst v5;
	v4 =	vadd.f32 v4, v0  }
0x301: {  	[tilespmem:s29+$0x13200] =	vst v7;
	v5 =	vld [tilespmem:s2+$0x6510]  }
0x302: {  	v7 =	vld [tilespmem:s1+$0x6510];
	[tilespmem:s29+$0x14200] =	vst v4  }
0x303: {  	v4 =	vld [tilespmem:s3+$0x6510]  }
0x304: {  	s10 =	sld [smem:$0x7EB];
	v6 =	vmul.f32 $5.656854150e+00, v6;
	_ =	sdelay $0x1  }
0x305: {  	s12 =	sld [smem:$0x7ED];
	v6 =	vadd.f32 v6, v1;
	v5 =	vmul.f32 $5.656854150e+00, v5  }
0x306: {  	s11 =	sld [smem:$0x7EC];
	s0 =	sor.u32 s10, s29;
	v7 =	vmul.f32 $5.656854150e+00, v7  }
0x307: {  	s0 =	sor.u32 $0x4580, s0;
	[tilespmem:s29+$0x12A10] =	vst v6;
	v5 =	vadd.f32 v5, v1;
	v4 =	vmul.f32 $5.656854150e+00, v4  }
0x308: {  	s2 =	sor.u32 s12, s29;
	v6 =	vld [tilespmem:s0+$0x6500];
	v7 =	vadd.f32 v7, v1  }
0x309: {  	s13 =	spop (v2sf);
	s1 =	sor.u32 s11, s29;
	s2 =	sor.u32 $0x5580, s2;
	[tilespmem:s29+$0x13A10] =	vst v5;
	v4 =	vadd.f32 v4, v1  }
0x30a: {  	s1 =	sor.u32 $0x4D80, s1;
	s3 =	sor.u32 s13, s29;
	[tilespmem:s29+$0x13210] =	vst v7;
	v5 =	vld [tilespmem:s2+$0x6500]  }
0x30b: {  	s3 =	sor.u32 $0x5D80, s3;
	v7 =	vld [tilespmem:s1+$0x6500];
	[tilespmem:s29+$0x14210] =	vst v4  }
0x30c: {  	v4 =	vld [tilespmem:s3+$0x6500]  }
0x30d: {  	v6 =	vmul.f32 $5.656854150e+00, v6  }
0x30e: {  	(v2sf) =	vpush v3, $0xC  }
0x30f: {  	v6 =	vadd.f32 v6, v0;
	v5 =	vmul.f32 $5.656854150e+00, v5  }
0x310: {  	v7 =	vmul.f32 $5.656854150e+00, v7  }
0x311: {  	[tilespmem:s29+$0x12A80] =	vst v6;
	v5 =	vadd.f32 v5, v0;
	v4 =	vmul.f32 $5.656854150e+00, v4  }
0x312: {  	v6 =	vld [tilespmem:s0+$0x6510];
	v7 =	vadd.f32 v7, v0  }
0x313: {  	[tilespmem:s29+$0x13A80] =	vst v5;
	v4 =	vadd.f32 v4, v0  }
0x314: {  	[tilespmem:s29+$0x13280] =	vst v7;
	v5 =	vld [tilespmem:s2+$0x6510]  }
0x315: {  	v7 =	vld [tilespmem:s1+$0x6510];
	[tilespmem:s29+$0x14280] =	vst v4  }
0x316: {  	v4 =	vld [tilespmem:s3+$0x6510]  }
0x317: {  	v6 =	vmul.f32 $5.656854150e+00, v6  }
0x318: {  	s14 =	rddreg [dreg:$0x1d]  }
0x319: {  	s16 =	sld [smem:$0x7EF];
	v6 =	vadd.f32 v6, v1;
	v5 =	vmul.f32 $5.656854150e+00, v5  }
0x31a: {  	s15 =	sld [smem:$0x7EE];
	s0 =	sor.u32 s14, s29;
	v7 =	vmul.f32 $5.656854150e+00, v7  }
0x31b: {  	s0 =	sor.u32 $0x4600, s0;
	[tilespmem:s29+$0x12A90] =	vst v6;
	v5 =	vadd.f32 v5, v1;
	v4 =	vmul.f32 $5.656854150e+00, v4  }
0x31c: {  	s2 =	sor.u32 s16, s29;
	v6 =	vld [tilespmem:s0+$0x6500];
	v7 =	vadd.f32 v7, v1  }
0x31d: {  	s17 =	spop (v2sf);
	s1 =	sor.u32 s15, s29;
	s2 =	sor.u32 $0x5600, s2;
	[tilespmem:s29+$0x13A90] =	vst v5;
	v4 =	vadd.f32 v4, v1  }
0x31e: {  	s1 =	sor.u32 $0x4E00, s1;
	s3 =	sor.u32 s17, s29;
	[tilespmem:s29+$0x13290] =	vst v7;
	v5 =	vld [tilespmem:s2+$0x6500]  }
0x31f: {  	s3 =	sor.u32 $0x5E00, s3;
	v7 =	vld [tilespmem:s1+$0x6500];
	[tilespmem:s29+$0x14290] =	vst v4  }
0x320: {  	v4 =	vld [tilespmem:s3+$0x6500]  }
0x321: {  	v6 =	vmul.f32 $5.656854150e+00, v6  }
0x322: {  	(v2sf) =	vpush v3, $0xD  }
0x323: {  	v6 =	vadd.f32 v6, v0;
	v5 =	vmul.f32 $5.656854150e+00, v5  }
0x324: {  	v7 =	vmul.f32 $5.656854150e+00, v7  }
0x325: {  	[tilespmem:s29+$0x12B00] =	vst v6;
	v5 =	vadd.f32 v5, v0;
	v4 =	vmul.f32 $5.656854150e+00, v4  }
0x326: {  	v6 =	vld [tilespmem:s0+$0x6510];
	v7 =	vadd.f32 v7, v0  }
0x327: {  	[tilespmem:s29+$0x13B00] =	vst v5;
	v4 =	vadd.f32 v4, v0  }
0x328: {  	[tilespmem:s29+$0x13300] =	vst v7;
	v5 =	vld [tilespmem:s2+$0x6510]  }
0x329: {  	v7 =	vld [tilespmem:s1+$0x6510];
	[tilespmem:s29+$0x14300] =	vst v4  }
0x32a: {  	v4 =	vld [tilespmem:s3+$0x6510]  }
0x32b: {  	v6 =	vmul.f32 $5.656854150e+00, v6  }
0x32c: {  	s18 =	rddreg [dreg:$0x17]  }
0x32d: {  	s20 =	sld [smem:$0x7F0];
	v6 =	vadd.f32 v6, v1;
	v5 =	vmul.f32 $5.656854150e+00, v5  }
0x32e: {  	s0 =	sor.u32 s18, s29;
	v7 =	vmul.f32 $5.656854150e+00, v7  }
0x32f: {  	s0 =	sor.u32 $0x4680, s0;
	[tilespmem:s29+$0x12B10] =	vst v6;
	v5 =	vadd.f32 v5, v1;
	v4 =	vmul.f32 $5.656854150e+00, v4  }
0x330: {  	s19 =	rddreg [dreg:$0x1c];
	s2 =	sor.u32 s20, s29;
	v6 =	vld [tilespmem:s0+$0x6500];
	v7 =	vadd.f32 v7, v1  }
0x331: {  	s21 =	spop (v2sf);
	s1 =	sor.u32 s19, s29;
	s2 =	sor.u32 $0x5680, s2;
	[tilespmem:s29+$0x13B10] =	vst v5;
	v4 =	vadd.f32 v4, v1  }
0x332: {  	s1 =	sor.u32 $0x4E80, s1;
	s3 =	sor.u32 s21, s29;
	[tilespmem:s29+$0x13310] =	vst v7;
	v5 =	vld [tilespmem:s2+$0x6500]  }
0x333: {  	s3 =	sor.u32 $0x5E80, s3;
	v7 =	vld [tilespmem:s1+$0x6500];
	[tilespmem:s29+$0x14310] =	vst v4  }
0x334: {  	v4 =	vld [tilespmem:s3+$0x6500]  }
0x335: {  	v6 =	vmul.f32 $5.656854150e+00, v6  }
0x336: {  	(v2sf) =	vpush v3, $0xE  }
0x337: {  	v6 =	vadd.f32 v6, v0;
	v5 =	vmul.f32 $5.656854150e+00, v5  }
0x338: {  	v7 =	vmul.f32 $5.656854150e+00, v7  }
0x339: {  	[tilespmem:s29+$0x12B80] =	vst v6;
	v5 =	vadd.f32 v5, v0;
	v4 =	vmul.f32 $5.656854150e+00, v4  }
0x33a: {  	v6 =	vld [tilespmem:s0+$0x6510];
	v7 =	vadd.f32 v7, v0  }
0x33b: {  	[tilespmem:s29+$0x13B80] =	vst v5;
	v4 =	vadd.f32 v4, v0  }
0x33c: {  	[tilespmem:s29+$0x13380] =	vst v7;
	v5 =	vld [tilespmem:s2+$0x6510]  }
0x33d: {  	v7 =	vld [tilespmem:s1+$0x6510];
	[tilespmem:s29+$0x14380] =	vst v4  }
0x33e: {  	v4 =	vld [tilespmem:s3+$0x6510]  }
0x33f: {  	v6 =	vmul.f32 $5.656854150e+00, v6;
	_ =	sdelay $0x1  }
0x340: {  	s22 =	rddreg [dreg:$0x11];
	v6 =	vadd.f32 v6, v1;
	v5 =	vmul.f32 $5.656854150e+00, v5  }
0x341: {  	s0 =	sor.u32 s22, s29;
	v7 =	vmul.f32 $5.656854150e+00, v7  }
0x342: {  	s24 =	rddreg [dreg:$0x1a];
	s0 =	sor.u32 $0x4700, s0;
	[tilespmem:s29+$0x12B90] =	vst v6;
	v5 =	vadd.f32 v5, v1;
	v4 =	vmul.f32 $5.656854150e+00, v4  }
0x343: {  	s23 =	rddreg [dreg:$0x16];
	s2 =	sor.u32 s24, s29;
	v6 =	vld [tilespmem:s0+$0x6500];
	v7 =	vadd.f32 v7, v1  }
0x344: {  	s25 =	spop (v2sf);
	s1 =	sor.u32 s23, s29;
	s2 =	sor.u32 $0x5700, s2;
	[tilespmem:s29+$0x13B90] =	vst v5;
	v4 =	vadd.f32 v4, v1  }
0x345: {  	s1 =	sor.u32 $0x4F00, s1;
	s3 =	sor.u32 s25, s29;
	[tilespmem:s29+$0x13390] =	vst v7;
	v5 =	vld [tilespmem:s2+$0x6500]  }
0x346: {  	s3 =	sor.u32 $0x5F00, s3;
	v7 =	vld [tilespmem:s1+$0x6500];
	[tilespmem:s29+$0x14390] =	vst v4  }
0x347: {  	v4 =	vld [tilespmem:s3+$0x6500]  }
0x348: {  	(v2sf) =	vpush v3, $0xF;
	v3 =	vmul.f32 $5.656854150e+00, v6;
	_ =	sdelay $0x1  }
0x349: {  	v3 =	vadd.f32 v3, v0;
	v5 =	vmul.f32 $5.656854150e+00, v5  }
0x34a: {  	v62 =	vmul.f32 $5.656854150e+00, v7  }
0x34b: {  	[tilespmem:s29+$0x12C00] =	vst v3;
	v3 =	vadd.f32 v5, v0;
	v4 =	vmul.f32 $5.656854150e+00, v4  }
0x34c: {  	v6 =	vadd.f32 v62, v0  }
0x34d: {  	v63 =	vld [tilespmem:s0+$0x6510];
	[tilespmem:s29+$0x13C00] =	vst v3;
	v4 =	vadd.f32 v4, v0  }
0x34e: {  	[tilespmem:s29+$0x13400] =	vst v6;
	v3 =	vld [tilespmem:s2+$0x6510]  }
0x34f: {  	v6 =	vld [tilespmem:s1+$0x6510];
	[tilespmem:s29+$0x14400] =	vst v4  }
0x350: {  	v4 =	vld [tilespmem:s3+$0x6510];
	_ =	sdelay $0x1  }
0x351: {  	v5 =	vmul.f32 $5.656854150e+00, v63  }
0x352: {  	v3 =	vmul.f32 $5.656854150e+00, v3  }
0x353: {  	s26 =	rddreg [dreg:$0xe];
	v5 =	vadd.f32 v5, v1;
	v6 =	vmul.f32 $5.656854150e+00, v6  }
0x354: {  	s30 =	rddreg [dreg:$0x14];
	s0 =	sor.u32 s26, s29;
	v3 =	vadd.f32 v3, v1;
	v4 =	vmul.f32 $5.656854150e+00, v4  }
0x355: {  	s28 =	rddreg [dreg:$0x10];
	s0 =	sor.u32 $0x4780, s0;
	s2 =	sor.u32 s30, s29;
	[tilespmem:s29+$0x12C10] =	vst v5;
	v6 =	vadd.f32 v6, v1  }
0x356: {  	s31 =	spop (v2sf);
	s1 =	sor.u32 s28, s29;
	s2 =	sor.u32 $0x5780, s2;
	v5 =	vld [tilespmem:s0+$0x6500];
	[tilespmem:s29+$0x13C10] =	vst v3;
	v4 =	vadd.f32 v4, v1  }
0x357: {  	s1 =	sor.u32 $0x4F80, s1;
	s3 =	sor.u32 s31, s29;
	[tilespmem:s29+$0x13410] =	vst v6;
	v3 =	vld [tilespmem:s2+$0x6500]  }
0x358: {  	s3 =	sor.u32 $0x5F80, s3;
	v6 =	vld [tilespmem:s1+$0x6500];
	[tilespmem:s29+$0x14410] =	vst v4  }
0x359: {  	v4 =	vld [tilespmem:s3+$0x6500];
	_ =	sdelay $0x1  }
0x35a: {  	v5 =	vmul.f32 $5.656854150e+00, v5  }
0x35b: {  	v3 =	vmul.f32 $5.656854150e+00, v3  }
0x35c: {  	v5 =	vadd.f32 v5, v0;
	v6 =	vmul.f32 $5.656854150e+00, v6  }
0x35d: {  	v3 =	vadd.f32 v3, v0;
	v4 =	vmul.f32 $5.656854150e+00, v4  }
0x35e: {  	[tilespmem:s29+$0x12C80] =	vst v5;
	v6 =	vadd.f32 v6, v0  }
0x35f: {  	v5 =	vld [tilespmem:s0+$0x6510];
	[tilespmem:s29+$0x13C80] =	vst v3;
	v4 =	vadd.f32 v4, v0  }
0x360: {  	[tilespmem:s29+$0x13480] =	vst v6;
	v3 =	vld [tilespmem:s2+$0x6510]  }
0x361: {  	v6 =	vld [tilespmem:s1+$0x6510];
	[tilespmem:s29+$0x14480] =	vst v4  }
0x362: {  	v4 =	vld [tilespmem:s3+$0x6510];
	_ =	sdelay $0x1  }
0x363: {  	v5 =	vmul.f32 $5.656854150e+00, v5  }
0x364: {  	v3 =	vmul.f32 $5.656854150e+00, v3  }
0x365: {  	p1 =	por p0, p0;
	v5 =	vadd.f32 v5, v1;
	v6 =	vmul.f32 $5.656854150e+00, v6  }
.Ltmp4:
0x366: {  	v3 =	vadd.f32 v3, v1;
	v4 =	vmul.f32 $5.656854150e+00, v4;
	(pc) =	sbr.rel @p1 .LBB2_9-.Ltmp4, $4  }
0x367: {  	[tilespmem:s29+$0x12C90] =	vst v5;
	v6 =	vadd.f32 v6, v1  }
0x368: {  	[tilespmem:s29+$0x13C90] =	vst v3;
	v4 =	vadd.f32 v4, v1  }
0x369: {  	[tilespmem:s29+$0x13490] =	vst v6  }
0x36a: {  	p0 =	por $0x0, $0x0;
	[tilespmem:s29+$0x14490] =	vst v4;
	s29 =	simm.s32 $0x4  }
0x36b: {  	s4 =	rddreg [dreg:$0xa]  }
0x36c: {  	s4 =	sadd.s32 $0x1, s4  }
0x36d: {  	s0 =	rddreg [dreg:$0xb];
	p0 =	sne.s32 s4, $0x64  }
.Ltmp5:
0x36e: {  	s1 =	rddreg [dreg:$0x7];
	s0 =	sshll.u32 s0, $0x13;
	(pc) =	sbr.rel @p0 .LBB2_2-.Ltmp5, $4  }
0x36f: {  	s0 =	sor.u32 s1, s0  }
0x370: {  	s30 =	rddreg [dreg:$0x5];
	s0 =	sshrl.u32 s0, $0x3  }
0x371: {  	s31 =	simm.s32 $0x0;
	s2 =	simm.s32 $0x12500;
	s0 =	sadd.s32 s30, s0  }
0x372: {  	[hbm4b:s0+s31] =	stream.linear.scatter [tilespmem:s2], [sflag:$0x4], $0x4000, $0x38;
	[tilespmem:$0x1C900] =	vst v63  }
0x373: {  	s0 =	simm.s32 $0x3  }
0x374: {  	_ =	swait.ge [sflag:s0], $0x4000  }
0x375: {  	[sflag:s0] =	ssyncset.done $0x0  }
0x376: {  	s1 =	simm.s32 $0x4;
	[sflag:s0] =	ssyncadd.s32 $0xFFFFC000  }
0x377: {  	_ =	swait.ge [sflag:s1], $0x4000  }
0x378: {  	s2 =	rddreg [dreg:$0x9]  }
0x379: {  	s31 =	rddreg [dreg:$0x8];
	s2 =	sadd.s32 $0x1, s2  }
0x37a: {  	p0 =	sne.s32 s2, s31  }
.Ltmp6:
0x37b: {  	_ = 	snop;
	(pc) =	sbr.rel @p0 .LBB2_1-.Ltmp6, $3  }
0x37c: {  	_ =	sdelay $0x1  }
0x37d: {  	[sflag:s1] =	ssyncset.done $0x0  }
0x37e: {  	[sflag:s1] =	ssyncadd.s32 $0xFFFFC000  }
0x37f: {  	_ =	sfence.sel $0x180000  }
0x380: {  	[bflag:$0x0] =	sbarrier.arrive $0xFFFF  }
0x381: {  	_ =	strace $0x90000047  }
0x382: {  	s0 =	stileid.u32;
	[bflag:$0x2] =	sbarrier.arrive $0xFFFF  }
0x383: {  	p0 =	sne.s32 s0, $0x0;
	s0 =	rddreg [dreg:$0x3]  }
0x384: {  	s0 =	sadd.s32 @!p0 $0x100000, s0  }
0x385: {  	[sflag:s0] =	ssyncadd.tile.s32 @!p0 $0x1;
	_ =	shalt  }
.Lfunc_end2:
_tile_overlayer_lowered:
.L_overlay_start_2:
0x386: {  	(tag) =	ssettag $0x2  }
0x387: {  	s0 =	rddreg [dreg:$0x0];
	s2 =	stileid.u32  }
0x388: {  	s1 =	rddreg [dreg:$0x1];
	p0 =	sne.s32 s2, $0x0  }
0x389: {  	s3 =	rddreg [dreg:$0x2];
	[bflag:$0x3] =	sbarrier.arrive $0xFFFF;
	s2 =	simm.s32 @!p0 $0x1C05  }
0x38a: {  	[timem:s3], [sflag:s2] =	dma.local @!p0 [hbm:s0], s1  }
0x38b: {  	s0 =	simm.s32 @!p0 $0x5  }
0x38c: {  	_ =	swait.ge @!p0 [sflag:s0], s1  }
0x38d: {  	s1 =	ssub.s32 @!p0 $0x0, s1;
	[sflag:s0] =	ssyncset.done @!p0 $0x0  }
0x38e: {  	[sflag:s0] =	ssyncadd.s32 @!p0 s1  }
0x38f: {  	[bflag:$0x3] =	sbarrier.arrive $0xFFFF  }
0x390: {  	_ =	shalt  }

// kernel: sparse-core-data-format-call.cloned.1.call-start
scs
called_computation_lowered:
.L_overlay_start_0:
0x0: {  	s2 =	sld [smem:$0x3FD9]  }
0x1: {  	s3 =	sld [smem:$0x3FFE];
	_ =	sdelay $0x1  }
0x2: {  	s1 =	srdreg.scid  }
0x3: {  	s0 =	sand.u32 $0x1, s1  }
0x4: {  	s18 =	sshll.u32 s0, $0xA;
	s2 =	sadd.s32 s3, s2  }
0x5: {  	s2 =	sadd.s32 s2, s18  }
0x6: {  	[smem:$0x3FC5] =	sst s2  }
0x7: {  	_ = 	snop  }
0x8: {  	s2 =	sld [smem:$0x3FD0];
	(tm) =	ssettm $0x1  }
0x9: {  	s19 =	sld [smem:$0x3FFB];
	_ =	sdelay $0x3  }
0xa: {  	_ =	strace s19  }
0xb: {  	s3 =	sld [smem:$0x3FFC];
	_ =	sdelay $0x3  }
0xc: {  	_ =	strace s3  }
0xd: {  	s3 =	sld [smem:$0x3FFD];
	_ =	sdelay $0x3  }
0xe: {  	_ =	strace s3  }
0xf: {  	_ =	strace $0x8FFFFFFF  }
0x10: {  	s20 =	sld [smem:$0x3FDB];
	_ =	sdelay $0x1  }
0x11: {  	s4 =	simm.s32 $_scs_section_size  }
0x12: {  	s5 =	simm.s32 $_size__tile_overlayer_lowered;
	s6 =	simm.s32 $_tile_overlayer_lowered  }
0x13: {  	s23 =	simm.s32 $0x1BFF;
	s22 =	sshll.u32 s6, $0x1;
	s3 =	sadd.s32 s4, s20  }
0x14: {  	s7 =	simm.s32 $0x0;
	s21 =	sshll.u32 s5, $0x1;
	s5 =	sadd.s32 s22, s3  }
0x15: {  	[timem:s7], [sflag:s23] =	dma.local [hbm:s5], s21  }
0x16: {  	_ =	swait.ge [sflag:s23], s21  }
0x17: {  	s4 =	ssub.s32 $0x0, s21;
	[sflag:s23] =	ssyncset.done $0x0  }
0x18: {  	[sflag:s23] =	ssyncadd.s32 s4;
	_ =	sdelay $0x1  }
0x19: {  	s24 =	simm.s32 $0x1B8B  }
0x1a: {  	_ =	swait.ge [sflag:s24], $0x1  }
0x1b: {  	[sflag:s24] =	ssyncset.done $0x0  }
0x1c: {  	s26 =	simm.s32 $0x1B8E;
	s25 =	sld [smem:$0x3FFE];
	[sflag:s24] =	ssyncadd.s32 $0xFFFFFFFF  }
0x1d: {  	s27 =	simm.s32 $execute0_lowered;
	[smem:$0x3FD2] =	sst s26  }
0x1e: {  	s5 =	sshll.u32 s27, $0x1;
	_ =	strace $0x80000049;
	[dreg:$0x1] =	wrdreg $0xFFFFFFFF  }
0x1f: {  	s28 =	simm.s32 $_size_execute0_lowered;
	s3 =	sadd.s32 s3, s5;
	[dreg:$0x0] =	wrdreg $0x0  }
0x20: {  	s5 =	sshll.u32 s28, $0x1;
	[dreg:$0x2] =	wrdreg s3  }
0x21: {  	[dreg:$0x3] =	wrdreg s5  }
0x22: {  	[dreg:$0x4] =	wrdreg $0xC0  }
0x23: {  	_ =	task [dreg:s7], $0x5FFFF  }
0x24: {  	[dreg:$0x1] =	wrdreg $0xFFFFFFFF  }
0x25: {  	[dreg:$0x0] =	wrdreg $0x60  }
0x26: {  	[dreg:$0x2] =	wrdreg s25  }
0x27: {  	[dreg:$0x3] =	wrdreg s2  }
0x28: {  	[dreg:$0x4] =	wrdreg $0x9  }
0x29: {  	_ =	task.clear_ibuf [dreg:s7], $0x5FFFF;
	_ =	strace $0x90000049  }
0x2a: {  	s29 =	simm.s32 $0x9;
	_ =	strace $0x8000004B  }
0x2b: {  	_ =	swait.ge [sflag:s29], $0x1  }
0x2c: {  	[sflag:s29] =	ssyncadd.s32 $0xFFFFFFFF  }
0x2d: {  	_ =	strace $0x9000004B  }
0x2e: {  	_ =	sfence  }
0x2f: {  	s30 =	sld [smem:$0x0];
	_ =	sdelay $0x2  }
0x30: {  	s31 =	sshll.u32 s1, $0xD;
	s1 =	sshrl.u32 s1, $0x2  }
0x31: {  	s3 =	sand.u32 $0x4000, s31;
	s1 =	sadd.s32 s1, s30  }
0x32: {  	s0 =	sor.u32 s3, s0;
	s1 =	sshll.u32 s1, $0x11  }
0x33: {  	s0 =	sor.u32 s1, s0  }
0x34: {  	s0 =	sadd.s32 $0x8F2B, s0  }
0x35: {  	[sflag:s0] =	ssyncadd.remote.s32 $0x1  }
0x36: {  	_ =	sfence.sel $0xFFFF  }
0x37: {  	[dreg:$0x0] =	wrdreg $0xFFFFFFFF;
	(pc) =	sbr.abs _section_cstart, $3  }
0x38: {  	[dreg:$0x1] =	wrdreg $0xFFFFFFFF  }
0x39: {  	_ =	task.clear_ibuf [dreg:s7], $0x2FFFF;
	_ =	strace $0x9FFFFFFF  }
0x3a: {  	(tm) =	ssettm $0x7FFFFFFF  }
0x3b: {  	_ =	shalt  }
tec
execute0_lowered:
.L_overlay_start_1:
0x0: {  	(tag) =	ssettag $0x1  }
0x1: {  	s0 =	srdreg.scid;
	s5 =	rddreg [dreg:$0x0]  }
0x2: {  	s2 =	rddreg [dreg:$0x1];
	s1 =	sshll.u32 s0, $0x4  }
0x3: {  	s9 =	simm.s32 $0x2;
	s0 =	stileid.u32;
	s1 =	sand.u32 $0x10, s1  }
0x4: {  	s15 =	simm.s32 $0x0;
	s11 =	simm.s32 $0x400;
	s4 =	sor.u32 s0, s1  }
0x5: {  	s12 =	simm.s32 $0x8000;
	s16 =	simm.s32 $0x0;
	s3 =	sshll.u32 s4, $0x7  }
0x6: {  	s13 =	simm.s32 $0x0;
	s1 =	rddreg [dreg:$0x2];
	s6 =	ssub.s32 $0x1000, s3  }
0x7: {  	_ =	strace $0x8000004A;
	s8 =	sshll.u32 s4, $0xB;
	s7 =	sand.u32 $0xF80, s6  }
0x8: {  	s4 =	simm.s32 $0x1;
	p0 =	sne.s32 s7, $0x0;
	s7 =	simm.s32 $0x1  }
.Ltmp0:
0x9: {  	s6 =	sshrl.u32 s6, $0xC;
	s7 =	simm.s32 @!p0 $0x0;
	(pc) =	sbr.rel .LBB1_1-.Ltmp0, $4  }
0xa: {  	s14 =	simm.s32 $0x0;
	[sflag:s4] =	ssyncpa.u1 $0x0;
	s6 =	sadd.s32 s7, s6  }
0xb: {  	s10 =	sadd.s32 s8, s5;
	[sflag:s9] =	ssyncpa.u1 $0x0;
	s5 =	smul.u32 $0x32, s6  }
0xc: {  	s8 =	sadd.s32 $0x20A00, s10;
	s9 =	sadd.s32 $0x30A00, s10;
	p0 =	por $0x0, $0x0  }
0xd: {  	s7 =	sadd.s32 $0x10A00, s10;
	s6 =	sadd.s32 $0xA00, s10;
	s10 =	sor.u32 $0x1, s5  }
.LBB1_7:
0xe: {  	s17 =	sadd.s32 $0x4, s13  }
0xf: {  	p2 =	sgt.s32 s17, $0xC7  }
0x10: {  	s17 =	simm.s32 @p2 $0x0;
	p2 =	sne.s32 s14, s10  }
.Ltmp1:
0x11: {  	p1 =	slt.u32 s14, $0x2;
	(pc) =	sbr.rel @!p2 .LBB1_8-.Ltmp1, $4  }
0x12: {  	s15 =	simm.s32 @!p1 $0x2  }
0x13: {  	s18 =	sadd.s32 $0x1, s14;
	s16 =	smov.u32 s13;
	_ =	swait.ge @!p1 [sflag:s15], $0x4000  }
0x14: {  	p0 =	por !p0, !p0;
	s14 =	smov.u32 s18;
	[sflag:s15] =	ssyncset.done @!p1 $0x0  }
0x15: {  	s13 =	smov.u32 s17;
	[sflag:s15] =	ssyncadd.s32 @!p1 $0xFFFFC000;
	s15 =	smov.u32 s3  }
.LBB1_1:
0x16: {  	p1 =	sge.u32 s14, s5  }
0x17: {  	s17 =	sxor.u32 @!p1 $0xFFFFFFFF, s14  }
0x18: {  	s18 =	sshll.u32 @!p1 s13, $0x10;
	s20 =	simm.s32 @!p1 $0x20;
	s17 =	sshll.u32 @!p1 s17, $0xE  }
0x19: {  	s21 =	simm.s32 @!p1 $0x80;
	s19 =	sadd.s32 @!p1 s18, s6;
	s17 =	sand.u32 @!p1 $0x4000, s17  }
0x1a: {  	[tilespmem:s17], [sflag:$0x1] =	stream.strided.gather @!p1 [hbm4b:s19+s20], $0x1000, s21, s20, $0x38;
	[tilespmem:$0x10100] =	vst v63  }
0x1b: {  	s19 =	sadd.s32 @!p1 s18, s7;
	s22 =	sor.u32 @!p1 $0x1000, s17  }
0x1c: {  	[tilespmem:s22], [sflag:$0x1] =	stream.strided.gather @!p1 [hbm4b:s19+s20], $0x1000, s21, s20, $0x38;
	[tilespmem:$0x10100] =	vst v63  }
0x1d: {  	s19 =	sadd.s32 @!p1 s18, s8;
	s22 =	sor.u32 @!p1 $0x2000, s17  }
0x1e: {  	[tilespmem:s22], [sflag:$0x1] =	stream.strided.gather @!p1 [hbm4b:s19+s20], $0x1000, s21, s20, $0x38;
	[tilespmem:$0x10100] =	vst v63  }
0x1f: {  	s31 =	sadd.s32 $0xFFFFFFFF, s14;
	s18 =	sadd.s32 @!p1 s18, s9;
	s17 =	sor.u32 @!p1 $0x3000, s17  }
0x20: {  	[tilespmem:s17], [sflag:$0x1] =	stream.strided.gather @!p1 [hbm4b:s18+s20], $0x1000, s21, s20, $0x38;
	[tilespmem:$0x10100] =	vst v63  }
0x21: {  	p1 =	sge.u32 s31, s5  }
.Ltmp2:
0x22: {  	_ = 	snop;
	(pc) =	sbr.rel @p1 .LBB1_7-.Ltmp2, $1  }
0x23: {  	_ =	sdelay $0x3  }
0x24: {  	s18 =	simm.s32 $0x1;
	s19 =	sand.u32 $0x1, s14  }
0x25: {  	_ =	swait.ge [sflag:s4], $0x4000;
	s18 =	simm.s32 @!p0 $0x0;
	s20 =	smul.u32 $0x10200, s19  }
0x26: {  	[sflag:s4] =	ssyncset.done $0x0;
	s17 =	smul.u32 $0x10200, s18  }
0x27: {  	s18 =	sshll.u32 s18, $0xE;
	[sflag:s4] =	ssyncadd.s32 $0xFFFFC000  }
0x28: {  	s19 =	sor.u32 $0x10, s18;
	s31 =	sshrl.u32 s20, $0x2;
	s17 =	sshrl.u32 s17, $0x2  }
0x29: {  	s20 =	simm.s32 $0x0;
	s18 =	sor.u32 $0x8000, s31;
	s17 =	sor.u32 $0x8000, s17  }
.LBB1_3:
0x2a: {  	v1 =	vld [tilespmem:s19+$0x0]  }
0x2b: {  	v0 =	vld [tilespmem:s19+$0xFFFFFFF0];
	_ =	sdelay $0x2  }
0x2c: {  	s23 =	sadd.s32 $0x0, s17  }
0x2d: {  	s21 =	simm.s32 $0x4;
	s22 =	sadd.s32 $0x20, s19;
	[tilespmem:s23+$0x810 ss:$0x81] =	vst.msk $0xffff, v1  }
.LBB1_4:
0x2e: {  	v1 =	vld [tilespmem:s22+$0x0];
	p1 =	sne.s32 s21, $0x1FC;
	[tilespmem:s23+$0x0 ss:$0x81] =	vst.msk $0xffff, v0;
	s23 =	smov.u32 s21;
	s21 =	sadd.s32 $0x4, s21  }
.Ltmp3:
0x2f: {  	v0 =	vld [tilespmem:s22+$0xFFFFFFF0];
	(pc) =	sbr.rel @p1 .LBB1_4-.Ltmp3, $4  }
0x30: {  	_ = 	snop  }
0x31: {  	s23 =	sshra.s32 s23, $0x2  }
0x32: {  	s23 =	sadd.s32 s23, s17  }
0x33: {  	s22 =	sadd.s32 $0x20, s22;
	[tilespmem:s23+$0x810 ss:$0x81] =	vst.msk $0xffff, v1  }
0x34: {  	s20 =	sadd.s32 $0x1, s20  }
0x35: {  	p1 =	sne.s32 s20, $0x4  }
.Ltmp4:
0x36: {  	_ = 	snop;
	(pc) =	sbr.rel @p1 .LBB1_3-.Ltmp4, $2  }
0x37: {  	_ =	sdelay $0x2  }
0x38: {  	[tilespmem:s23+$0x0 ss:$0x81] =	vst.msk $0xffff, v0;
	s17 =	sadd.s32 $0x1020, s17;
	s19 =	sadd.s32 $0x1000, s19  }
.Ltmp5:
0x39: {  	(pc) =	sbr.rel .LBB1_7-.Ltmp5, $4  }
0x3a: {  	s16 =	sshll.u32 s16, $0xE  }
0x3b: {  	s16 =	sadd.s32 s2, s16  }
0x3c: {  	s15 =	sadd.s32 s15, s16  }
0x3d: {  	[hbm4b:s15+s11] =	stream.strided.scatter [tilespmem:s18], [sflag:$0x2], $0x4000, s12, s11, $0x20;
	[tilespmem:$0x10100] =	vst v63  }
.LBB1_8:
0x3e: {  	_ =	sfence.sel $0x180000  }
0x3f: {  	s2 =	simm.s32 $0x1;
	[bflag:$0x0] =	sbarrier.arrive $0xFFFF  }
0x40: {  	s31 =	simm.s32 $0x2;
	[sflag:s2] =	ssyncpa.u1 $0x1  }
0x41: {  	[sflag:s31] =	ssyncpa.u1 $0x1  }
0x42: {  	p0 =	sne.s32 s0, $0x0;
	_ =	strace $0x9000004A  }
0x43: {  	s0 =	sadd.s32 @!p0 $0x100000, s1;
	[bflag:$0x2] =	sbarrier.arrive $0xFFFF  }
0x44: {  	[sflag:s0] =	ssyncadd.tile.s32 @!p0 $0x1;
	_ =	shalt  }
.Lfunc_end1:
_tile_overlayer_lowered:
.L_overlay_start_2:
0x45: {  	(tag) =	ssettag $0x2  }
0x46: {  	s0 =	rddreg [dreg:$0x0];
	s2 =	stileid.u32  }
0x47: {  	s1 =	rddreg [dreg:$0x1];
	p0 =	sne.s32 s2, $0x0  }
0x48: {  	s3 =	rddreg [dreg:$0x2];
	[bflag:$0x3] =	sbarrier.arrive $0xFFFF;
	s2 =	simm.s32 @!p0 $0x1C01  }
0x49: {  	[timem:s3], [sflag:s2] =	dma.local @!p0 [hbm:s0], s1  }
0x4a: {  	s0 =	simm.s32 @!p0 $0x1  }
0x4b: {  	_ =	swait.ge @!p0 [sflag:s0], s1  }
0x4c: {  	s1 =	ssub.s32 @!p0 $0x0, s1;
	[sflag:s0] =	ssyncset.done @!p0 $0x0  }
0x4d: {  	[sflag:s0] =	ssyncadd.s32 @!p0 s1  }
0x4e: {  	[bflag:$0x3] =	sbarrier.arrive $0xFFFF  }
0x4f: {  	_ =	shalt  }

</sc_bundles>
